<compile_context>
chip_gen: v7x
topology: tpu7x:2x2x1
jax: 0.10.2.dev20260603
libtpu: 0.0.44.dev20260713+nightly
codegen_flags: <defaults>
</compile_context>

<pallas_src>
import functools

import jax
import jax.numpy as jnp
from jax import lax
from jax.experimental import pallas as pl
from jax.experimental.pallas import tpu as pltpu
from jax.experimental.pallas import tpu_sc as plsc

N_NODES = 10000
N_EDGES = 320000
NC = 2
NS = 16
NW = NC * NS
EPW = N_EDGES // NW
K = 128
KH = K // 2
NWIN = EPW // K
KT = EPW - NWIN * K


def _mm_body(a_ref, b_ref, o_ref):
    o_ref[...] = jnp.dot(a_ref[...], b_ref[...],
                         preferred_element_type=jnp.float32,
                         precision=lax.Precision.HIGHEST)


def _matmul(a, b):
    return pl.pallas_call(
        _mm_body,
        out_shape=jax.ShapeDtypeStruct((a.shape[0], b.shape[1]), jnp.float32),
    )(a, b)


def _mm_combine_body(p_ref, w_ref, o_ref):
    h = p_ref[0] + p_ref[1]
    o_ref[...] = jnp.dot(h, w_ref[...],
                         preferred_element_type=jnp.float32,
                         precision=lax.Precision.HIGHEST)


def _matmul_combine(p, w):
    return pl.pallas_call(
        _mm_combine_body,
        out_shape=jax.ShapeDtypeStruct((p.shape[1], w.shape[1]), jnp.float32),
    )(p, w)


def _add_body(p_ref, o_ref):
    o_ref[...] = p_ref[0] + p_ref[1]


def _add_partials(p):
    return pl.pallas_call(
        _add_body,
        out_shape=jax.ShapeDtypeStruct(p.shape[1:], jnp.float32),
    )(p)


def _sc_aggregate(h, src2, dst2):
    n, d = h.shape
    rows_per_tile = (n // NS) // 8 * 8 + 8
    mesh = plsc.VectorSubcoreMesh(core_axis_name="c", subcore_axis_name="s")

    @functools.partial(
        pl.kernel,
        out_type=jax.ShapeDtypeStruct((NC, n, d), jnp.float32),
        mesh=mesh,
        scratch_types=(
            [pltpu.VMEM_SHARED((n, d), jnp.float32)]
            + [pltpu.VMEM((K,), jnp.int32)] * 4
            + [pltpu.VMEM((KT,), jnp.int32)] * 2
            + [pltpu.VMEM((K, d), jnp.float32)] * 2
            + [pltpu.SemaphoreType.DMA] * 10
        ),
    )
    def agg(h_hbm, src_hbm, dst_hbm, z_hbm, out_hbm, acc,
            sv0, sv1, dv0, dv1, svt, dvt, rb0, rb1,
            f0, f1, e0, e1, g0, g1, h0, h1, t0, t1):
        srcv = (sv0, sv1)
        dstv = (dv0, dv1)
        rows = (rb0, rb1)
        fs = (f0, f1)
        es = (e0, e1)
        gs = (g0, g1)
        hs = (h0, h1)
        ss = (t0, t1)
        c = lax.axis_index("c")
        s = lax.axis_index("s")
        wid = c * NS + s

        def src_slice(w):
            return src_hbm.at[wid, pl.ds(pl.multiple_of(w * K, K), K)]

        def dst_slice(w):
            return dst_hbm.at[wid, pl.ds(pl.multiple_of(w * K, K), K)]

        def gather_start(j):
            pltpu.async_copy(h_hbm.at[srcv[j].at[pl.ds(0, KH)]],
                             rows[j].at[pl.ds(0, KH)], gs[j])
            pltpu.async_copy(h_hbm.at[srcv[j].at[pl.ds(KH, KH)]],
                             rows[j].at[pl.ds(KH, KH)], hs[j])

        def gather_wait(j):
            pltpu.make_async_copy(h_hbm.at[srcv[j].at[pl.ds(0, KH)]],
                                  rows[j].at[pl.ds(0, KH)], gs[j]).wait()
            pltpu.make_async_copy(h_hbm.at[srcv[j].at[pl.ds(KH, KH)]],
                                  rows[j].at[pl.ds(KH, KH)], hs[j]).wait()

        def scatter_wait(j):
            pltpu.make_async_copy(rows[j], acc.at[dstv[j]], ss[j]).wait()

        def visit(w, j, first=False, last=False):
            j2 = 1 - j
            gather_wait(j)
            if not last:
                pltpu.async_copy(src_slice(w + 2), srcv[j], fs[j])
            pltpu.make_async_copy(dst_slice(w), dstv[j], es[j]).wait()
            pltpu.async_copy(rows[j], acc.at[dstv[j]], ss[j], add=True)
            if not last:
                pltpu.make_async_copy(src_slice(w + 1), srcv[j2], fs[j2]).wait()
                if not first:
                    scatter_wait(j2)
                pltpu.async_copy(dst_slice(w + 1), dstv[j2], es[j2])
                gather_start(j2)

        pltpu.sync_copy(src_slice(0), srcv[0])
        pltpu.async_copy(dst_slice(0), dstv[0], es[0])
        gather_start(0)
        pltpu.async_copy(src_slice(1), srcv[1], fs[1])
        r0 = pl.multiple_of(s * (n // NS) // 8 * 8, 8)
        pltpu.sync_copy(z_hbm.at[pl.ds(r0, rows_per_tile)],
                        acc.at[pl.ds(r0, rows_per_tile)])
        plsc.subcore_barrier()

        visit(0, 0, first=True)

        @pl.loop(1, NWIN - 3, step=2)
        def _(w):
            visit(w, 1)
            visit(w + 1, 0)

        visit(NWIN - 3, 1)
        visit(NWIN - 2, 0, last=True)
        pltpu.make_async_copy(src_slice(NWIN - 1), srcv[1], fs[1]).wait()
        scatter_wait(1)
        pltpu.async_copy(dst_slice(NWIN - 1), dstv[1], es[1])
        gather_start(1)
        gather_wait(1)
        pltpu.make_async_copy(dst_slice(NWIN - 1), dstv[1], es[1]).wait()
        pltpu.async_copy(rows[1], acc.at[dstv[1]], ss[1], add=True)
        scatter_wait(0)
        scatter_wait(1)

        toff = pl.multiple_of(NWIN * K, 8)
        pltpu.sync_copy(src_hbm.at[wid, pl.ds(toff, KT)], svt)
        pltpu.sync_copy(dst_hbm.at[wid, pl.ds(toff, KT)], dvt)
        pltpu.sync_copy(h_hbm.at[svt], rows[0].at[pl.ds(0, KT)])
        pltpu.sync_copy(rows[0].at[pl.ds(0, KT)], acc.at[dvt], add=True)

        plsc.subcore_barrier()
        pltpu.sync_copy(acc.at[pl.ds(r0, rows_per_tile)],
                        out_hbm.at[c, pl.ds(r0, rows_per_tile)])

    zeros = jnp.zeros((n, d), jnp.float32)
    return agg(h, src2, dst2, zeros)


def kernel(x, edge_index, W1, W2):
    ei = edge_index.astype(jnp.int32)
    src2 = ei[0].reshape(NW, EPW)
    dst2 = ei[1].reshape(NW, EPW)

    w12 = _matmul(W1, W2)
    p1 = _sc_aggregate(x, src2, dst2)
    t1 = _add_partials(p1)
    p2 = _sc_aggregate(t1, src2, dst2)
    return _matmul_combine(p2, w12)

# --- scband reference (transcript-rebuilt; emitter-appended) ---
"""Pipeline reference for scband-gcn-18176301596999 (READ-ONLY COPY).

The authoritative reference and input builder live on the scoring server;
editing this copy changes nothing except your own understanding.
"""

import jax, jax.numpy as jnp
import numpy as np

N_NODES = 10000
N_EDGES = 320000
IN_FEATS = 128
N_HIDDEN = 128
N_CLASSES = 40


def setup_inputs(seed: int = 0) -> dict:
    key = jax.random.key(seed)
    k1, k2, k3, k4 = jax.random.split(key, 4)
    x = jax.random.normal(k1, (N_NODES, IN_FEATS), dtype=jnp.float32)
    edge_index = jax.random.randint(k2, (2, N_EDGES), 0, N_NODES, dtype=jnp.int64)
    # GraphConv weights (no bias, norm='none'), glorot-like init
    W1 = jax.random.normal(k3, (IN_FEATS, N_HIDDEN), dtype=jnp.float32) * (1.0 / np.sqrt(IN_FEATS))
    W2 = jax.random.normal(k4, (N_HIDDEN, N_CLASSES), dtype=jnp.float32) * (1.0 / np.sqrt(N_HIDDEN))
    return {"x": x, "edge_index": edge_index, "W1": W1, "W2": W2}


def _graph_conv(h, src, dst, W, n_nodes):
    # DGL GraphConv with norm='none', bias=False: h_dst = sum_{(src->dst)} (h_src @ W)
    # (weight-then-aggregate; mathematically identical to aggregate-then-weight for sum)
    h = h @ W
    msgs = jnp.take(h, src, axis=0)            # gather source features per edge
    out = jax.ops.segment_sum(msgs, dst, num_segments=n_nodes)  # scatter-add to dst
    return out


def reference(x, edge_index, W1, W2):
    src = edge_index[0]
    dst = edge_index[1]
    # Layer 1 (block 0) and Layer 2 (block 1); same graph used for both blocks.
    # Note: the original forward applies layers only (activation/dropout unused in forward).
    h = _graph_conv(x, src, dst, W1, N_NODES)
    h = _graph_conv(h, src, dst, W2, N_NODES)
    return h

if __name__ == "__main__":
    import jax
    _d = setup_inputs()
    print(jax.jit(kernel)(*tuple(_d.values())))

</pallas_src>

<mosaic_0001>
#map = affine_map<(d0, d1) -> (0, 0)>
#map1 = affine_map<(d0, d1) -> (0, 0, 0)>
module attributes {stable_mosaic.version = 14 : i64} {
  func.func @agg(%arg0: i32, %arg1: i32, %arg2: memref<10000x128xf32, #tpu.memory_space<hbm>>, %arg3: memref<32x10000xi32, #tpu.memory_space<hbm>>, %arg4: memref<32x10000xi32, #tpu.memory_space<hbm>>, %arg5: memref<10000x128xf32, #tpu.memory_space<hbm>>, %arg6: memref<2x10000x128xf32, #tpu.memory_space<hbm>>, %arg7: memref<10000x128xf32, #tpu.memory_space<vmem_shared>>, %arg8: memref<128xi32, #tpu.memory_space<vmem>>, %arg9: memref<128xi32, #tpu.memory_space<vmem>>, %arg10: memref<128xi32, #tpu.memory_space<vmem>>, %arg11: memref<128xi32, #tpu.memory_space<vmem>>, %arg12: memref<16xi32, #tpu.memory_space<vmem>>, %arg13: memref<16xi32, #tpu.memory_space<vmem>>, %arg14: memref<128x128xf32, #tpu.memory_space<vmem>>, %arg15: memref<128x128xf32, #tpu.memory_space<vmem>>, %arg16: memref<!tpu.dma_semaphore, #tpu.memory_space<semaphore_mem>>, %arg17: memref<!tpu.dma_semaphore, #tpu.memory_space<semaphore_mem>>, %arg18: memref<!tpu.dma_semaphore, #tpu.memory_space<semaphore_mem>>, %arg19: memref<!tpu.dma_semaphore, #tpu.memory_space<semaphore_mem>>, %arg20: memref<!tpu.dma_semaphore, #tpu.memory_space<semaphore_mem>>, %arg21: memref<!tpu.dma_semaphore, #tpu.memory_space<semaphore_mem>>, %arg22: memref<!tpu.dma_semaphore, #tpu.memory_space<semaphore_mem>>, %arg23: memref<!tpu.dma_semaphore, #tpu.memory_space<semaphore_mem>>, %arg24: memref<!tpu.dma_semaphore, #tpu.memory_space<semaphore_mem>>, %arg25: memref<!tpu.dma_semaphore, #tpu.memory_space<semaphore_mem>>) attributes {dimension_semantics = [#tpu.dimension_semantics<core_parallel>, #tpu.dimension_semantics<subcore_parallel>], iteration_bounds = array<i64: 2, 16>, scalar_prefetch = 0 : i64, scratch_operands = 19 : i64, tpu.core_type = #tpu.core_type<sc_vector_subcore>, window_params = [{transform_indices = #map}, {transform_indices = #map}, {transform_indices = #map}, {transform_indices = #map}, {transform_indices = #map1}]} {
    %mul3A = arith.constant 16 : i32
    %mul3A_0 = arith.muli %arg0, %mul3A : i32
    %add3A = arith.addi %mul3A_0, %arg1 : i32
    %multiple_of3A = arith.constant 0 : i32
    %multiple_of3A_1 = tpu.assume_multiple %multiple_of3A, 128 : i32
    "tpu.region"() ({
      %run_scoped3A = tpu.sem_alloc : memref<!tpu.dma_semaphore, #tpu.memory_space<semaphore_mem>>
      %dma_start3A_264 = tpu.memref_slice %arg3[%add3A, %multiple_of3A_1] : memref<32x10000xi32, #tpu.memory_space<hbm>> -> memref<1x128xi32, #tpu.memory_space<hbm>>
      %dma_start3A_265 = tpu.memref_squeeze %dma_start3A_264 : memref<1x128xi32, #tpu.memory_space<hbm>> -> memref<128xi32, #tpu.memory_space<hbm>>
      %dma_start3A_266 = tpu.memref_slice %arg3[%add3A, %multiple_of3A_1] : memref<32x10000xi32, #tpu.memory_space<hbm>> -> memref<1x128xi32, #tpu.memory_space<hbm>>
      %dma_start3A_267 = tpu.memref_squeeze %dma_start3A_266 : memref<1x128xi32, #tpu.memory_space<hbm>> -> memref<128xi32, #tpu.memory_space<hbm>>
      tpu.enqueue_dma source(%dma_start3A_267 : memref<128xi32, #tpu.memory_space<hbm>>) target(%arg8 : memref<128xi32, #tpu.memory_space<vmem>>) target_semaphore(%run_scoped3A : memref<!tpu.dma_semaphore, #tpu.memory_space<semaphore_mem>>)
      %dma_wait3A_268 = tpu.memref_slice %arg3[%add3A, %multiple_of3A_1] : memref<32x10000xi32, #tpu.memory_space<hbm>> -> memref<1x128xi32, #tpu.memory_space<hbm>>
      %dma_wait3A_269 = tpu.memref_squeeze %dma_wait3A_268 : memref<1x128xi32, #tpu.memory_space<hbm>> -> memref<128xi32, #tpu.memory_space<hbm>>
      %dma_wait3A_270 = tpu.memref_slice %arg3[%add3A, %multiple_of3A_1] : memref<32x10000xi32, #tpu.memory_space<hbm>> -> memref<1x128xi32, #tpu.memory_space<hbm>>
      %dma_wait3A_271 = tpu.memref_squeeze %dma_wait3A_270 : memref<1x128xi32, #tpu.memory_space<hbm>> -> memref<128xi32, #tpu.memory_space<hbm>>
      tpu.wait_dma2 semaphore(%run_scoped3A : memref<!tpu.dma_semaphore, #tpu.memory_space<semaphore_mem>>) src(%dma_wait3A_271 : memref<128xi32, #tpu.memory_space<hbm>>) dst(%arg8 : memref<128xi32, #tpu.memory_space<vmem>>)
      tpu.yield
    }) : () -> ()
    %multiple_of3A_2 = arith.constant 0 : i32
    %multiple_of3A_3 = tpu.assume_multiple %multiple_of3A_2, 128 : i32
    %dma_start3A = tpu.memref_slice %arg4[%add3A, %multiple_of3A_3] : memref<32x10000xi32, #tpu.memory_space<hbm>> -> memref<1x128xi32, #tpu.memory_space<hbm>>
    %dma_start3A_4 = tpu.memref_squeeze %dma_start3A : memref<1x128xi32, #tpu.memory_space<hbm>> -> memref<128xi32, #tpu.memory_space<hbm>>
    %dma_start3A_5 = tpu.memref_slice %arg4[%add3A, %multiple_of3A_3] : memref<32x10000xi32, #tpu.memory_space<hbm>> -> memref<1x128xi32, #tpu.memory_space<hbm>>
    %dma_start3A_6 = tpu.memref_squeeze %dma_start3A_5 : memref<1x128xi32, #tpu.memory_space<hbm>> -> memref<128xi32, #tpu.memory_space<hbm>>
    tpu.enqueue_dma source(%dma_start3A_6 : memref<128xi32, #tpu.memory_space<hbm>>) target(%arg10 : memref<128xi32, #tpu.memory_space<vmem>>) target_semaphore(%arg18 : memref<!tpu.dma_semaphore, #tpu.memory_space<semaphore_mem>>)
    %dma_start3A_7 = arith.constant 0 : i32
    %dma_start3A_8 = arith.constant 0 : i32
    %dma_start3A_9 = tpu.memref_slice %arg14[%dma_start3A_7, %dma_start3A_8] : memref<128x128xf32, #tpu.memory_space<vmem>> -> memref<64x128xf32, #tpu.memory_space<vmem>>
    %dma_start3A_10 = arith.constant 0 : i32
    %dma_start3A_11 = tpu.memref_slice %arg8[%dma_start3A_10] : memref<128xi32, #tpu.memory_space<vmem>> -> memref<64xi32, #tpu.memory_space<vmem>>
    %dma_start3A_12 = arith.constant 0 : i32
    %dma_start3A_13 = arith.constant 0 : i32
    %dma_start3A_14 = tpu.memref_slice %arg2[%dma_start3A_12, %dma_start3A_13] : memref<10000x128xf32, #tpu.memory_space<hbm>> -> memref<10000x128xf32, #tpu.memory_space<hbm>>
    tpu.enqueue_indirect_dma source(%dma_start3A_14 : memref<10000x128xf32, #tpu.memory_space<hbm>>) target(%dma_start3A_9 : memref<64x128xf32, #tpu.memory_space<vmem>>) offsets(%dma_start3A_11 : memref<64xi32, #tpu.memory_space<vmem>>) semaphore(%arg20 : memref<!tpu.dma_semaphore, #tpu.memory_space<semaphore_mem>>)
    %dma_start3A_15 = arith.constant 64 : i32
    %dma_start3A_16 = arith.constant 0 : i32
    %dma_start3A_17 = tpu.memref_slice %arg14[%dma_start3A_15, %dma_start3A_16] : memref<128x128xf32, #tpu.memory_space<vmem>> -> memref<64x128xf32, #tpu.memory_space<vmem>>
    %dma_start3A_18 = arith.constant 64 : i32
    %dma_start3A_19 = tpu.memref_slice %arg8[%dma_start3A_18] : memref<128xi32, #tpu.memory_space<vmem>> -> memref<64xi32, #tpu.memory_space<vmem>>
    %dma_start3A_20 = arith.constant 0 : i32
    %dma_start3A_21 = arith.constant 0 : i32
    %dma_start3A_22 = tpu.memref_slice %arg2[%dma_start3A_20, %dma_start3A_21] : memref<10000x128xf32, #tpu.memory_space<hbm>> -> memref<10000x128xf32, #tpu.memory_space<hbm>>
    tpu.enqueue_indirect_dma source(%dma_start3A_22 : memref<10000x128xf32, #tpu.memory_space<hbm>>) target(%dma_start3A_17 : memref<64x128xf32, #tpu.memory_space<vmem>>) offsets(%dma_start3A_19 : memref<64xi32, #tpu.memory_space<vmem>>) semaphore(%arg22 : memref<!tpu.dma_semaphore, #tpu.memory_space<semaphore_mem>>)
    %multiple_of3A_23 = arith.constant 128 : i32
    %multiple_of3A_24 = tpu.assume_multiple %multiple_of3A_23, 128 : i32
    %dma_start3A_25 = tpu.memref_slice %arg3[%add3A, %multiple_of3A_24] : memref<32x10000xi32, #tpu.memory_space<hbm>> -> memref<1x128xi32, #tpu.memory_space<hbm>>
    %dma_start3A_26 = tpu.memref_squeeze %dma_start3A_25 : memref<1x128xi32, #tpu.memory_space<hbm>> -> memref<128xi32, #tpu.memory_space<hbm>>
    %dma_start3A_27 = tpu.memref_slice %arg3[%add3A, %multiple_of3A_24] : memref<32x10000xi32, #tpu.memory_space<hbm>> -> memref<1x128xi32, #tpu.memory_space<hbm>>
    %dma_start3A_28 = tpu.memref_squeeze %dma_start3A_27 : memref<1x128xi32, #tpu.memory_space<hbm>> -> memref<128xi32, #tpu.memory_space<hbm>>
    tpu.enqueue_dma source(%dma_start3A_28 : memref<128xi32, #tpu.memory_space<hbm>>) target(%arg9 : memref<128xi32, #tpu.memory_space<vmem>>) target_semaphore(%arg17 : memref<!tpu.dma_semaphore, #tpu.memory_space<semaphore_mem>>)
    %mul3A_29 = arith.constant 625 : i32
    %mul3A_30 = arith.muli %arg1, %mul3A_29 : i32
    %jit3A = arith.constant 8 : i32
    %div3A = arith.divsi %mul3A_30, %jit3A : i32
    %sign3A = arith.constant 0 : i32
    %sign3A_31 = arith.cmpi sgt, %mul3A_30, %sign3A : i32
    %sign3A_32 = arith.extui %sign3A_31 : i1 to i32
    %sign3A_33 = arith.constant 0 : i32
    %sign3A_34 = arith.cmpi slt, %mul3A_30, %sign3A_33 : i32
    %sign3A_35 = arith.extui %sign3A_34 : i1 to i32
    %sign3A_36 = arith.subi %sign3A_32, %sign3A_35 : i32
    %sign3A_37 = arith.constant 0 : i32
    %sign3A_38 = arith.cmpi sgt, %jit3A, %sign3A_37 : i32
    %sign3A_39 = arith.extui %sign3A_38 : i1 to i32
    %sign3A_40 = arith.constant 0 : i32
    %sign3A_41 = arith.cmpi slt, %jit3A, %sign3A_40 : i32
    %sign3A_42 = arith.extui %sign3A_41 : i1 to i32
    %sign3A_43 = arith.subi %sign3A_39, %sign3A_42 : i32
    %ne3A = arith.cmpi ne, %sign3A_36, %sign3A_43 : i32
    %rem3A = arith.remsi %mul3A_30, %jit3A : i32
    %ne3A_44 = arith.constant 0 : i32
    %ne3A_45 = arith.cmpi ne, %rem3A, %ne3A_44 : i32
    %and3A = arith.andi %ne3A, %ne3A_45 : i1
    %sub3A = arith.constant 1 : i32
    %sub3A_46 = arith.subi %div3A, %sub3A : i32
    %select_n3A = arith.select %and3A, %sub3A_46, %div3A : i32
    %mul3A_47 = arith.constant 8 : i32
    %mul3A_48 = arith.muli %select_n3A, %mul3A_47 : i32
    %multiple_of3A_49 = tpu.assume_multiple %mul3A_48, 8 : i32
    "tpu.region"() ({
      %run_scoped3A = tpu.sem_alloc : memref<!tpu.dma_semaphore, #tpu.memory_space<semaphore_mem>>
      %dma_start3A_264 = arith.constant 0 : i32
      %dma_start3A_265 = tpu.memref_slice %arg7[%multiple_of3A_49, %dma_start3A_264] : memref<10000x128xf32, #tpu.memory_space<vmem_shared>> -> memref<632x128xf32, #tpu.memory_space<vmem_shared>>
      %dma_start3A_266 = arith.constant 0 : i32
      %dma_start3A_267 = tpu.memref_slice %arg5[%multiple_of3A_49, %dma_start3A_266] : memref<10000x128xf32, #tpu.memory_space<hbm>> -> memref<632x128xf32, #tpu.memory_space<hbm>>
      tpu.enqueue_dma source(%dma_start3A_267 : memref<632x128xf32, #tpu.memory_space<hbm>>) target(%dma_start3A_265 : memref<632x128xf32, #tpu.memory_space<vmem_shared>>) target_semaphore(%run_scoped3A : memref<!tpu.dma_semaphore, #tpu.memory_space<semaphore_mem>>)
      %dma_wait3A_268 = arith.constant 0 : i32
      %dma_wait3A_269 = tpu.memref_slice %arg7[%multiple_of3A_49, %dma_wait3A_268] : memref<10000x128xf32, #tpu.memory_space<vmem_shared>> -> memref<632x128xf32, #tpu.memory_space<vmem_shared>>
      %dma_wait3A_270 = arith.constant 0 : i32
      %dma_wait3A_271 = tpu.memref_slice %arg5[%multiple_of3A_49, %dma_wait3A_270] : memref<10000x128xf32, #tpu.memory_space<hbm>> -> memref<632x128xf32, #tpu.memory_space<hbm>>
      tpu.wait_dma2 semaphore(%run_scoped3A : memref<!tpu.dma_semaphore, #tpu.memory_space<semaphore_mem>>) src(%dma_wait3A_271 : memref<632x128xf32, #tpu.memory_space<hbm>>) dst(%dma_wait3A_269 : memref<632x128xf32, #tpu.memory_space<vmem_shared>>)
      tpu.yield
    }) : () -> ()
    %barrier3A = arith.constant 0 : index
    tpu.barrier barrier_id(%barrier3A)
    %dma_wait3A = arith.constant 0 : i32
    %dma_wait3A_50 = arith.constant 0 : i32
    %dma_wait3A_51 = tpu.memref_slice %arg14[%dma_wait3A, %dma_wait3A_50] : memref<128x128xf32, #tpu.memory_space<vmem>> -> memref<64x128xf32, #tpu.memory_space<vmem>>
    %dma_wait3A_52 = arith.constant 0 : i32
    %dma_wait3A_53 = tpu.memref_slice %arg8[%dma_wait3A_52] : memref<128xi32, #tpu.memory_space<vmem>> -> memref<64xi32, #tpu.memory_space<vmem>>
    %dma_wait3A_54 = arith.constant 0 : i32
    %dma_wait3A_55 = arith.constant 0 : i32
    %dma_wait3A_56 = tpu.memref_slice %arg2[%dma_wait3A_54, %dma_wait3A_55] : memref<10000x128xf32, #tpu.memory_space<hbm>> -> memref<10000x128xf32, #tpu.memory_space<hbm>>
    tpu.wait_indirect_dma semaphore(%arg20 : memref<!tpu.dma_semaphore, #tpu.memory_space<semaphore_mem>>) src(%dma_wait3A_56 : memref<10000x128xf32, #tpu.memory_space<hbm>>) dst(%dma_wait3A_51 : memref<64x128xf32, #tpu.memory_space<vmem>>)
    %dma_wait3A_57 = arith.constant 64 : i32
    %dma_wait3A_58 = arith.constant 0 : i32
    %dma_wait3A_59 = tpu.memref_slice %arg14[%dma_wait3A_57, %dma_wait3A_58] : memref<128x128xf32, #tpu.memory_space<vmem>> -> memref<64x128xf32, #tpu.memory_space<vmem>>
    %dma_wait3A_60 = arith.constant 64 : i32
    %dma_wait3A_61 = tpu.memref_slice %arg8[%dma_wait3A_60] : memref<128xi32, #tpu.memory_space<vmem>> -> memref<64xi32, #tpu.memory_space<vmem>>
    %dma_wait3A_62 = arith.constant 0 : i32
    %dma_wait3A_63 = arith.constant 0 : i32
    %dma_wait3A_64 = tpu.memref_slice %arg2[%dma_wait3A_62, %dma_wait3A_63] : memref<10000x128xf32, #tpu.memory_space<hbm>> -> memref<10000x128xf32, #tpu.memory_space<hbm>>
    tpu.wait_indirect_dma semaphore(%arg22 : memref<!tpu.dma_semaphore, #tpu.memory_space<semaphore_mem>>) src(%dma_wait3A_64 : memref<10000x128xf32, #tpu.memory_space<hbm>>) dst(%dma_wait3A_59 : memref<64x128xf32, #tpu.memory_space<vmem>>)
    %multiple_of3A_65 = arith.constant 256 : i32
    %multiple_of3A_66 = tpu.assume_multiple %multiple_of3A_65, 128 : i32
    %dma_start3A_67 = tpu.memref_slice %arg3[%add3A, %multiple_of3A_66] : memref<32x10000xi32, #tpu.memory_space<hbm>> -> memref<1x128xi32, #tpu.memory_space<hbm>>
    %dma_start3A_68 = tpu.memref_squeeze %dma_start3A_67 : memref<1x128xi32, #tpu.memory_space<hbm>> -> memref<128xi32, #tpu.memory_space<hbm>>
    %dma_start3A_69 = tpu.memref_slice %arg3[%add3A, %multiple_of3A_66] : memref<32x10000xi32, #tpu.memory_space<hbm>> -> memref<1x128xi32, #tpu.memory_space<hbm>>
    %dma_start3A_70 = tpu.memref_squeeze %dma_start3A_69 : memref<1x128xi32, #tpu.memory_space<hbm>> -> memref<128xi32, #tpu.memory_space<hbm>>
    tpu.enqueue_dma source(%dma_start3A_70 : memref<128xi32, #tpu.memory_space<hbm>>) target(%arg8 : memref<128xi32, #tpu.memory_space<vmem>>) target_semaphore(%arg16 : memref<!tpu.dma_semaphore, #tpu.memory_space<semaphore_mem>>)
    %multiple_of3A_71 = arith.constant 0 : i32
    %multiple_of3A_72 = tpu.assume_multiple %multiple_of3A_71, 128 : i32
    %dma_wait3A_73 = tpu.memref_slice %arg4[%add3A, %multiple_of3A_72] : memref<32x10000xi32, #tpu.memory_space<hbm>> -> memref<1x128xi32, #tpu.memory_space<hbm>>
    %dma_wait3A_74 = tpu.memref_squeeze %dma_wait3A_73 : memref<1x128xi32, #tpu.memory_space<hbm>> -> memref<128xi32, #tpu.memory_space<hbm>>
    %dma_wait3A_75 = tpu.memref_slice %arg4[%add3A, %multiple_of3A_72] : memref<32x10000xi32, #tpu.memory_space<hbm>> -> memref<1x128xi32, #tpu.memory_space<hbm>>
    %dma_wait3A_76 = tpu.memref_squeeze %dma_wait3A_75 : memref<1x128xi32, #tpu.memory_space<hbm>> -> memref<128xi32, #tpu.memory_space<hbm>>
    tpu.wait_dma2 semaphore(%arg18 : memref<!tpu.dma_semaphore, #tpu.memory_space<semaphore_mem>>) src(%dma_wait3A_76 : memref<128xi32, #tpu.memory_space<hbm>>) dst(%arg10 : memref<128xi32, #tpu.memory_space<vmem>>)
    %dma_start3A_77 = arith.constant 0 : i32
    %dma_start3A_78 = arith.constant 0 : i32
    %dma_start3A_79 = tpu.memref_slice %arg7[%dma_start3A_77, %dma_start3A_78] : memref<10000x128xf32, #tpu.memory_space<vmem_shared>> -> memref<10000x128xf32, #tpu.memory_space<vmem_shared>>
    tpu.enqueue_indirect_dma source(%arg14 : memref<128x128xf32, #tpu.memory_space<vmem>>) target(%dma_start3A_79 : memref<10000x128xf32, #tpu.memory_space<vmem_shared>>) offsets(%arg10 : memref<128xi32, #tpu.memory_space<vmem>>) semaphore(%arg24 : memref<!tpu.dma_semaphore, #tpu.memory_space<semaphore_mem>>) {add = true}
    %multiple_of3A_80 = arith.constant 128 : i32
    %multiple_of3A_81 = tpu.assume_multiple %multiple_of3A_80, 128 : i32
    %dma_wait3A_82 = tpu.memref_slice %arg3[%add3A, %multiple_of3A_81] : memref<32x10000xi32, #tpu.memory_space<hbm>> -> memref<1x128xi32, #tpu.memory_space<hbm>>
    %dma_wait3A_83 = tpu.memref_squeeze %dma_wait3A_82 : memref<1x128xi32, #tpu.memory_space<hbm>> -> memref<128xi32, #tpu.memory_space<hbm>>
    %dma_wait3A_84 = tpu.memref_slice %arg3[%add3A, %multiple_of3A_81] : memref<32x10000xi32, #tpu.memory_space<hbm>> -> memref<1x128xi32, #tpu.memory_space<hbm>>
    %dma_wait3A_85 = tpu.memref_squeeze %dma_wait3A_84 : memref<1x128xi32, #tpu.memory_space<hbm>> -> memref<128xi32, #tpu.memory_space<hbm>>
    tpu.wait_dma2 semaphore(%arg17 : memref<!tpu.dma_semaphore, #tpu.memory_space<semaphore_mem>>) src(%dma_wait3A_85 : memref<128xi32, #tpu.memory_space<hbm>>) dst(%arg9 : memref<128xi32, #tpu.memory_space<vmem>>)
    %multiple_of3A_86 = arith.constant 128 : i32
    %multiple_of3A_87 = tpu.assume_multiple %multiple_of3A_86, 128 : i32
    %dma_start3A_88 = tpu.memref_slice %arg4[%add3A, %multiple_of3A_87] : memref<32x10000xi32, #tpu.memory_space<hbm>> -> memref<1x128xi32, #tpu.memory_space<hbm>>
    %dma_start3A_89 = tpu.memref_squeeze %dma_start3A_88 : memref<1x128xi32, #tpu.memory_space<hbm>> -> memref<128xi32, #tpu.memory_space<hbm>>
    %dma_start3A_90 = tpu.memref_slice %arg4[%add3A, %multiple_of3A_87] : memref<32x10000xi32, #tpu.memory_space<hbm>> -> memref<1x128xi32, #tpu.memory_space<hbm>>
    %dma_start3A_91 = tpu.memref_squeeze %dma_start3A_90 : memref<1x128xi32, #tpu.memory_space<hbm>> -> memref<128xi32, #tpu.memory_space<hbm>>
    tpu.enqueue_dma source(%dma_start3A_91 : memref<128xi32, #tpu.memory_space<hbm>>) target(%arg11 : memref<128xi32, #tpu.memory_space<vmem>>) target_semaphore(%arg19 : memref<!tpu.dma_semaphore, #tpu.memory_space<semaphore_mem>>)
    %dma_start3A_92 = arith.constant 0 : i32
    %dma_start3A_93 = arith.constant 0 : i32
    %dma_start3A_94 = tpu.memref_slice %arg15[%dma_start3A_92, %dma_start3A_93] : memref<128x128xf32, #tpu.memory_space<vmem>> -> memref<64x128xf32, #tpu.memory_space<vmem>>
    %dma_start3A_95 = arith.constant 0 : i32
    %dma_start3A_96 = tpu.memref_slice %arg9[%dma_start3A_95] : memref<128xi32, #tpu.memory_space<vmem>> -> memref<64xi32, #tpu.memory_space<vmem>>
    %dma_start3A_97 = arith.constant 0 : i32
    %dma_start3A_98 = arith.constant 0 : i32
    %dma_start3A_99 = tpu.memref_slice %arg2[%dma_start3A_97, %dma_start3A_98] : memref<10000x128xf32, #tpu.memory_space<hbm>> -> memref<10000x128xf32, #tpu.memory_space<hbm>>
    tpu.enqueue_indirect_dma source(%dma_start3A_99 : memref<10000x128xf32, #tpu.memory_space<hbm>>) target(%dma_start3A_94 : memref<64x128xf32, #tpu.memory_space<vmem>>) offsets(%dma_start3A_96 : memref<64xi32, #tpu.memory_space<vmem>>) semaphore(%arg21 : memref<!tpu.dma_semaphore, #tpu.memory_space<semaphore_mem>>)
    %dma_start3A_100 = arith.constant 64 : i32
    %dma_start3A_101 = arith.constant 0 : i32
    %dma_start3A_102 = tpu.memref_slice %arg15[%dma_start3A_100, %dma_start3A_101] : memref<128x128xf32, #tpu.memory_space<vmem>> -> memref<64x128xf32, #tpu.memory_space<vmem>>
    %dma_start3A_103 = arith.constant 64 : i32
    %dma_start3A_104 = tpu.memref_slice %arg9[%dma_start3A_103] : memref<128xi32, #tpu.memory_space<vmem>> -> memref<64xi32, #tpu.memory_space<vmem>>
    %dma_start3A_105 = arith.constant 0 : i32
    %dma_start3A_106 = arith.constant 0 : i32
    %dma_start3A_107 = tpu.memref_slice %arg2[%dma_start3A_105, %dma_start3A_106] : memref<10000x128xf32, #tpu.memory_space<hbm>> -> memref<10000x128xf32, #tpu.memory_space<hbm>>
    tpu.enqueue_indirect_dma source(%dma_start3A_107 : memref<10000x128xf32, #tpu.memory_space<hbm>>) target(%dma_start3A_102 : memref<64x128xf32, #tpu.memory_space<vmem>>) offsets(%dma_start3A_104 : memref<64xi32, #tpu.memory_space<vmem>>) semaphore(%arg23 : memref<!tpu.dma_semaphore, #tpu.memory_space<semaphore_mem>>)
    %scan3A = arith.constant 0 : i32
    %scan3A_108 = arith.constant 37 : i32
    %scan3A_109 = arith.addi %scan3A, %scan3A_108 : i32
    %scan3A_110 = arith.constant 1 : i32
    scf.for %scan3A_264 = %scan3A to %scan3A_109 step %scan3A_110  : i32 {
      %mul3A_265 = arith.constant 2 : i32
      %mul3A_266 = arith.muli %scan3A_264, %mul3A_265 : i32
      %add3A_267 = arith.constant 1 : i32
      %add3A_268 = arith.addi %add3A_267, %mul3A_266 : i32
      %dma_wait3A_269 = arith.constant 0 : i32
      %dma_wait3A_270 = arith.constant 0 : i32
      %dma_wait3A_271 = tpu.memref_slice %arg15[%dma_wait3A_269, %dma_wait3A_270] : memref<128x128xf32, #tpu.memory_space<vmem>> -> memref<64x128xf32, #tpu.memory_space<vmem>>
      %dma_wait3A_272 = arith.constant 0 : i32
      %dma_wait3A_273 = tpu.memref_slice %arg9[%dma_wait3A_272] : memref<128xi32, #tpu.memory_space<vmem>> -> memref<64xi32, #tpu.memory_space<vmem>>
      %dma_wait3A_274 = arith.constant 0 : i32
      %dma_wait3A_275 = arith.constant 0 : i32
      %dma_wait3A_276 = tpu.memref_slice %arg2[%dma_wait3A_274, %dma_wait3A_275] : memref<10000x128xf32, #tpu.memory_space<hbm>> -> memref<10000x128xf32, #tpu.memory_space<hbm>>
      tpu.wait_indirect_dma semaphore(%arg21 : memref<!tpu.dma_semaphore, #tpu.memory_space<semaphore_mem>>) src(%dma_wait3A_276 : memref<10000x128xf32, #tpu.memory_space<hbm>>) dst(%dma_wait3A_271 : memref<64x128xf32, #tpu.memory_space<vmem>>)
      %dma_wait3A_277 = arith.constant 64 : i32
      %dma_wait3A_278 = arith.constant 0 : i32
      %dma_wait3A_279 = tpu.memref_slice %arg15[%dma_wait3A_277, %dma_wait3A_278] : memref<128x128xf32, #tpu.memory_space<vmem>> -> memref<64x128xf32, #tpu.memory_space<vmem>>
      %dma_wait3A_280 = arith.constant 64 : i32
      %dma_wait3A_281 = tpu.memref_slice %arg9[%dma_wait3A_280] : memref<128xi32, #tpu.memory_space<vmem>> -> memref<64xi32, #tpu.memory_space<vmem>>
      %dma_wait3A_282 = arith.constant 0 : i32
      %dma_wait3A_283 = arith.constant 0 : i32
      %dma_wait3A_284 = tpu.memref_slice %arg2[%dma_wait3A_282, %dma_wait3A_283] : memref<10000x128xf32, #tpu.memory_space<hbm>> -> memref<10000x128xf32, #tpu.memory_space<hbm>>
      tpu.wait_indirect_dma semaphore(%arg23 : memref<!tpu.dma_semaphore, #tpu.memory_space<semaphore_mem>>) src(%dma_wait3A_284 : memref<10000x128xf32, #tpu.memory_space<hbm>>) dst(%dma_wait3A_279 : memref<64x128xf32, #tpu.memory_space<vmem>>)
      %add3A_285 = arith.constant 2 : i32
      %add3A_286 = arith.addi %add3A_268, %add3A_285 : i32
      %mul3A_287 = arith.constant 128 : i32
      %mul3A_288 = arith.muli %add3A_286, %mul3A_287 : i32
      %multiple_of3A_289 = tpu.assume_multiple %mul3A_288, 128 : i32
      %dma_start3A_290 = tpu.memref_slice %arg3[%add3A, %multiple_of3A_289] : memref<32x10000xi32, #tpu.memory_space<hbm>> -> memref<1x128xi32, #tpu.memory_space<hbm>>
      %dma_start3A_291 = tpu.memref_squeeze %dma_start3A_290 : memref<1x128xi32, #tpu.memory_space<hbm>> -> memref<128xi32, #tpu.memory_space<hbm>>
      %dma_start3A_292 = tpu.memref_slice %arg3[%add3A, %multiple_of3A_289] : memref<32x10000xi32, #tpu.memory_space<hbm>> -> memref<1x128xi32, #tpu.memory_space<hbm>>
      %dma_start3A_293 = tpu.memref_squeeze %dma_start3A_292 : memref<1x128xi32, #tpu.memory_space<hbm>> -> memref<128xi32, #tpu.memory_space<hbm>>
      tpu.enqueue_dma source(%dma_start3A_293 : memref<128xi32, #tpu.memory_space<hbm>>) target(%arg9 : memref<128xi32, #tpu.memory_space<vmem>>) target_semaphore(%arg17 : memref<!tpu.dma_semaphore, #tpu.memory_space<semaphore_mem>>)
      %mul3A_294 = arith.constant 128 : i32
      %mul3A_295 = arith.muli %add3A_268, %mul3A_294 : i32
      %multiple_of3A_296 = tpu.assume_multiple %mul3A_295, 128 : i32
      %dma_wait3A_297 = tpu.memref_slice %arg4[%add3A, %multiple_of3A_296] : memref<32x10000xi32, #tpu.memory_space<hbm>> -> memref<1x128xi32, #tpu.memory_space<hbm>>
      %dma_wait3A_298 = tpu.memref_squeeze %dma_wait3A_297 : memref<1x128xi32, #tpu.memory_space<hbm>> -> memref<128xi32, #tpu.memory_space<hbm>>
      %dma_wait3A_299 = tpu.memref_slice %arg4[%add3A, %multiple_of3A_296] : memref<32x10000xi32, #tpu.memory_space<hbm>> -> memref<1x128xi32, #tpu.memory_space<hbm>>
      %dma_wait3A_300 = tpu.memref_squeeze %dma_wait3A_299 : memref<1x128xi32, #tpu.memory_space<hbm>> -> memref<128xi32, #tpu.memory_space<hbm>>
      tpu.wait_dma2 semaphore(%arg19 : memref<!tpu.dma_semaphore, #tpu.memory_space<semaphore_mem>>) src(%dma_wait3A_300 : memref<128xi32, #tpu.memory_space<hbm>>) dst(%arg11 : memref<128xi32, #tpu.memory_space<vmem>>)
      %dma_start3A_301 = arith.constant 0 : i32
      %dma_start3A_302 = arith.constant 0 : i32
      %dma_start3A_303 = tpu.memref_slice %arg7[%dma_start3A_301, %dma_start3A_302] : memref<10000x128xf32, #tpu.memory_space<vmem_shared>> -> memref<10000x128xf32, #tpu.memory_space<vmem_shared>>
      tpu.enqueue_indirect_dma source(%arg15 : memref<128x128xf32, #tpu.memory_space<vmem>>) target(%dma_start3A_303 : memref<10000x128xf32, #tpu.memory_space<vmem_shared>>) offsets(%arg11 : memref<128xi32, #tpu.memory_space<vmem>>) semaphore(%arg25 : memref<!tpu.dma_semaphore, #tpu.memory_space<semaphore_mem>>) {add = true}
      %add3A_304 = arith.constant 1 : i32
      %add3A_305 = arith.addi %add3A_268, %add3A_304 : i32
      %mul3A_306 = arith.constant 128 : i32
      %mul3A_307 = arith.muli %add3A_305, %mul3A_306 : i32
      %multiple_of3A_308 = tpu.assume_multiple %mul3A_307, 128 : i32
      %dma_wait3A_309 = tpu.memref_slice %arg3[%add3A, %multiple_of3A_308] : memref<32x10000xi32, #tpu.memory_space<hbm>> -> memref<1x128xi32, #tpu.memory_space<hbm>>
      %dma_wait3A_310 = tpu.memref_squeeze %dma_wait3A_309 : memref<1x128xi32, #tpu.memory_space<hbm>> -> memref<128xi32, #tpu.memory_space<hbm>>
      %dma_wait3A_311 = tpu.memref_slice %arg3[%add3A, %multiple_of3A_308] : memref<32x10000xi32, #tpu.memory_space<hbm>> -> memref<1x128xi32, #tpu.memory_space<hbm>>
      %dma_wait3A_312 = tpu.memref_squeeze %dma_wait3A_311 : memref<1x128xi32, #tpu.memory_space<hbm>> -> memref<128xi32, #tpu.memory_space<hbm>>
      tpu.wait_dma2 semaphore(%arg16 : memref<!tpu.dma_semaphore, #tpu.memory_space<semaphore_mem>>) src(%dma_wait3A_312 : memref<128xi32, #tpu.memory_space<hbm>>) dst(%arg8 : memref<128xi32, #tpu.memory_space<vmem>>)
      %dma_wait3A_313 = arith.constant 0 : i32
      %dma_wait3A_314 = arith.constant 0 : i32
      %dma_wait3A_315 = tpu.memref_slice %arg7[%dma_wait3A_313, %dma_wait3A_314] : memref<10000x128xf32, #tpu.memory_space<vmem_shared>> -> memref<10000x128xf32, #tpu.memory_space<vmem_shared>>
      tpu.wait_indirect_dma semaphore(%arg24 : memref<!tpu.dma_semaphore, #tpu.memory_space<semaphore_mem>>) src(%arg14 : memref<128x128xf32, #tpu.memory_space<vmem>>) dst(%dma_wait3A_315 : memref<10000x128xf32, #tpu.memory_space<vmem_shared>>)
      %add3A_316 = arith.constant 1 : i32
      %add3A_317 = arith.addi %add3A_268, %add3A_316 : i32
      %mul3A_318 = arith.constant 128 : i32
      %mul3A_319 = arith.muli %add3A_317, %mul3A_318 : i32
      %multiple_of3A_320 = tpu.assume_multiple %mul3A_319, 128 : i32
      %dma_start3A_321 = tpu.memref_slice %arg4[%add3A, %multiple_of3A_320] : memref<32x10000xi32, #tpu.memory_space<hbm>> -> memref<1x128xi32, #tpu.memory_space<hbm>>
      %dma_start3A_322 = tpu.memref_squeeze %dma_start3A_321 : memref<1x128xi32, #tpu.memory_space<hbm>> -> memref<128xi32, #tpu.memory_space<hbm>>
      %dma_start3A_323 = tpu.memref_slice %arg4[%add3A, %multiple_of3A_320] : memref<32x10000xi32, #tpu.memory_space<hbm>> -> memref<1x128xi32, #tpu.memory_space<hbm>>
      %dma_start3A_324 = tpu.memref_squeeze %dma_start3A_323 : memref<1x128xi32, #tpu.memory_space<hbm>> -> memref<128xi32, #tpu.memory_space<hbm>>
      tpu.enqueue_dma source(%dma_start3A_324 : memref<128xi32, #tpu.memory_space<hbm>>) target(%arg10 : memref<128xi32, #tpu.memory_space<vmem>>) target_semaphore(%arg18 : memref<!tpu.dma_semaphore, #tpu.memory_space<semaphore_mem>>)
      %dma_start3A_325 = arith.constant 0 : i32
      %dma_start3A_326 = arith.constant 0 : i32
      %dma_start3A_327 = tpu.memref_slice %arg14[%dma_start3A_325, %dma_start3A_326] : memref<128x128xf32, #tpu.memory_space<vmem>> -> memref<64x128xf32, #tpu.memory_space<vmem>>
      %dma_start3A_328 = arith.constant 0 : i32
      %dma_start3A_329 = tpu.memref_slice %arg8[%dma_start3A_328] : memref<128xi32, #tpu.memory_space<vmem>> -> memref<64xi32, #tpu.memory_space<vmem>>
      %dma_start3A_330 = arith.constant 0 : i32
      %dma_start3A_331 = arith.constant 0 : i32
      %dma_start3A_332 = tpu.memref_slice %arg2[%dma_start3A_330, %dma_start3A_331] : memref<10000x128xf32, #tpu.memory_space<hbm>> -> memref<10000x128xf32, #tpu.memory_space<hbm>>
      tpu.enqueue_indirect_dma source(%dma_start3A_332 : memref<10000x128xf32, #tpu.memory_space<hbm>>) target(%dma_start3A_327 : memref<64x128xf32, #tpu.memory_space<vmem>>) offsets(%dma_start3A_329 : memref<64xi32, #tpu.memory_space<vmem>>) semaphore(%arg20 : memref<!tpu.dma_semaphore, #tpu.memory_space<semaphore_mem>>)
      %dma_start3A_333 = arith.constant 64 : i32
      %dma_start3A_334 = arith.constant 0 : i32
      %dma_start3A_335 = tpu.memref_slice %arg14[%dma_start3A_333, %dma_start3A_334] : memref<128x128xf32, #tpu.memory_space<vmem>> -> memref<64x128xf32, #tpu.memory_space<vmem>>
      %dma_start3A_336 = arith.constant 64 : i32
      %dma_start3A_337 = tpu.memref_slice %arg8[%dma_start3A_336] : memref<128xi32, #tpu.memory_space<vmem>> -> memref<64xi32, #tpu.memory_space<vmem>>
      %dma_start3A_338 = arith.constant 0 : i32
      %dma_start3A_339 = arith.constant 0 : i32
      %dma_start3A_340 = tpu.memref_slice %arg2[%dma_start3A_338, %dma_start3A_339] : memref<10000x128xf32, #tpu.memory_space<hbm>> -> memref<10000x128xf32, #tpu.memory_space<hbm>>
      tpu.enqueue_indirect_dma source(%dma_start3A_340 : memref<10000x128xf32, #tpu.memory_space<hbm>>) target(%dma_start3A_335 : memref<64x128xf32, #tpu.memory_space<vmem>>) offsets(%dma_start3A_337 : memref<64xi32, #tpu.memory_space<vmem>>) semaphore(%arg22 : memref<!tpu.dma_semaphore, #tpu.memory_space<semaphore_mem>>)
      %add3A_341 = arith.constant 1 : i32
      %add3A_342 = arith.addi %add3A_268, %add3A_341 : i32
      %dma_wait3A_343 = arith.constant 0 : i32
      %dma_wait3A_344 = arith.constant 0 : i32
      %dma_wait3A_345 = tpu.memref_slice %arg14[%dma_wait3A_343, %dma_wait3A_344] : memref<128x128xf32, #tpu.memory_space<vmem>> -> memref<64x128xf32, #tpu.memory_space<vmem>>
      %dma_wait3A_346 = arith.constant 0 : i32
      %dma_wait3A_347 = tpu.memref_slice %arg8[%dma_wait3A_346] : memref<128xi32, #tpu.memory_space<vmem>> -> memref<64xi32, #tpu.memory_space<vmem>>
      %dma_wait3A_348 = arith.constant 0 : i32
      %dma_wait3A_349 = arith.constant 0 : i32
      %dma_wait3A_350 = tpu.memref_slice %arg2[%dma_wait3A_348, %dma_wait3A_349] : memref<10000x128xf32, #tpu.memory_space<hbm>> -> memref<10000x128xf32, #tpu.memory_space<hbm>>
      tpu.wait_indirect_dma semaphore(%arg20 : memref<!tpu.dma_semaphore, #tpu.memory_space<semaphore_mem>>) src(%dma_wait3A_350 : memref<10000x128xf32, #tpu.memory_space<hbm>>) dst(%dma_wait3A_345 : memref<64x128xf32, #tpu.memory_space<vmem>>)
      %dma_wait3A_351 = arith.constant 64 : i32
      %dma_wait3A_352 = arith.constant 0 : i32
      %dma_wait3A_353 = tpu.memref_slice %arg14[%dma_wait3A_351, %dma_wait3A_352] : memref<128x128xf32, #tpu.memory_space<vmem>> -> memref<64x128xf32, #tpu.memory_space<vmem>>
      %dma_wait3A_354 = arith.constant 64 : i32
      %dma_wait3A_355 = tpu.memref_slice %arg8[%dma_wait3A_354] : memref<128xi32, #tpu.memory_space<vmem>> -> memref<64xi32, #tpu.memory_space<vmem>>
      %dma_wait3A_356 = arith.constant 0 : i32
      %dma_wait3A_357 = arith.constant 0 : i32
      %dma_wait3A_358 = tpu.memref_slice %arg2[%dma_wait3A_356, %dma_wait3A_357] : memref<10000x128xf32, #tpu.memory_space<hbm>> -> memref<10000x128xf32, #tpu.memory_space<hbm>>
      tpu.wait_indirect_dma semaphore(%arg22 : memref<!tpu.dma_semaphore, #tpu.memory_space<semaphore_mem>>) src(%dma_wait3A_358 : memref<10000x128xf32, #tpu.memory_space<hbm>>) dst(%dma_wait3A_353 : memref<64x128xf32, #tpu.memory_space<vmem>>)
      %add3A_359 = arith.constant 2 : i32
      %add3A_360 = arith.addi %add3A_342, %add3A_359 : i32
      %mul3A_361 = arith.constant 128 : i32
      %mul3A_362 = arith.muli %add3A_360, %mul3A_361 : i32
      %multiple_of3A_363 = tpu.assume_multiple %mul3A_362, 128 : i32
      %dma_start3A_364 = tpu.memref_slice %arg3[%add3A, %multiple_of3A_363] : memref<32x10000xi32, #tpu.memory_space<hbm>> -> memref<1x128xi32, #tpu.memory_space<hbm>>
      %dma_start3A_365 = tpu.memref_squeeze %dma_start3A_364 : memref<1x128xi32, #tpu.memory_space<hbm>> -> memref<128xi32, #tpu.memory_space<hbm>>
      %dma_start3A_366 = tpu.memref_slice %arg3[%add3A, %multiple_of3A_363] : memref<32x10000xi32, #tpu.memory_space<hbm>> -> memref<1x128xi32, #tpu.memory_space<hbm>>
      %dma_start3A_367 = tpu.memref_squeeze %dma_start3A_366 : memref<1x128xi32, #tpu.memory_space<hbm>> -> memref<128xi32, #tpu.memory_space<hbm>>
      tpu.enqueue_dma source(%dma_start3A_367 : memref<128xi32, #tpu.memory_space<hbm>>) target(%arg8 : memref<128xi32, #tpu.memory_space<vmem>>) target_semaphore(%arg16 : memref<!tpu.dma_semaphore, #tpu.memory_space<semaphore_mem>>)
      %mul3A_368 = arith.constant 128 : i32
      %mul3A_369 = arith.muli %add3A_342, %mul3A_368 : i32
      %multiple_of3A_370 = tpu.assume_multiple %mul3A_369, 128 : i32
      %dma_wait3A_371 = tpu.memref_slice %arg4[%add3A, %multiple_of3A_370] : memref<32x10000xi32, #tpu.memory_space<hbm>> -> memref<1x128xi32, #tpu.memory_space<hbm>>
      %dma_wait3A_372 = tpu.memref_squeeze %dma_wait3A_371 : memref<1x128xi32, #tpu.memory_space<hbm>> -> memref<128xi32, #tpu.memory_space<hbm>>
      %dma_wait3A_373 = tpu.memref_slice %arg4[%add3A, %multiple_of3A_370] : memref<32x10000xi32, #tpu.memory_space<hbm>> -> memref<1x128xi32, #tpu.memory_space<hbm>>
      %dma_wait3A_374 = tpu.memref_squeeze %dma_wait3A_373 : memref<1x128xi32, #tpu.memory_space<hbm>> -> memref<128xi32, #tpu.memory_space<hbm>>
      tpu.wait_dma2 semaphore(%arg18 : memref<!tpu.dma_semaphore, #tpu.memory_space<semaphore_mem>>) src(%dma_wait3A_374 : memref<128xi32, #tpu.memory_space<hbm>>) dst(%arg10 : memref<128xi32, #tpu.memory_space<vmem>>)
      %dma_start3A_375 = arith.constant 0 : i32
      %dma_start3A_376 = arith.constant 0 : i32
      %dma_start3A_377 = tpu.memref_slice %arg7[%dma_start3A_375, %dma_start3A_376] : memref<10000x128xf32, #tpu.memory_space<vmem_shared>> -> memref<10000x128xf32, #tpu.memory_space<vmem_shared>>
      tpu.enqueue_indirect_dma source(%arg14 : memref<128x128xf32, #tpu.memory_space<vmem>>) target(%dma_start3A_377 : memref<10000x128xf32, #tpu.memory_space<vmem_shared>>) offsets(%arg10 : memref<128xi32, #tpu.memory_space<vmem>>) semaphore(%arg24 : memref<!tpu.dma_semaphore, #tpu.memory_space<semaphore_mem>>) {add = true}
      %add3A_378 = arith.constant 1 : i32
      %add3A_379 = arith.addi %add3A_342, %add3A_378 : i32
      %mul3A_380 = arith.constant 128 : i32
      %mul3A_381 = arith.muli %add3A_379, %mul3A_380 : i32
      %multiple_of3A_382 = tpu.assume_multiple %mul3A_381, 128 : i32
      %dma_wait3A_383 = tpu.memref_slice %arg3[%add3A, %multiple_of3A_382] : memref<32x10000xi32, #tpu.memory_space<hbm>> -> memref<1x128xi32, #tpu.memory_space<hbm>>
      %dma_wait3A_384 = tpu.memref_squeeze %dma_wait3A_383 : memref<1x128xi32, #tpu.memory_space<hbm>> -> memref<128xi32, #tpu.memory_space<hbm>>
      %dma_wait3A_385 = tpu.memref_slice %arg3[%add3A, %multiple_of3A_382] : memref<32x10000xi32, #tpu.memory_space<hbm>> -> memref<1x128xi32, #tpu.memory_space<hbm>>
      %dma_wait3A_386 = tpu.memref_squeeze %dma_wait3A_385 : memref<1x128xi32, #tpu.memory_space<hbm>> -> memref<128xi32, #tpu.memory_space<hbm>>
      tpu.wait_dma2 semaphore(%arg17 : memref<!tpu.dma_semaphore, #tpu.memory_space<semaphore_mem>>) src(%dma_wait3A_386 : memref<128xi32, #tpu.memory_space<hbm>>) dst(%arg9 : memref<128xi32, #tpu.memory_space<vmem>>)
      %dma_wait3A_387 = arith.constant 0 : i32
      %dma_wait3A_388 = arith.constant 0 : i32
      %dma_wait3A_389 = tpu.memref_slice %arg7[%dma_wait3A_387, %dma_wait3A_388] : memref<10000x128xf32, #tpu.memory_space<vmem_shared>> -> memref<10000x128xf32, #tpu.memory_space<vmem_shared>>
      tpu.wait_indirect_dma semaphore(%arg25 : memref<!tpu.dma_semaphore, #tpu.memory_space<semaphore_mem>>) src(%arg15 : memref<128x128xf32, #tpu.memory_space<vmem>>) dst(%dma_wait3A_389 : memref<10000x128xf32, #tpu.memory_space<vmem_shared>>)
      %add3A_390 = arith.constant 1 : i32
      %add3A_391 = arith.addi %add3A_342, %add3A_390 : i32
      %mul3A_392 = arith.constant 128 : i32
      %mul3A_393 = arith.muli %add3A_391, %mul3A_392 : i32
      %multiple_of3A_394 = tpu.assume_multiple %mul3A_393, 128 : i32
      %dma_start3A_395 = tpu.memref_slice %arg4[%add3A, %multiple_of3A_394] : memref<32x10000xi32, #tpu.memory_space<hbm>> -> memref<1x128xi32, #tpu.memory_space<hbm>>
      %dma_start3A_396 = tpu.memref_squeeze %dma_start3A_395 : memref<1x128xi32, #tpu.memory_space<hbm>> -> memref<128xi32, #tpu.memory_space<hbm>>
      %dma_start3A_397 = tpu.memref_slice %arg4[%add3A, %multiple_of3A_394] : memref<32x10000xi32, #tpu.memory_space<hbm>> -> memref<1x128xi32, #tpu.memory_space<hbm>>
      %dma_start3A_398 = tpu.memref_squeeze %dma_start3A_397 : memref<1x128xi32, #tpu.memory_space<hbm>> -> memref<128xi32, #tpu.memory_space<hbm>>
      tpu.enqueue_dma source(%dma_start3A_398 : memref<128xi32, #tpu.memory_space<hbm>>) target(%arg11 : memref<128xi32, #tpu.memory_space<vmem>>) target_semaphore(%arg19 : memref<!tpu.dma_semaphore, #tpu.memory_space<semaphore_mem>>)
      %dma_start3A_399 = arith.constant 0 : i32
      %dma_start3A_400 = arith.constant 0 : i32
      %dma_start3A_401 = tpu.memref_slice %arg15[%dma_start3A_399, %dma_start3A_400] : memref<128x128xf32, #tpu.memory_space<vmem>> -> memref<64x128xf32, #tpu.memory_space<vmem>>
      %dma_start3A_402 = arith.constant 0 : i32
      %dma_start3A_403 = tpu.memref_slice %arg9[%dma_start3A_402] : memref<128xi32, #tpu.memory_space<vmem>> -> memref<64xi32, #tpu.memory_space<vmem>>
      %dma_start3A_404 = arith.constant 0 : i32
      %dma_start3A_405 = arith.constant 0 : i32
      %dma_start3A_406 = tpu.memref_slice %arg2[%dma_start3A_404, %dma_start3A_405] : memref<10000x128xf32, #tpu.memory_space<hbm>> -> memref<10000x128xf32, #tpu.memory_space<hbm>>
      tpu.enqueue_indirect_dma source(%dma_start3A_406 : memref<10000x128xf32, #tpu.memory_space<hbm>>) target(%dma_start3A_401 : memref<64x128xf32, #tpu.memory_space<vmem>>) offsets(%dma_start3A_403 : memref<64xi32, #tpu.memory_space<vmem>>) semaphore(%arg21 : memref<!tpu.dma_semaphore, #tpu.memory_space<semaphore_mem>>)
      %dma_start3A_407 = arith.constant 64 : i32
      %dma_start3A_408 = arith.constant 0 : i32
      %dma_start3A_409 = tpu.memref_slice %arg15[%dma_start3A_407, %dma_start3A_408] : memref<128x128xf32, #tpu.memory_space<vmem>> -> memref<64x128xf32, #tpu.memory_space<vmem>>
      %dma_start3A_410 = arith.constant 64 : i32
      %dma_start3A_411 = tpu.memref_slice %arg9[%dma_start3A_410] : memref<128xi32, #tpu.memory_space<vmem>> -> memref<64xi32, #tpu.memory_space<vmem>>
      %dma_start3A_412 = arith.constant 0 : i32
      %dma_start3A_413 = arith.constant 0 : i32
      %dma_start3A_414 = tpu.memref_slice %arg2[%dma_start3A_412, %dma_start3A_413] : memref<10000x128xf32, #tpu.memory_space<hbm>> -> memref<10000x128xf32, #tpu.memory_space<hbm>>
      tpu.enqueue_indirect_dma source(%dma_start3A_414 : memref<10000x128xf32, #tpu.memory_space<hbm>>) target(%dma_start3A_409 : memref<64x128xf32, #tpu.memory_space<vmem>>) offsets(%dma_start3A_411 : memref<64xi32, #tpu.memory_space<vmem>>) semaphore(%arg23 : memref<!tpu.dma_semaphore, #tpu.memory_space<semaphore_mem>>)
    }
    %scan3A_111 = arith.constant 37 : i32
    %dma_wait3A_112 = arith.constant 0 : i32
    %dma_wait3A_113 = arith.constant 0 : i32
    %dma_wait3A_114 = tpu.memref_slice %arg15[%dma_wait3A_112, %dma_wait3A_113] : memref<128x128xf32, #tpu.memory_space<vmem>> -> memref<64x128xf32, #tpu.memory_space<vmem>>
    %dma_wait3A_115 = arith.constant 0 : i32
    %dma_wait3A_116 = tpu.memref_slice %arg9[%dma_wait3A_115] : memref<128xi32, #tpu.memory_space<vmem>> -> memref<64xi32, #tpu.memory_space<vmem>>
    %dma_wait3A_117 = arith.constant 0 : i32
    %dma_wait3A_118 = arith.constant 0 : i32
    %dma_wait3A_119 = tpu.memref_slice %arg2[%dma_wait3A_117, %dma_wait3A_118] : memref<10000x128xf32, #tpu.memory_space<hbm>> -> memref<10000x128xf32, #tpu.memory_space<hbm>>
    tpu.wait_indirect_dma semaphore(%arg21 : memref<!tpu.dma_semaphore, #tpu.memory_space<semaphore_mem>>) src(%dma_wait3A_119 : memref<10000x128xf32, #tpu.memory_space<hbm>>) dst(%dma_wait3A_114 : memref<64x128xf32, #tpu.memory_space<vmem>>)
    %dma_wait3A_120 = arith.constant 64 : i32
    %dma_wait3A_121 = arith.constant 0 : i32
    %dma_wait3A_122 = tpu.memref_slice %arg15[%dma_wait3A_120, %dma_wait3A_121] : memref<128x128xf32, #tpu.memory_space<vmem>> -> memref<64x128xf32, #tpu.memory_space<vmem>>
    %dma_wait3A_123 = arith.constant 64 : i32
    %dma_wait3A_124 = tpu.memref_slice %arg9[%dma_wait3A_123] : memref<128xi32, #tpu.memory_space<vmem>> -> memref<64xi32, #tpu.memory_space<vmem>>
    %dma_wait3A_125 = arith.constant 0 : i32
    %dma_wait3A_126 = arith.constant 0 : i32
    %dma_wait3A_127 = tpu.memref_slice %arg2[%dma_wait3A_125, %dma_wait3A_126] : memref<10000x128xf32, #tpu.memory_space<hbm>> -> memref<10000x128xf32, #tpu.memory_space<hbm>>
    tpu.wait_indirect_dma semaphore(%arg23 : memref<!tpu.dma_semaphore, #tpu.memory_space<semaphore_mem>>) src(%dma_wait3A_127 : memref<10000x128xf32, #tpu.memory_space<hbm>>) dst(%dma_wait3A_122 : memref<64x128xf32, #tpu.memory_space<vmem>>)
    %multiple_of3A_128 = arith.constant 9856 : i32
    %multiple_of3A_129 = tpu.assume_multiple %multiple_of3A_128, 128 : i32
    %dma_start3A_130 = tpu.memref_slice %arg3[%add3A, %multiple_of3A_129] : memref<32x10000xi32, #tpu.memory_space<hbm>> -> memref<1x128xi32, #tpu.memory_space<hbm>>
    %dma_start3A_131 = tpu.memref_squeeze %dma_start3A_130 : memref<1x128xi32, #tpu.memory_space<hbm>> -> memref<128xi32, #tpu.memory_space<hbm>>
    %dma_start3A_132 = tpu.memref_slice %arg3[%add3A, %multiple_of3A_129] : memref<32x10000xi32, #tpu.memory_space<hbm>> -> memref<1x128xi32, #tpu.memory_space<hbm>>
    %dma_start3A_133 = tpu.memref_squeeze %dma_start3A_132 : memref<1x128xi32, #tpu.memory_space<hbm>> -> memref<128xi32, #tpu.memory_space<hbm>>
    tpu.enqueue_dma source(%dma_start3A_133 : memref<128xi32, #tpu.memory_space<hbm>>) target(%arg9 : memref<128xi32, #tpu.memory_space<vmem>>) target_semaphore(%arg17 : memref<!tpu.dma_semaphore, #tpu.memory_space<semaphore_mem>>)
    %multiple_of3A_134 = arith.constant 9600 : i32
    %multiple_of3A_135 = tpu.assume_multiple %multiple_of3A_134, 128 : i32
    %dma_wait3A_136 = tpu.memref_slice %arg4[%add3A, %multiple_of3A_135] : memref<32x10000xi32, #tpu.memory_space<hbm>> -> memref<1x128xi32, #tpu.memory_space<hbm>>
    %dma_wait3A_137 = tpu.memref_squeeze %dma_wait3A_136 : memref<1x128xi32, #tpu.memory_space<hbm>> -> memref<128xi32, #tpu.memory_space<hbm>>
    %dma_wait3A_138 = tpu.memref_slice %arg4[%add3A, %multiple_of3A_135] : memref<32x10000xi32, #tpu.memory_space<hbm>> -> memref<1x128xi32, #tpu.memory_space<hbm>>
    %dma_wait3A_139 = tpu.memref_squeeze %dma_wait3A_138 : memref<1x128xi32, #tpu.memory_space<hbm>> -> memref<128xi32, #tpu.memory_space<hbm>>
    tpu.wait_dma2 semaphore(%arg19 : memref<!tpu.dma_semaphore, #tpu.memory_space<semaphore_mem>>) src(%dma_wait3A_139 : memref<128xi32, #tpu.memory_space<hbm>>) dst(%arg11 : memref<128xi32, #tpu.memory_space<vmem>>)
    %dma_start3A_140 = arith.constant 0 : i32
    %dma_start3A_141 = arith.constant 0 : i32
    %dma_start3A_142 = tpu.memref_slice %arg7[%dma_start3A_140, %dma_start3A_141] : memref<10000x128xf32, #tpu.memory_space<vmem_shared>> -> memref<10000x128xf32, #tpu.memory_space<vmem_shared>>
    tpu.enqueue_indirect_dma source(%arg15 : memref<128x128xf32, #tpu.memory_space<vmem>>) target(%dma_start3A_142 : memref<10000x128xf32, #tpu.memory_space<vmem_shared>>) offsets(%arg11 : memref<128xi32, #tpu.memory_space<vmem>>) semaphore(%arg25 : memref<!tpu.dma_semaphore, #tpu.memory_space<semaphore_mem>>) {add = true}
    %multiple_of3A_143 = arith.constant 9728 : i32
    %multiple_of3A_144 = tpu.assume_multiple %multiple_of3A_143, 128 : i32
    %dma_wait3A_145 = tpu.memref_slice %arg3[%add3A, %multiple_of3A_144] : memref<32x10000xi32, #tpu.memory_space<hbm>> -> memref<1x128xi32, #tpu.memory_space<hbm>>
    %dma_wait3A_146 = tpu.memref_squeeze %dma_wait3A_145 : memref<1x128xi32, #tpu.memory_space<hbm>> -> memref<128xi32, #tpu.memory_space<hbm>>
    %dma_wait3A_147 = tpu.memref_slice %arg3[%add3A, %multiple_of3A_144] : memref<32x10000xi32, #tpu.memory_space<hbm>> -> memref<1x128xi32, #tpu.memory_space<hbm>>
    %dma_wait3A_148 = tpu.memref_squeeze %dma_wait3A_147 : memref<1x128xi32, #tpu.memory_space<hbm>> -> memref<128xi32, #tpu.memory_space<hbm>>
    tpu.wait_dma2 semaphore(%arg16 : memref<!tpu.dma_semaphore, #tpu.memory_space<semaphore_mem>>) src(%dma_wait3A_148 : memref<128xi32, #tpu.memory_space<hbm>>) dst(%arg8 : memref<128xi32, #tpu.memory_space<vmem>>)
    %dma_wait3A_149 = arith.constant 0 : i32
    %dma_wait3A_150 = arith.constant 0 : i32
    %dma_wait3A_151 = tpu.memref_slice %arg7[%dma_wait3A_149, %dma_wait3A_150] : memref<10000x128xf32, #tpu.memory_space<vmem_shared>> -> memref<10000x128xf32, #tpu.memory_space<vmem_shared>>
    tpu.wait_indirect_dma semaphore(%arg24 : memref<!tpu.dma_semaphore, #tpu.memory_space<semaphore_mem>>) src(%arg14 : memref<128x128xf32, #tpu.memory_space<vmem>>) dst(%dma_wait3A_151 : memref<10000x128xf32, #tpu.memory_space<vmem_shared>>)
    %multiple_of3A_152 = arith.constant 9728 : i32
    %multiple_of3A_153 = tpu.assume_multiple %multiple_of3A_152, 128 : i32
    %dma_start3A_154 = tpu.memref_slice %arg4[%add3A, %multiple_of3A_153] : memref<32x10000xi32, #tpu.memory_space<hbm>> -> memref<1x128xi32, #tpu.memory_space<hbm>>
    %dma_start3A_155 = tpu.memref_squeeze %dma_start3A_154 : memref<1x128xi32, #tpu.memory_space<hbm>> -> memref<128xi32, #tpu.memory_space<hbm>>
    %dma_start3A_156 = tpu.memref_slice %arg4[%add3A, %multiple_of3A_153] : memref<32x10000xi32, #tpu.memory_space<hbm>> -> memref<1x128xi32, #tpu.memory_space<hbm>>
    %dma_start3A_157 = tpu.memref_squeeze %dma_start3A_156 : memref<1x128xi32, #tpu.memory_space<hbm>> -> memref<128xi32, #tpu.memory_space<hbm>>
    tpu.enqueue_dma source(%dma_start3A_157 : memref<128xi32, #tpu.memory_space<hbm>>) target(%arg10 : memref<128xi32, #tpu.memory_space<vmem>>) target_semaphore(%arg18 : memref<!tpu.dma_semaphore, #tpu.memory_space<semaphore_mem>>)
    %dma_start3A_158 = arith.constant 0 : i32
    %dma_start3A_159 = arith.constant 0 : i32
    %dma_start3A_160 = tpu.memref_slice %arg14[%dma_start3A_158, %dma_start3A_159] : memref<128x128xf32, #tpu.memory_space<vmem>> -> memref<64x128xf32, #tpu.memory_space<vmem>>
    %dma_start3A_161 = arith.constant 0 : i32
    %dma_start3A_162 = tpu.memref_slice %arg8[%dma_start3A_161] : memref<128xi32, #tpu.memory_space<vmem>> -> memref<64xi32, #tpu.memory_space<vmem>>
    %dma_start3A_163 = arith.constant 0 : i32
    %dma_start3A_164 = arith.constant 0 : i32
    %dma_start3A_165 = tpu.memref_slice %arg2[%dma_start3A_163, %dma_start3A_164] : memref<10000x128xf32, #tpu.memory_space<hbm>> -> memref<10000x128xf32, #tpu.memory_space<hbm>>
    tpu.enqueue_indirect_dma source(%dma_start3A_165 : memref<10000x128xf32, #tpu.memory_space<hbm>>) target(%dma_start3A_160 : memref<64x128xf32, #tpu.memory_space<vmem>>) offsets(%dma_start3A_162 : memref<64xi32, #tpu.memory_space<vmem>>) semaphore(%arg20 : memref<!tpu.dma_semaphore, #tpu.memory_space<semaphore_mem>>)
    %dma_start3A_166 = arith.constant 64 : i32
    %dma_start3A_167 = arith.constant 0 : i32
    %dma_start3A_168 = tpu.memref_slice %arg14[%dma_start3A_166, %dma_start3A_167] : memref<128x128xf32, #tpu.memory_space<vmem>> -> memref<64x128xf32, #tpu.memory_space<vmem>>
    %dma_start3A_169 = arith.constant 64 : i32
    %dma_start3A_170 = tpu.memref_slice %arg8[%dma_start3A_169] : memref<128xi32, #tpu.memory_space<vmem>> -> memref<64xi32, #tpu.memory_space<vmem>>
    %dma_start3A_171 = arith.constant 0 : i32
    %dma_start3A_172 = arith.constant 0 : i32
    %dma_start3A_173 = tpu.memref_slice %arg2[%dma_start3A_171, %dma_start3A_172] : memref<10000x128xf32, #tpu.memory_space<hbm>> -> memref<10000x128xf32, #tpu.memory_space<hbm>>
    tpu.enqueue_indirect_dma source(%dma_start3A_173 : memref<10000x128xf32, #tpu.memory_space<hbm>>) target(%dma_start3A_168 : memref<64x128xf32, #tpu.memory_space<vmem>>) offsets(%dma_start3A_170 : memref<64xi32, #tpu.memory_space<vmem>>) semaphore(%arg22 : memref<!tpu.dma_semaphore, #tpu.memory_space<semaphore_mem>>)
    %dma_wait3A_174 = arith.constant 0 : i32
    %dma_wait3A_175 = arith.constant 0 : i32
    %dma_wait3A_176 = tpu.memref_slice %arg14[%dma_wait3A_174, %dma_wait3A_175] : memref<128x128xf32, #tpu.memory_space<vmem>> -> memref<64x128xf32, #tpu.memory_space<vmem>>
    %dma_wait3A_177 = arith.constant 0 : i32
    %dma_wait3A_178 = tpu.memref_slice %arg8[%dma_wait3A_177] : memref<128xi32, #tpu.memory_space<vmem>> -> memref<64xi32, #tpu.memory_space<vmem>>
    %dma_wait3A_179 = arith.constant 0 : i32
    %dma_wait3A_180 = arith.constant 0 : i32
    %dma_wait3A_181 = tpu.memref_slice %arg2[%dma_wait3A_179, %dma_wait3A_180] : memref<10000x128xf32, #tpu.memory_space<hbm>> -> memref<10000x128xf32, #tpu.memory_space<hbm>>
    tpu.wait_indirect_dma semaphore(%arg20 : memref<!tpu.dma_semaphore, #tpu.memory_space<semaphore_mem>>) src(%dma_wait3A_181 : memref<10000x128xf32, #tpu.memory_space<hbm>>) dst(%dma_wait3A_176 : memref<64x128xf32, #tpu.memory_space<vmem>>)
    %dma_wait3A_182 = arith.constant 64 : i32
    %dma_wait3A_183 = arith.constant 0 : i32
    %dma_wait3A_184 = tpu.memref_slice %arg14[%dma_wait3A_182, %dma_wait3A_183] : memref<128x128xf32, #tpu.memory_space<vmem>> -> memref<64x128xf32, #tpu.memory_space<vmem>>
    %dma_wait3A_185 = arith.constant 64 : i32
    %dma_wait3A_186 = tpu.memref_slice %arg8[%dma_wait3A_185] : memref<128xi32, #tpu.memory_space<vmem>> -> memref<64xi32, #tpu.memory_space<vmem>>
    %dma_wait3A_187 = arith.constant 0 : i32
    %dma_wait3A_188 = arith.constant 0 : i32
    %dma_wait3A_189 = tpu.memref_slice %arg2[%dma_wait3A_187, %dma_wait3A_188] : memref<10000x128xf32, #tpu.memory_space<hbm>> -> memref<10000x128xf32, #tpu.memory_space<hbm>>
    tpu.wait_indirect_dma semaphore(%arg22 : memref<!tpu.dma_semaphore, #tpu.memory_space<semaphore_mem>>) src(%dma_wait3A_189 : memref<10000x128xf32, #tpu.memory_space<hbm>>) dst(%dma_wait3A_184 : memref<64x128xf32, #tpu.memory_space<vmem>>)
    %multiple_of3A_190 = arith.constant 9728 : i32
    %multiple_of3A_191 = tpu.assume_multiple %multiple_of3A_190, 128 : i32
    %dma_wait3A_192 = tpu.memref_slice %arg4[%add3A, %multiple_of3A_191] : memref<32x10000xi32, #tpu.memory_space<hbm>> -> memref<1x128xi32, #tpu.memory_space<hbm>>
    %dma_wait3A_193 = tpu.memref_squeeze %dma_wait3A_192 : memref<1x128xi32, #tpu.memory_space<hbm>> -> memref<128xi32, #tpu.memory_space<hbm>>
    %dma_wait3A_194 = tpu.memref_slice %arg4[%add3A, %multiple_of3A_191] : memref<32x10000xi32, #tpu.memory_space<hbm>> -> memref<1x128xi32, #tpu.memory_space<hbm>>
    %dma_wait3A_195 = tpu.memref_squeeze %dma_wait3A_194 : memref<1x128xi32, #tpu.memory_space<hbm>> -> memref<128xi32, #tpu.memory_space<hbm>>
    tpu.wait_dma2 semaphore(%arg18 : memref<!tpu.dma_semaphore, #tpu.memory_space<semaphore_mem>>) src(%dma_wait3A_195 : memref<128xi32, #tpu.memory_space<hbm>>) dst(%arg10 : memref<128xi32, #tpu.memory_space<vmem>>)
    %dma_start3A_196 = arith.constant 0 : i32
    %dma_start3A_197 = arith.constant 0 : i32
    %dma_start3A_198 = tpu.memref_slice %arg7[%dma_start3A_196, %dma_start3A_197] : memref<10000x128xf32, #tpu.memory_space<vmem_shared>> -> memref<10000x128xf32, #tpu.memory_space<vmem_shared>>
    tpu.enqueue_indirect_dma source(%arg14 : memref<128x128xf32, #tpu.memory_space<vmem>>) target(%dma_start3A_198 : memref<10000x128xf32, #tpu.memory_space<vmem_shared>>) offsets(%arg10 : memref<128xi32, #tpu.memory_space<vmem>>) semaphore(%arg24 : memref<!tpu.dma_semaphore, #tpu.memory_space<semaphore_mem>>) {add = true}
    %multiple_of3A_199 = arith.constant 9856 : i32
    %multiple_of3A_200 = tpu.assume_multiple %multiple_of3A_199, 128 : i32
    %dma_wait3A_201 = tpu.memref_slice %arg3[%add3A, %multiple_of3A_200] : memref<32x10000xi32, #tpu.memory_space<hbm>> -> memref<1x128xi32, #tpu.memory_space<hbm>>
    %dma_wait3A_202 = tpu.memref_squeeze %dma_wait3A_201 : memref<1x128xi32, #tpu.memory_space<hbm>> -> memref<128xi32, #tpu.memory_space<hbm>>
    %dma_wait3A_203 = tpu.memref_slice %arg3[%add3A, %multiple_of3A_200] : memref<32x10000xi32, #tpu.memory_space<hbm>> -> memref<1x128xi32, #tpu.memory_space<hbm>>
    %dma_wait3A_204 = tpu.memref_squeeze %dma_wait3A_203 : memref<1x128xi32, #tpu.memory_space<hbm>> -> memref<128xi32, #tpu.memory_space<hbm>>
    tpu.wait_dma2 semaphore(%arg17 : memref<!tpu.dma_semaphore, #tpu.memory_space<semaphore_mem>>) src(%dma_wait3A_204 : memref<128xi32, #tpu.memory_space<hbm>>) dst(%arg9 : memref<128xi32, #tpu.memory_space<vmem>>)
    %dma_wait3A_205 = arith.constant 0 : i32
    %dma_wait3A_206 = arith.constant 0 : i32
    %dma_wait3A_207 = tpu.memref_slice %arg7[%dma_wait3A_205, %dma_wait3A_206] : memref<10000x128xf32, #tpu.memory_space<vmem_shared>> -> memref<10000x128xf32, #tpu.memory_space<vmem_shared>>
    tpu.wait_indirect_dma semaphore(%arg25 : memref<!tpu.dma_semaphore, #tpu.memory_space<semaphore_mem>>) src(%arg15 : memref<128x128xf32, #tpu.memory_space<vmem>>) dst(%dma_wait3A_207 : memref<10000x128xf32, #tpu.memory_space<vmem_shared>>)
    %multiple_of3A_208 = arith.constant 9856 : i32
    %multiple_of3A_209 = tpu.assume_multiple %multiple_of3A_208, 128 : i32
    %dma_start3A_210 = tpu.memref_slice %arg4[%add3A, %multiple_of3A_209] : memref<32x10000xi32, #tpu.memory_space<hbm>> -> memref<1x128xi32, #tpu.memory_space<hbm>>
    %dma_start3A_211 = tpu.memref_squeeze %dma_start3A_210 : memref<1x128xi32, #tpu.memory_space<hbm>> -> memref<128xi32, #tpu.memory_space<hbm>>
    %dma_start3A_212 = tpu.memref_slice %arg4[%add3A, %multiple_of3A_209] : memref<32x10000xi32, #tpu.memory_space<hbm>> -> memref<1x128xi32, #tpu.memory_space<hbm>>
    %dma_start3A_213 = tpu.memref_squeeze %dma_start3A_212 : memref<1x128xi32, #tpu.memory_space<hbm>> -> memref<128xi32, #tpu.memory_space<hbm>>
    tpu.enqueue_dma source(%dma_start3A_213 : memref<128xi32, #tpu.memory_space<hbm>>) target(%arg11 : memref<128xi32, #tpu.memory_space<vmem>>) target_semaphore(%arg19 : memref<!tpu.dma_semaphore, #tpu.memory_space<semaphore_mem>>)
    %dma_start3A_214 = arith.constant 0 : i32
    %dma_start3A_215 = arith.constant 0 : i32
    %dma_start3A_216 = tpu.memref_slice %arg15[%dma_start3A_214, %dma_start3A_215] : memref<128x128xf32, #tpu.memory_space<vmem>> -> memref<64x128xf32, #tpu.memory_space<vmem>>
    %dma_start3A_217 = arith.constant 0 : i32
    %dma_start3A_218 = tpu.memref_slice %arg9[%dma_start3A_217] : memref<128xi32, #tpu.memory_space<vmem>> -> memref<64xi32, #tpu.memory_space<vmem>>
    %dma_start3A_219 = arith.constant 0 : i32
    %dma_start3A_220 = arith.constant 0 : i32
    %dma_start3A_221 = tpu.memref_slice %arg2[%dma_start3A_219, %dma_start3A_220] : memref<10000x128xf32, #tpu.memory_space<hbm>> -> memref<10000x128xf32, #tpu.memory_space<hbm>>
    tpu.enqueue_indirect_dma source(%dma_start3A_221 : memref<10000x128xf32, #tpu.memory_space<hbm>>) target(%dma_start3A_216 : memref<64x128xf32, #tpu.memory_space<vmem>>) offsets(%dma_start3A_218 : memref<64xi32, #tpu.memory_space<vmem>>) semaphore(%arg21 : memref<!tpu.dma_semaphore, #tpu.memory_space<semaphore_mem>>)
    %dma_start3A_222 = arith.constant 64 : i32
    %dma_start3A_223 = arith.constant 0 : i32
    %dma_start3A_224 = tpu.memref_slice %arg15[%dma_start3A_222, %dma_start3A_223] : memref<128x128xf32, #tpu.memory_space<vmem>> -> memref<64x128xf32, #tpu.memory_space<vmem>>
    %dma_start3A_225 = arith.constant 64 : i32
    %dma_start3A_226 = tpu.memref_slice %arg9[%dma_start3A_225] : memref<128xi32, #tpu.memory_space<vmem>> -> memref<64xi32, #tpu.memory_space<vmem>>
    %dma_start3A_227 = arith.constant 0 : i32
    %dma_start3A_228 = arith.constant 0 : i32
    %dma_start3A_229 = tpu.memref_slice %arg2[%dma_start3A_227, %dma_start3A_228] : memref<10000x128xf32, #tpu.memory_space<hbm>> -> memref<10000x128xf32, #tpu.memory_space<hbm>>
    tpu.enqueue_indirect_dma source(%dma_start3A_229 : memref<10000x128xf32, #tpu.memory_space<hbm>>) target(%dma_start3A_224 : memref<64x128xf32, #tpu.memory_space<vmem>>) offsets(%dma_start3A_226 : memref<64xi32, #tpu.memory_space<vmem>>) semaphore(%arg23 : memref<!tpu.dma_semaphore, #tpu.memory_space<semaphore_mem>>)
    %dma_wait3A_230 = arith.constant 0 : i32
    %dma_wait3A_231 = arith.constant 0 : i32
    %dma_wait3A_232 = tpu.memref_slice %arg15[%dma_wait3A_230, %dma_wait3A_231] : memref<128x128xf32, #tpu.memory_space<vmem>> -> memref<64x128xf32, #tpu.memory_space<vmem>>
    %dma_wait3A_233 = arith.constant 0 : i32
    %dma_wait3A_234 = tpu.memref_slice %arg9[%dma_wait3A_233] : memref<128xi32, #tpu.memory_space<vmem>> -> memref<64xi32, #tpu.memory_space<vmem>>
    %dma_wait3A_235 = arith.constant 0 : i32
    %dma_wait3A_236 = arith.constant 0 : i32
    %dma_wait3A_237 = tpu.memref_slice %arg2[%dma_wait3A_235, %dma_wait3A_236] : memref<10000x128xf32, #tpu.memory_space<hbm>> -> memref<10000x128xf32, #tpu.memory_space<hbm>>
    tpu.wait_indirect_dma semaphore(%arg21 : memref<!tpu.dma_semaphore, #tpu.memory_space<semaphore_mem>>) src(%dma_wait3A_237 : memref<10000x128xf32, #tpu.memory_space<hbm>>) dst(%dma_wait3A_232 : memref<64x128xf32, #tpu.memory_space<vmem>>)
    %dma_wait3A_238 = arith.constant 64 : i32
    %dma_wait3A_239 = arith.constant 0 : i32
    %dma_wait3A_240 = tpu.memref_slice %arg15[%dma_wait3A_238, %dma_wait3A_239] : memref<128x128xf32, #tpu.memory_space<vmem>> -> memref<64x128xf32, #tpu.memory_space<vmem>>
    %dma_wait3A_241 = arith.constant 64 : i32
    %dma_wait3A_242 = tpu.memref_slice %arg9[%dma_wait3A_241] : memref<128xi32, #tpu.memory_space<vmem>> -> memref<64xi32, #tpu.memory_space<vmem>>
    %dma_wait3A_243 = arith.constant 0 : i32
    %dma_wait3A_244 = arith.constant 0 : i32
    %dma_wait3A_245 = tpu.memref_slice %arg2[%dma_wait3A_243, %dma_wait3A_244] : memref<10000x128xf32, #tpu.memory_space<hbm>> -> memref<10000x128xf32, #tpu.memory_space<hbm>>
    tpu.wait_indirect_dma semaphore(%arg23 : memref<!tpu.dma_semaphore, #tpu.memory_space<semaphore_mem>>) src(%dma_wait3A_245 : memref<10000x128xf32, #tpu.memory_space<hbm>>) dst(%dma_wait3A_240 : memref<64x128xf32, #tpu.memory_space<vmem>>)
    %multiple_of3A_246 = arith.constant 9856 : i32
    %multiple_of3A_247 = tpu.assume_multiple %multiple_of3A_246, 128 : i32
    %dma_wait3A_248 = tpu.memref_slice %arg4[%add3A, %multiple_of3A_247] : memref<32x10000xi32, #tpu.memory_space<hbm>> -> memref<1x128xi32, #tpu.memory_space<hbm>>
    %dma_wait3A_249 = tpu.memref_squeeze %dma_wait3A_248 : memref<1x128xi32, #tpu.memory_space<hbm>> -> memref<128xi32, #tpu.memory_space<hbm>>
    %dma_wait3A_250 = tpu.memref_slice %arg4[%add3A, %multiple_of3A_247] : memref<32x10000xi32, #tpu.memory_space<hbm>> -> memref<1x128xi32, #tpu.memory_space<hbm>>
    %dma_wait3A_251 = tpu.memref_squeeze %dma_wait3A_250 : memref<1x128xi32, #tpu.memory_space<hbm>> -> memref<128xi32, #tpu.memory_space<hbm>>
    tpu.wait_dma2 semaphore(%arg19 : memref<!tpu.dma_semaphore, #tpu.memory_space<semaphore_mem>>) src(%dma_wait3A_251 : memref<128xi32, #tpu.memory_space<hbm>>) dst(%arg11 : memref<128xi32, #tpu.memory_space<vmem>>)
    %dma_start3A_252 = arith.constant 0 : i32
    %dma_start3A_253 = arith.constant 0 : i32
    %dma_start3A_254 = tpu.memref_slice %arg7[%dma_start3A_252, %dma_start3A_253] : memref<10000x128xf32, #tpu.memory_space<vmem_shared>> -> memref<10000x128xf32, #tpu.memory_space<vmem_shared>>
    tpu.enqueue_indirect_dma source(%arg15 : memref<128x128xf32, #tpu.memory_space<vmem>>) target(%dma_start3A_254 : memref<10000x128xf32, #tpu.memory_space<vmem_shared>>) offsets(%arg11 : memref<128xi32, #tpu.memory_space<vmem>>) semaphore(%arg25 : memref<!tpu.dma_semaphore, #tpu.memory_space<semaphore_mem>>) {add = true}
    %dma_wait3A_255 = arith.constant 0 : i32
    %dma_wait3A_256 = arith.constant 0 : i32
    %dma_wait3A_257 = tpu.memref_slice %arg7[%dma_wait3A_255, %dma_wait3A_256] : memref<10000x128xf32, #tpu.memory_space<vmem_shared>> -> memref<10000x128xf32, #tpu.memory_space<vmem_shared>>
    tpu.wait_indirect_dma semaphore(%arg24 : memref<!tpu.dma_semaphore, #tpu.memory_space<semaphore_mem>>) src(%arg14 : memref<128x128xf32, #tpu.memory_space<vmem>>) dst(%dma_wait3A_257 : memref<10000x128xf32, #tpu.memory_space<vmem_shared>>)
    %dma_wait3A_258 = arith.constant 0 : i32
    %dma_wait3A_259 = arith.constant 0 : i32
    %dma_wait3A_260 = tpu.memref_slice %arg7[%dma_wait3A_258, %dma_wait3A_259] : memref<10000x128xf32, #tpu.memory_space<vmem_shared>> -> memref<10000x128xf32, #tpu.memory_space<vmem_shared>>
    tpu.wait_indirect_dma semaphore(%arg25 : memref<!tpu.dma_semaphore, #tpu.memory_space<semaphore_mem>>) src(%arg15 : memref<128x128xf32, #tpu.memory_space<vmem>>) dst(%dma_wait3A_260 : memref<10000x128xf32, #tpu.memory_space<vmem_shared>>)
    %multiple_of3A_261 = arith.constant 9984 : i32
    %multiple_of3A_262 = tpu.assume_multiple %multiple_of3A_261, 8 : i32
    "tpu.region"() ({
      %run_scoped3A = tpu.sem_alloc : memref<!tpu.dma_semaphore, #tpu.memory_space<semaphore_mem>>
      %dma_start3A_264 = tpu.memref_slice %arg3[%add3A, %multiple_of3A_262] : memref<32x10000xi32, #tpu.memory_space<hbm>> -> memref<1x16xi32, #tpu.memory_space<hbm>>
      %dma_start3A_265 = tpu.memref_squeeze %dma_start3A_264 : memref<1x16xi32, #tpu.memory_space<hbm>> -> memref<16xi32, #tpu.memory_space<hbm>>
      %dma_start3A_266 = tpu.memref_slice %arg3[%add3A, %multiple_of3A_262] : memref<32x10000xi32, #tpu.memory_space<hbm>> -> memref<1x16xi32, #tpu.memory_space<hbm>>
      %dma_start3A_267 = tpu.memref_squeeze %dma_start3A_266 : memref<1x16xi32, #tpu.memory_space<hbm>> -> memref<16xi32, #tpu.memory_space<hbm>>
      tpu.enqueue_dma source(%dma_start3A_267 : memref<16xi32, #tpu.memory_space<hbm>>) target(%arg12 : memref<16xi32, #tpu.memory_space<vmem>>) target_semaphore(%run_scoped3A : memref<!tpu.dma_semaphore, #tpu.memory_space<semaphore_mem>>)
      %dma_wait3A_268 = tpu.memref_slice %arg3[%add3A, %multiple_of3A_262] : memref<32x10000xi32, #tpu.memory_space<hbm>> -> memref<1x16xi32, #tpu.memory_space<hbm>>
      %dma_wait3A_269 = tpu.memref_squeeze %dma_wait3A_268 : memref<1x16xi32, #tpu.memory_space<hbm>> -> memref<16xi32, #tpu.memory_space<hbm>>
      %dma_wait3A_270 = tpu.memref_slice %arg3[%add3A, %multiple_of3A_262] : memref<32x10000xi32, #tpu.memory_space<hbm>> -> memref<1x16xi32, #tpu.memory_space<hbm>>
      %dma_wait3A_271 = tpu.memref_squeeze %dma_wait3A_270 : memref<1x16xi32, #tpu.memory_space<hbm>> -> memref<16xi32, #tpu.memory_space<hbm>>
      tpu.wait_dma2 semaphore(%run_scoped3A : memref<!tpu.dma_semaphore, #tpu.memory_space<semaphore_mem>>) src(%dma_wait3A_271 : memref<16xi32, #tpu.memory_space<hbm>>) dst(%arg12 : memref<16xi32, #tpu.memory_space<vmem>>)
      tpu.yield
    }) : () -> ()
    "tpu.region"() ({
      %run_scoped3A = tpu.sem_alloc : memref<!tpu.dma_semaphore, #tpu.memory_space<semaphore_mem>>
      %dma_start3A_264 = tpu.memref_slice %arg4[%add3A, %multiple_of3A_262] : memref<32x10000xi32, #tpu.memory_space<hbm>> -> memref<1x16xi32, #tpu.memory_space<hbm>>
      %dma_start3A_265 = tpu.memref_squeeze %dma_start3A_264 : memref<1x16xi32, #tpu.memory_space<hbm>> -> memref<16xi32, #tpu.memory_space<hbm>>
      %dma_start3A_266 = tpu.memref_slice %arg4[%add3A, %multiple_of3A_262] : memref<32x10000xi32, #tpu.memory_space<hbm>> -> memref<1x16xi32, #tpu.memory_space<hbm>>
      %dma_start3A_267 = tpu.memref_squeeze %dma_start3A_266 : memref<1x16xi32, #tpu.memory_space<hbm>> -> memref<16xi32, #tpu.memory_space<hbm>>
      tpu.enqueue_dma source(%dma_start3A_267 : memref<16xi32, #tpu.memory_space<hbm>>) target(%arg13 : memref<16xi32, #tpu.memory_space<vmem>>) target_semaphore(%run_scoped3A : memref<!tpu.dma_semaphore, #tpu.memory_space<semaphore_mem>>)
      %dma_wait3A_268 = tpu.memref_slice %arg4[%add3A, %multiple_of3A_262] : memref<32x10000xi32, #tpu.memory_space<hbm>> -> memref<1x16xi32, #tpu.memory_space<hbm>>
      %dma_wait3A_269 = tpu.memref_squeeze %dma_wait3A_268 : memref<1x16xi32, #tpu.memory_space<hbm>> -> memref<16xi32, #tpu.memory_space<hbm>>
      %dma_wait3A_270 = tpu.memref_slice %arg4[%add3A, %multiple_of3A_262] : memref<32x10000xi32, #tpu.memory_space<hbm>> -> memref<1x16xi32, #tpu.memory_space<hbm>>
      %dma_wait3A_271 = tpu.memref_squeeze %dma_wait3A_270 : memref<1x16xi32, #tpu.memory_space<hbm>> -> memref<16xi32, #tpu.memory_space<hbm>>
      tpu.wait_dma2 semaphore(%run_scoped3A : memref<!tpu.dma_semaphore, #tpu.memory_space<semaphore_mem>>) src(%dma_wait3A_271 : memref<16xi32, #tpu.memory_space<hbm>>) dst(%arg13 : memref<16xi32, #tpu.memory_space<vmem>>)
      tpu.yield
    }) : () -> ()
    "tpu.region"() ({
      %run_scoped3A = tpu.sem_alloc : memref<!tpu.dma_semaphore, #tpu.memory_space<semaphore_mem>>
      %dma_start3A_264 = arith.constant 0 : i32
      %dma_start3A_265 = arith.constant 0 : i32
      %dma_start3A_266 = tpu.memref_slice %arg14[%dma_start3A_264, %dma_start3A_265] : memref<128x128xf32, #tpu.memory_space<vmem>> -> memref<16x128xf32, #tpu.memory_space<vmem>>
      %dma_start3A_267 = arith.constant 0 : i32
      %dma_start3A_268 = arith.constant 0 : i32
      %dma_start3A_269 = tpu.memref_slice %arg2[%dma_start3A_267, %dma_start3A_268] : memref<10000x128xf32, #tpu.memory_space<hbm>> -> memref<10000x128xf32, #tpu.memory_space<hbm>>
      tpu.enqueue_indirect_dma source(%dma_start3A_269 : memref<10000x128xf32, #tpu.memory_space<hbm>>) target(%dma_start3A_266 : memref<16x128xf32, #tpu.memory_space<vmem>>) offsets(%arg12 : memref<16xi32, #tpu.memory_space<vmem>>) semaphore(%run_scoped3A : memref<!tpu.dma_semaphore, #tpu.memory_space<semaphore_mem>>)
      %dma_wait3A_270 = arith.constant 0 : i32
      %dma_wait3A_271 = arith.constant 0 : i32
      %dma_wait3A_272 = tpu.memref_slice %arg14[%dma_wait3A_270, %dma_wait3A_271] : memref<128x128xf32, #tpu.memory_space<vmem>> -> memref<16x128xf32, #tpu.memory_space<vmem>>
      %dma_wait3A_273 = arith.constant 0 : i32
      %dma_wait3A_274 = arith.constant 0 : i32
      %dma_wait3A_275 = tpu.memref_slice %arg2[%dma_wait3A_273, %dma_wait3A_274] : memref<10000x128xf32, #tpu.memory_space<hbm>> -> memref<10000x128xf32, #tpu.memory_space<hbm>>
      tpu.wait_indirect_dma semaphore(%run_scoped3A : memref<!tpu.dma_semaphore, #tpu.memory_space<semaphore_mem>>) src(%dma_wait3A_275 : memref<10000x128xf32, #tpu.memory_space<hbm>>) dst(%dma_wait3A_272 : memref<16x128xf32, #tpu.memory_space<vmem>>)
      tpu.yield
    }) : () -> ()
    "tpu.region"() ({
      %run_scoped3A = tpu.sem_alloc : memref<!tpu.dma_semaphore, #tpu.memory_space<semaphore_mem>>
      %dma_start3A_264 = arith.constant 0 : i32
      %dma_start3A_265 = arith.constant 0 : i32
      %dma_start3A_266 = tpu.memref_slice %arg14[%dma_start3A_264, %dma_start3A_265] : memref<128x128xf32, #tpu.memory_space<vmem>> -> memref<16x128xf32, #tpu.memory_space<vmem>>
      %dma_start3A_267 = arith.constant 0 : i32
      %dma_start3A_268 = arith.constant 0 : i32
      %dma_start3A_269 = tpu.memref_slice %arg7[%dma_start3A_267, %dma_start3A_268] : memref<10000x128xf32, #tpu.memory_space<vmem_shared>> -> memref<10000x128xf32, #tpu.memory_space<vmem_shared>>
      tpu.enqueue_indirect_dma source(%dma_start3A_266 : memref<16x128xf32, #tpu.memory_space<vmem>>) target(%dma_start3A_269 : memref<10000x128xf32, #tpu.memory_space<vmem_shared>>) offsets(%arg13 : memref<16xi32, #tpu.memory_space<vmem>>) semaphore(%run_scoped3A : memref<!tpu.dma_semaphore, #tpu.memory_space<semaphore_mem>>) {add = true}
      %dma_wait3A_270 = arith.constant 0 : i32
      %dma_wait3A_271 = arith.constant 0 : i32
      %dma_wait3A_272 = tpu.memref_slice %arg14[%dma_wait3A_270, %dma_wait3A_271] : memref<128x128xf32, #tpu.memory_space<vmem>> -> memref<16x128xf32, #tpu.memory_space<vmem>>
      %dma_wait3A_273 = arith.constant 0 : i32
      %dma_wait3A_274 = arith.constant 0 : i32
      %dma_wait3A_275 = tpu.memref_slice %arg7[%dma_wait3A_273, %dma_wait3A_274] : memref<10000x128xf32, #tpu.memory_space<vmem_shared>> -> memref<10000x128xf32, #tpu.memory_space<vmem_shared>>
      tpu.wait_indirect_dma semaphore(%run_scoped3A : memref<!tpu.dma_semaphore, #tpu.memory_space<semaphore_mem>>) src(%dma_wait3A_272 : memref<16x128xf32, #tpu.memory_space<vmem>>) dst(%dma_wait3A_275 : memref<10000x128xf32, #tpu.memory_space<vmem_shared>>)
      tpu.yield
    }) : () -> ()
    %barrier3A_263 = arith.constant 0 : index
    tpu.barrier barrier_id(%barrier3A_263)
    "tpu.region"() ({
      %run_scoped3A = tpu.sem_alloc : memref<!tpu.dma_semaphore, #tpu.memory_space<semaphore_mem>>
      %dma_start3A_264 = arith.constant 0 : i32
      %dma_start3A_265 = tpu.memref_slice %arg6[%arg0, %multiple_of3A_49, %dma_start3A_264] : memref<2x10000x128xf32, #tpu.memory_space<hbm>> -> memref<1x632x128xf32, #tpu.memory_space<hbm>>
      %dma_start3A_266 = tpu.memref_squeeze %dma_start3A_265 : memref<1x632x128xf32, #tpu.memory_space<hbm>> -> memref<632x128xf32, #tpu.memory_space<hbm>>
      %dma_start3A_267 = arith.constant 0 : i32
      %dma_start3A_268 = tpu.memref_slice %arg7[%multiple_of3A_49, %dma_start3A_267] : memref<10000x128xf32, #tpu.memory_space<vmem_shared>> -> memref<632x128xf32, #tpu.memory_space<vmem_shared>>
      tpu.enqueue_dma source(%dma_start3A_268 : memref<632x128xf32, #tpu.memory_space<vmem_shared>>) target(%dma_start3A_266 : memref<632x128xf32, #tpu.memory_space<hbm>>) target_semaphore(%run_scoped3A : memref<!tpu.dma_semaphore, #tpu.memory_space<semaphore_mem>>)
      %dma_wait3A_269 = arith.constant 0 : i32
      %dma_wait3A_270 = tpu.memref_slice %arg6[%arg0, %multiple_of3A_49, %dma_wait3A_269] : memref<2x10000x128xf32, #tpu.memory_space<hbm>> -> memref<1x632x128xf32, #tpu.memory_space<hbm>>
      %dma_wait3A_271 = tpu.memref_squeeze %dma_wait3A_270 : memref<1x632x128xf32, #tpu.memory_space<hbm>> -> memref<632x128xf32, #tpu.memory_space<hbm>>
      %dma_wait3A_272 = arith.constant 0 : i32
      %dma_wait3A_273 = tpu.memref_slice %arg7[%multiple_of3A_49, %dma_wait3A_272] : memref<10000x128xf32, #tpu.memory_space<vmem_shared>> -> memref<632x128xf32, #tpu.memory_space<vmem_shared>>
      tpu.wait_dma2 semaphore(%run_scoped3A : memref<!tpu.dma_semaphore, #tpu.memory_space<semaphore_mem>>) src(%dma_wait3A_273 : memref<632x128xf32, #tpu.memory_space<vmem_shared>>) dst(%dma_wait3A_271 : memref<632x128xf32, #tpu.memory_space<hbm>>)
      tpu.yield
    }) : () -> ()
    return
  }
}

#map = affine_map<(d0, d1) -> (0, 0)>
#map1 = affine_map<(d0, d1) -> (0, 0, 0)>
module attributes {stable_mosaic.version = 14 : i64} {
  func.func @agg(%arg0: i32, %arg1: i32, %arg2: memref<10000x128xf32, #tpu.memory_space<hbm>>, %arg3: memref<32x10000xi32, #tpu.memory_space<hbm>>, %arg4: memref<32x10000xi32, #tpu.memory_space<hbm>>, %arg5: memref<10000x128xf32, #tpu.memory_space<hbm>>, %arg6: memref<2x10000x128xf32, #tpu.memory_space<hbm>>, %arg7: memref<10000x128xf32, #tpu.memory_space<vmem_shared>>, %arg8: memref<128xi32, #tpu.memory_space<vmem>>, %arg9: memref<128xi32, #tpu.memory_space<vmem>>, %arg10: memref<128xi32, #tpu.memory_space<vmem>>, %arg11: memref<128xi32, #tpu.memory_space<vmem>>, %arg12: memref<16xi32, #tpu.memory_space<vmem>>, %arg13: memref<16xi32, #tpu.memory_space<vmem>>, %arg14: memref<128x128xf32, #tpu.memory_space<vmem>>, %arg15: memref<128x128xf32, #tpu.memory_space<vmem>>, %arg16: memref<!tpu.dma_semaphore, #tpu.memory_space<semaphore_mem>>, %arg17: memref<!tpu.dma_semaphore, #tpu.memory_space<semaphore_mem>>, %arg18: memref<!tpu.dma_semaphore, #tpu.memory_space<semaphore_mem>>, %arg19: memref<!tpu.dma_semaphore, #tpu.memory_space<semaphore_mem>>, %arg20: memref<!tpu.dma_semaphore, #tpu.memory_space<semaphore_mem>>, %arg21: memref<!tpu.dma_semaphore, #tpu.memory_space<semaphore_mem>>, %arg22: memref<!tpu.dma_semaphore, #tpu.memory_space<semaphore_mem>>, %arg23: memref<!tpu.dma_semaphore, #tpu.memory_space<semaphore_mem>>, %arg24: memref<!tpu.dma_semaphore, #tpu.memory_space<semaphore_mem>>, %arg25: memref<!tpu.dma_semaphore, #tpu.memory_space<semaphore_mem>>) attributes {dimension_semantics = [#tpu.dimension_semantics<core_parallel>, #tpu.dimension_semantics<subcore_parallel>], iteration_bounds = array<i64: 2, 16>, scalar_prefetch = 0 : i64, scratch_operands = 19 : i64, tpu.core_type = #tpu.core_type<sc_vector_subcore>, window_params = [{transform_indices = #map}, {transform_indices = #map}, {transform_indices = #map}, {transform_indices = #map}, {transform_indices = #map1}]} {
    %mul3A = arith.constant 16 : i32
    %mul3A_0 = arith.muli %arg0, %mul3A : i32
    %add3A = arith.addi %mul3A_0, %arg1 : i32
    %multiple_of3A = arith.constant 0 : i32
    %multiple_of3A_1 = tpu.assume_multiple %multiple_of3A, 128 : i32
    "tpu.region"() ({
      %run_scoped3A = tpu.sem_alloc : memref<!tpu.dma_semaphore, #tpu.memory_space<semaphore_mem>>
      %dma_start3A_264 = tpu.memref_slice %arg3[%add3A, %multiple_of3A_1] : memref<32x10000xi32, #tpu.memory_space<hbm>> -> memref<1x128xi32, #tpu.memory_space<hbm>>
      %dma_start3A_265 = tpu.memref_squeeze %dma_start3A_264 : memref<1x128xi32, #tpu.memory_space<hbm>> -> memref<128xi32, #tpu.memory_space<hbm>>
      %dma_start3A_266 = tpu.memref_slice %arg3[%add3A, %multiple_of3A_1] : memref<32x10000xi32, #tpu.memory_space<hbm>> -> memref<1x128xi32, #tpu.memory_space<hbm>>
      %dma_start3A_267 = tpu.memref_squeeze %dma_start3A_266 : memref<1x128xi32, #tpu.memory_space<hbm>> -> memref<128xi32, #tpu.memory_space<hbm>>
      tpu.enqueue_dma source(%dma_start3A_267 : memref<128xi32, #tpu.memory_space<hbm>>) target(%arg8 : memref<128xi32, #tpu.memory_space<vmem>>) target_semaphore(%run_scoped3A : memref<!tpu.dma_semaphore, #tpu.memory_space<semaphore_mem>>)
      %dma_wait3A_268 = tpu.memref_slice %arg3[%add3A, %multiple_of3A_1] : memref<32x10000xi32, #tpu.memory_space<hbm>> -> memref<1x128xi32, #tpu.memory_space<hbm>>
      %dma_wait3A_269 = tpu.memref_squeeze %dma_wait3A_268 : memref<1x128xi32, #tpu.memory_space<hbm>> -> memref<128xi32, #tpu.memory_space<hbm>>
      %dma_wait3A_270 = tpu.memref_slice %arg3[%add3A, %multiple_of3A_1] : memref<32x10000xi32, #tpu.memory_space<hbm>> -> memref<1x128xi32, #tpu.memory_space<hbm>>
      %dma_wait3A_271 = tpu.memref_squeeze %dma_wait3A_270 : memref<1x128xi32, #tpu.memory_space<hbm>> -> memref<128xi32, #tpu.memory_space<hbm>>
      tpu.wait_dma2 semaphore(%run_scoped3A : memref<!tpu.dma_semaphore, #tpu.memory_space<semaphore_mem>>) src(%dma_wait3A_271 : memref<128xi32, #tpu.memory_space<hbm>>) dst(%arg8 : memref<128xi32, #tpu.memory_space<vmem>>)
      tpu.yield
    }) : () -> ()
    %multiple_of3A_2 = arith.constant 0 : i32
    %multiple_of3A_3 = tpu.assume_multiple %multiple_of3A_2, 128 : i32
    %dma_start3A = tpu.memref_slice %arg4[%add3A, %multiple_of3A_3] : memref<32x10000xi32, #tpu.memory_space<hbm>> -> memref<1x128xi32, #tpu.memory_space<hbm>>
    %dma_start3A_4 = tpu.memref_squeeze %dma_start3A : memref<1x128xi32, #tpu.memory_space<hbm>> -> memref<128xi32, #tpu.memory_space<hbm>>
    %dma_start3A_5 = tpu.memref_slice %arg4[%add3A, %multiple_of3A_3] : memref<32x10000xi32, #tpu.memory_space<hbm>> -> memref<1x128xi32, #tpu.memory_space<hbm>>
    %dma_start3A_6 = tpu.memref_squeeze %dma_start3A_5 : memref<1x128xi32, #tpu.memory_space<hbm>> -> memref<128xi32, #tpu.memory_space<hbm>>
    tpu.enqueue_dma source(%dma_start3A_6 : memref<128xi32, #tpu.memory_space<hbm>>) target(%arg10 : memref<128xi32, #tpu.memory_space<vmem>>) target_semaphore(%arg18 : memref<!tpu.dma_semaphore, #tpu.memory_space<semaphore_mem>>)
    %dma_start3A_7 = arith.constant 0 : i32
    %dma_start3A_8 = arith.constant 0 : i32
    %dma_start3A_9 = tpu.memref_slice %arg14[%dma_start3A_7, %dma_start3A_8] : memref<128x128xf32, #tpu.memory_space<vmem>> -> memref<64x128xf32, #tpu.memory_space<vmem>>
    %dma_start3A_10 = arith.constant 0 : i32
    %dma_start3A_11 = tpu.memref_slice %arg8[%dma_start3A_10] : memref<128xi32, #tpu.memory_space<vmem>> -> memref<64xi32, #tpu.memory_space<vmem>>
    %dma_start3A_12 = arith.constant 0 : i32
    %dma_start3A_13 = arith.constant 0 : i32
    %dma_start3A_14 = tpu.memref_slice %arg2[%dma_start3A_12, %dma_start3A_13] : memref<10000x128xf32, #tpu.memory_space<hbm>> -> memref<10000x128xf32, #tpu.memory_space<hbm>>
    tpu.enqueue_indirect_dma source(%dma_start3A_14 : memref<10000x128xf32, #tpu.memory_space<hbm>>) target(%dma_start3A_9 : memref<64x128xf32, #tpu.memory_space<vmem>>) offsets(%dma_start3A_11 : memref<64xi32, #tpu.memory_space<vmem>>) semaphore(%arg20 : memref<!tpu.dma_semaphore, #tpu.memory_space<semaphore_mem>>)
    %dma_start3A_15 = arith.constant 64 : i32
    %dma_start3A_16 = arith.constant 0 : i32
    %dma_start3A_17 = tpu.memref_slice %arg14[%dma_start3A_15, %dma_start3A_16] : memref<128x128xf32, #tpu.memory_space<vmem>> -> memref<64x128xf32, #tpu.memory_space<vmem>>
    %dma_start3A_18 = arith.constant 64 : i32
    %dma_start3A_19 = tpu.memref_slice %arg8[%dma_start3A_18] : memref<128xi32, #tpu.memory_space<vmem>> -> memref<64xi32, #tpu.memory_space<vmem>>
    %dma_start3A_20 = arith.constant 0 : i32
    %dma_start3A_21 = arith.constant 0 : i32
    %dma_start3A_22 = tpu.memref_slice %arg2[%dma_start3A_20, %dma_start3A_21] : memref<10000x128xf32, #tpu.memory_space<hbm>> -> memref<10000x128xf32, #tpu.memory_space<hbm>>
    tpu.enqueue_indirect_dma source(%dma_start3A_22 : memref<10000x128xf32, #tpu.memory_space<hbm>>) target(%dma_start3A_17 : memref<64x128xf32, #tpu.memory_space<vmem>>) offsets(%dma_start3A_19 : memref<64xi32, #tpu.memory_space<vmem>>) semaphore(%arg22 : memref<!tpu.dma_semaphore, #tpu.memory_space<semaphore_mem>>)
    %multiple_of3A_23 = arith.constant 128 : i32
    %multiple_of3A_24 = tpu.assume_multiple %multiple_of3A_23, 128 : i32
    %dma_start3A_25 = tpu.memref_slice %arg3[%add3A, %multiple_of3A_24] : memref<32x10000xi32, #tpu.memory_space<hbm>> -> memref<1x128xi32, #tpu.memory_space<hbm>>
    %dma_start3A_26 = tpu.memref_squeeze %dma_start3A_25 : memref<1x128xi32, #tpu.memory_space<hbm>> -> memref<128xi32, #tpu.memory_space<hbm>>
    %dma_start3A_27 = tpu.memref_slice %arg3[%add3A, %multiple_of3A_24] : memref<32x10000xi32, #tpu.memory_space<hbm>> -> memref<1x128xi32, #tpu.memory_space<hbm>>
    %dma_start3A_28 = tpu.memref_squeeze %dma_start3A_27 : memref<1x128xi32, #tpu.memory_space<hbm>> -> memref<128xi32, #tpu.memory_space<hbm>>
    tpu.enqueue_dma source(%dma_start3A_28 : memref<128xi32, #tpu.memory_space<hbm>>) target(%arg9 : memref<128xi32, #tpu.memory_space<vmem>>) target_semaphore(%arg17 : memref<!tpu.dma_semaphore, #tpu.memory_space<semaphore_mem>>)
    %mul3A_29 = arith.constant 625 : i32
    %mul3A_30 = arith.muli %arg1, %mul3A_29 : i32
    %jit3A = arith.constant 8 : i32
    %div3A = arith.divsi %mul3A_30, %jit3A : i32
    %sign3A = arith.constant 0 : i32
    %sign3A_31 = arith.cmpi sgt, %mul3A_30, %sign3A : i32
    %sign3A_32 = arith.extui %sign3A_31 : i1 to i32
    %sign3A_33 = arith.constant 0 : i32
    %sign3A_34 = arith.cmpi slt, %mul3A_30, %sign3A_33 : i32
    %sign3A_35 = arith.extui %sign3A_34 : i1 to i32
    %sign3A_36 = arith.subi %sign3A_32, %sign3A_35 : i32
    %sign3A_37 = arith.constant 0 : i32
    %sign3A_38 = arith.cmpi sgt, %jit3A, %sign3A_37 : i32
    %sign3A_39 = arith.extui %sign3A_38 : i1 to i32
    %sign3A_40 = arith.constant 0 : i32
    %sign3A_41 = arith.cmpi slt, %jit3A, %sign3A_40 : i32
    %sign3A_42 = arith.extui %sign3A_41 : i1 to i32
    %sign3A_43 = arith.subi %sign3A_39, %sign3A_42 : i32
    %ne3A = arith.cmpi ne, %sign3A_36, %sign3A_43 : i32
    %rem3A = arith.remsi %mul3A_30, %jit3A : i32
    %ne3A_44 = arith.constant 0 : i32
    %ne3A_45 = arith.cmpi ne, %rem3A, %ne3A_44 : i32
    %and3A = arith.andi %ne3A, %ne3A_45 : i1
    %sub3A = arith.constant 1 : i32
    %sub3A_46 = arith.subi %div3A, %sub3A : i32
    %select_n3A = arith.select %and3A, %sub3A_46, %div3A : i32
    %mul3A_47 = arith.constant 8 : i32
    %mul3A_48 = arith.muli %select_n3A, %mul3A_47 : i32
    %multiple_of3A_49 = tpu.assume_multiple %mul3A_48, 8 : i32
    "tpu.region"() ({
      %run_scoped3A = tpu.sem_alloc : memref<!tpu.dma_semaphore, #tpu.memory_space<semaphore_mem>>
      %dma_start3A_264 = arith.constant 0 : i32
      %dma_start3A_265 = tpu.memref_slice %arg7[%multiple_of3A_49, %dma_start3A_264] : memref<10000x128xf32, #tpu.memory_space<vmem_shared>> -> memref<632x128xf32, #tpu.memory_space<vmem_shared>>
      %dma_start3A_266 = arith.constant 0 : i32
      %dma_start3A_267 = tpu.memref_slice %arg5[%multiple_of3A_49, %dma_start3A_266] : memref<10000x128xf32, #tpu.memory_space<hbm>> -> memref<632x128xf32, #tpu.memory_space<hbm>>
      tpu.enqueue_dma source(%dma_start3A_267 : memref<632x128xf32, #tpu.memory_space<hbm>>) target(%dma_start3A_265 : memref<632x128xf32, #tpu.memory_space<vmem_shared>>) target_semaphore(%run_scoped3A : memref<!tpu.dma_semaphore, #tpu.memory_space<semaphore_mem>>)
      %dma_wait3A_268 = arith.constant 0 : i32
      %dma_wait3A_269 = tpu.memref_slice %arg7[%multiple_of3A_49, %dma_wait3A_268] : memref<10000x128xf32, #tpu.memory_space<vmem_shared>> -> memref<632x128xf32, #tpu.memory_space<vmem_shared>>
      %dma_wait3A_270 = arith.constant 0 : i32
      %dma_wait3A_271 = tpu.memref_slice %arg5[%multiple_of3A_49, %dma_wait3A_270] : memref<10000x128xf32, #tpu.memory_space<hbm>> -> memref<632x128xf32, #tpu.memory_space<hbm>>
      tpu.wait_dma2 semaphore(%run_scoped3A : memref<!tpu.dma_semaphore, #tpu.memory_space<semaphore_mem>>) src(%dma_wait3A_271 : memref<632x128xf32, #tpu.memory_space<hbm>>) dst(%dma_wait3A_269 : memref<632x128xf32, #tpu.memory_space<vmem_shared>>)
      tpu.yield
    }) : () -> ()
    %barrier3A = arith.constant 0 : index
    tpu.barrier barrier_id(%barrier3A)
    %dma_wait3A = arith.constant 0 : i32
    %dma_wait3A_50 = arith.constant 0 : i32
    %dma_wait3A_51 = tpu.memref_slice %arg14[%dma_wait3A, %dma_wait3A_50] : memref<128x128xf32, #tpu.memory_space<vmem>> -> memref<64x128xf32, #tpu.memory_space<vmem>>
    %dma_wait3A_52 = arith.constant 0 : i32
    %dma_wait3A_53 = tpu.memref_slice %arg8[%dma_wait3A_52] : memref<128xi32, #tpu.memory_space<vmem>> -> memref<64xi32, #tpu.memory_space<vmem>>
    %dma_wait3A_54 = arith.constant 0 : i32
    %dma_wait3A_55 = arith.constant 0 : i32
    %dma_wait3A_56 = tpu.memref_slice %arg2[%dma_wait3A_54, %dma_wait3A_55] : memref<10000x128xf32, #tpu.memory_space<hbm>> -> memref<10000x128xf32, #tpu.memory_space<hbm>>
    tpu.wait_indirect_dma semaphore(%arg20 : memref<!tpu.dma_semaphore, #tpu.memory_space<semaphore_mem>>) src(%dma_wait3A_56 : memref<10000x128xf32, #tpu.memory_space<hbm>>) dst(%dma_wait3A_51 : memref<64x128xf32, #tpu.memory_space<vmem>>)
    %dma_wait3A_57 = arith.constant 64 : i32
    %dma_wait3A_58 = arith.constant 0 : i32
    %dma_wait3A_59 = tpu.memref_slice %arg14[%dma_wait3A_57, %dma_wait3A_58] : memref<128x128xf32, #tpu.memory_space<vmem>> -> memref<64x128xf32, #tpu.memory_space<vmem>>
    %dma_wait3A_60 = arith.constant 64 : i32
    %dma_wait3A_61 = tpu.memref_slice %arg8[%dma_wait3A_60] : memref<128xi32, #tpu.memory_space<vmem>> -> memref<64xi32, #tpu.memory_space<vmem>>
    %dma_wait3A_62 = arith.constant 0 : i32
    %dma_wait3A_63 = arith.constant 0 : i32
    %dma_wait3A_64 = tpu.memref_slice %arg2[%dma_wait3A_62, %dma_wait3A_63] : memref<10000x128xf32, #tpu.memory_space<hbm>> -> memref<10000x128xf32, #tpu.memory_space<hbm>>
    tpu.wait_indirect_dma semaphore(%arg22 : memref<!tpu.dma_semaphore, #tpu.memory_space<semaphore_mem>>) src(%dma_wait3A_64 : memref<10000x128xf32, #tpu.memory_space<hbm>>) dst(%dma_wait3A_59 : memref<64x128xf32, #tpu.memory_space<vmem>>)
    %multiple_of3A_65 = arith.constant 256 : i32
    %multiple_of3A_66 = tpu.assume_multiple %multiple_of3A_65, 128 : i32
    %dma_start3A_67 = tpu.memref_slice %arg3[%add3A, %multiple_of3A_66] : memref<32x10000xi32, #tpu.memory_space<hbm>> -> memref<1x128xi32, #tpu.memory_space<hbm>>
    %dma_start3A_68 = tpu.memref_squeeze %dma_start3A_67 : memref<1x128xi32, #tpu.memory_space<hbm>> -> memref<128xi32, #tpu.memory_space<hbm>>
    %dma_start3A_69 = tpu.memref_slice %arg3[%add3A, %multiple_of3A_66] : memref<32x10000xi32, #tpu.memory_space<hbm>> -> memref<1x128xi32, #tpu.memory_space<hbm>>
    %dma_start3A_70 = tpu.memref_squeeze %dma_start3A_69 : memref<1x128xi32, #tpu.memory_space<hbm>> -> memref<128xi32, #tpu.memory_space<hbm>>
    tpu.enqueue_dma source(%dma_start3A_70 : memref<128xi32, #tpu.memory_space<hbm>>) target(%arg8 : memref<128xi32, #tpu.memory_space<vmem>>) target_semaphore(%arg16 : memref<!tpu.dma_semaphore, #tpu.memory_space<semaphore_mem>>)
    %multiple_of3A_71 = arith.constant 0 : i32
    %multiple_of3A_72 = tpu.assume_multiple %multiple_of3A_71, 128 : i32
    %dma_wait3A_73 = tpu.memref_slice %arg4[%add3A, %multiple_of3A_72] : memref<32x10000xi32, #tpu.memory_space<hbm>> -> memref<1x128xi32, #tpu.memory_space<hbm>>
    %dma_wait3A_74 = tpu.memref_squeeze %dma_wait3A_73 : memref<1x128xi32, #tpu.memory_space<hbm>> -> memref<128xi32, #tpu.memory_space<hbm>>
    %dma_wait3A_75 = tpu.memref_slice %arg4[%add3A, %multiple_of3A_72] : memref<32x10000xi32, #tpu.memory_space<hbm>> -> memref<1x128xi32, #tpu.memory_space<hbm>>
    %dma_wait3A_76 = tpu.memref_squeeze %dma_wait3A_75 : memref<1x128xi32, #tpu.memory_space<hbm>> -> memref<128xi32, #tpu.memory_space<hbm>>
    tpu.wait_dma2 semaphore(%arg18 : memref<!tpu.dma_semaphore, #tpu.memory_space<semaphore_mem>>) src(%dma_wait3A_76 : memref<128xi32, #tpu.memory_space<hbm>>) dst(%arg10 : memref<128xi32, #tpu.memory_space<vmem>>)
    %dma_start3A_77 = arith.constant 0 : i32
    %dma_start3A_78 = arith.constant 0 : i32
    %dma_start3A_79 = tpu.memref_slice %arg7[%dma_start3A_77, %dma_start3A_78] : memref<10000x128xf32, #tpu.memory_space<vmem_shared>> -> memref<10000x128xf32, #tpu.memory_space<vmem_shared>>
    tpu.enqueue_indirect_dma source(%arg14 : memref<128x128xf32, #tpu.memory_space<vmem>>) target(%dma_start3A_79 : memref<10000x128xf32, #tpu.memory_space<vmem_shared>>) offsets(%arg10 : memref<128xi32, #tpu.memory_space<vmem>>) semaphore(%arg24 : memref<!tpu.dma_semaphore, #tpu.memory_space<semaphore_mem>>) {add = true}
    %multiple_of3A_80 = arith.constant 128 : i32
    %multiple_of3A_81 = tpu.assume_multiple %multiple_of3A_80, 128 : i32
    %dma_wait3A_82 = tpu.memref_slice %arg3[%add3A, %multiple_of3A_81] : memref<32x10000xi32, #tpu.memory_space<hbm>> -> memref<1x128xi32, #tpu.memory_space<hbm>>
    %dma_wait3A_83 = tpu.memref_squeeze %dma_wait3A_82 : memref<1x128xi32, #tpu.memory_space<hbm>> -> memref<128xi32, #tpu.memory_space<hbm>>
    %dma_wait3A_84 = tpu.memref_slice %arg3[%add3A, %multiple_of3A_81] : memref<32x10000xi32, #tpu.memory_space<hbm>> -> memref<1x128xi32, #tpu.memory_space<hbm>>
    %dma_wait3A_85 = tpu.memref_squeeze %dma_wait3A_84 : memref<1x128xi32, #tpu.memory_space<hbm>> -> memref<128xi32, #tpu.memory_space<hbm>>
    tpu.wait_dma2 semaphore(%arg17 : memref<!tpu.dma_semaphore, #tpu.memory_space<semaphore_mem>>) src(%dma_wait3A_85 : memref<128xi32, #tpu.memory_space<hbm>>) dst(%arg9 : memref<128xi32, #tpu.memory_space<vmem>>)
    %multiple_of3A_86 = arith.constant 128 : i32
    %multiple_of3A_87 = tpu.assume_multiple %multiple_of3A_86, 128 : i32
    %dma_start3A_88 = tpu.memref_slice %arg4[%add3A, %multiple_of3A_87] : memref<32x10000xi32, #tpu.memory_space<hbm>> -> memref<1x128xi32, #tpu.memory_space<hbm>>
    %dma_start3A_89 = tpu.memref_squeeze %dma_start3A_88 : memref<1x128xi32, #tpu.memory_space<hbm>> -> memref<128xi32, #tpu.memory_space<hbm>>
    %dma_start3A_90 = tpu.memref_slice %arg4[%add3A, %multiple_of3A_87] : memref<32x10000xi32, #tpu.memory_space<hbm>> -> memref<1x128xi32, #tpu.memory_space<hbm>>
    %dma_start3A_91 = tpu.memref_squeeze %dma_start3A_90 : memref<1x128xi32, #tpu.memory_space<hbm>> -> memref<128xi32, #tpu.memory_space<hbm>>
    tpu.enqueue_dma source(%dma_start3A_91 : memref<128xi32, #tpu.memory_space<hbm>>) target(%arg11 : memref<128xi32, #tpu.memory_space<vmem>>) target_semaphore(%arg19 : memref<!tpu.dma_semaphore, #tpu.memory_space<semaphore_mem>>)
    %dma_start3A_92 = arith.constant 0 : i32
    %dma_start3A_93 = arith.constant 0 : i32
    %dma_start3A_94 = tpu.memref_slice %arg15[%dma_start3A_92, %dma_start3A_93] : memref<128x128xf32, #tpu.memory_space<vmem>> -> memref<64x128xf32, #tpu.memory_space<vmem>>
    %dma_start3A_95 = arith.constant 0 : i32
    %dma_start3A_96 = tpu.memref_slice %arg9[%dma_start3A_95] : memref<128xi32, #tpu.memory_space<vmem>> -> memref<64xi32, #tpu.memory_space<vmem>>
    %dma_start3A_97 = arith.constant 0 : i32
    %dma_start3A_98 = arith.constant 0 : i32
    %dma_start3A_99 = tpu.memref_slice %arg2[%dma_start3A_97, %dma_start3A_98] : memref<10000x128xf32, #tpu.memory_space<hbm>> -> memref<10000x128xf32, #tpu.memory_space<hbm>>
    tpu.enqueue_indirect_dma source(%dma_start3A_99 : memref<10000x128xf32, #tpu.memory_space<hbm>>) target(%dma_start3A_94 : memref<64x128xf32, #tpu.memory_space<vmem>>) offsets(%dma_start3A_96 : memref<64xi32, #tpu.memory_space<vmem>>) semaphore(%arg21 : memref<!tpu.dma_semaphore, #tpu.memory_space<semaphore_mem>>)
    %dma_start3A_100 = arith.constant 64 : i32
    %dma_start3A_101 = arith.constant 0 : i32
    %dma_start3A_102 = tpu.memref_slice %arg15[%dma_start3A_100, %dma_start3A_101] : memref<128x128xf32, #tpu.memory_space<vmem>> -> memref<64x128xf32, #tpu.memory_space<vmem>>
    %dma_start3A_103 = arith.constant 64 : i32
    %dma_start3A_104 = tpu.memref_slice %arg9[%dma_start3A_103] : memref<128xi32, #tpu.memory_space<vmem>> -> memref<64xi32, #tpu.memory_space<vmem>>
    %dma_start3A_105 = arith.constant 0 : i32
    %dma_start3A_106 = arith.constant 0 : i32
    %dma_start3A_107 = tpu.memref_slice %arg2[%dma_start3A_105, %dma_start3A_106] : memref<10000x128xf32, #tpu.memory_space<hbm>> -> memref<10000x128xf32, #tpu.memory_space<hbm>>
    tpu.enqueue_indirect_dma source(%dma_start3A_107 : memref<10000x128xf32, #tpu.memory_space<hbm>>) target(%dma_start3A_102 : memref<64x128xf32, #tpu.memory_space<vmem>>) offsets(%dma_start3A_104 : memref<64xi32, #tpu.memory_space<vmem>>) semaphore(%arg23 : memref<!tpu.dma_semaphore, #tpu.memory_space<semaphore_mem>>)
    %scan3A = arith.constant 0 : i32
    %scan3A_108 = arith.constant 37 : i32
    %scan3A_109 = arith.addi %scan3A, %scan3A_108 : i32
    %scan3A_110 = arith.constant 1 : i32
    scf.for %scan3A_264 = %scan3A to %scan3A_109 step %scan3A_110  : i32 {
      %mul3A_265 = arith.constant 2 : i32
      %mul3A_266 = arith.muli %scan3A_264, %mul3A_265 : i32
      %add3A_267 = arith.constant 1 : i32
      %add3A_268 = arith.addi %add3A_267, %mul3A_266 : i32
      %dma_wait3A_269 = arith.constant 0 : i32
      %dma_wait3A_270 = arith.constant 0 : i32
      %dma_wait3A_271 = tpu.memref_slice %arg15[%dma_wait3A_269, %dma_wait3A_270] : memref<128x128xf32, #tpu.memory_space<vmem>> -> memref<64x128xf32, #tpu.memory_space<vmem>>
      %dma_wait3A_272 = arith.constant 0 : i32
      %dma_wait3A_273 = tpu.memref_slice %arg9[%dma_wait3A_272] : memref<128xi32, #tpu.memory_space<vmem>> -> memref<64xi32, #tpu.memory_space<vmem>>
      %dma_wait3A_274 = arith.constant 0 : i32
      %dma_wait3A_275 = arith.constant 0 : i32
      %dma_wait3A_276 = tpu.memref_slice %arg2[%dma_wait3A_274, %dma_wait3A_275] : memref<10000x128xf32, #tpu.memory_space<hbm>> -> memref<10000x128xf32, #tpu.memory_space<hbm>>
      tpu.wait_indirect_dma semaphore(%arg21 : memref<!tpu.dma_semaphore, #tpu.memory_space<semaphore_mem>>) src(%dma_wait3A_276 : memref<10000x128xf32, #tpu.memory_space<hbm>>) dst(%dma_wait3A_271 : memref<64x128xf32, #tpu.memory_space<vmem>>)
      %dma_wait3A_277 = arith.constant 64 : i32
      %dma_wait3A_278 = arith.constant 0 : i32
      %dma_wait3A_279 = tpu.memref_slice %arg15[%dma_wait3A_277, %dma_wait3A_278] : memref<128x128xf32, #tpu.memory_space<vmem>> -> memref<64x128xf32, #tpu.memory_space<vmem>>
      %dma_wait3A_280 = arith.constant 64 : i32
      %dma_wait3A_281 = tpu.memref_slice %arg9[%dma_wait3A_280] : memref<128xi32, #tpu.memory_space<vmem>> -> memref<64xi32, #tpu.memory_space<vmem>>
      %dma_wait3A_282 = arith.constant 0 : i32
      %dma_wait3A_283 = arith.constant 0 : i32
      %dma_wait3A_284 = tpu.memref_slice %arg2[%dma_wait3A_282, %dma_wait3A_283] : memref<10000x128xf32, #tpu.memory_space<hbm>> -> memref<10000x128xf32, #tpu.memory_space<hbm>>
      tpu.wait_indirect_dma semaphore(%arg23 : memref<!tpu.dma_semaphore, #tpu.memory_space<semaphore_mem>>) src(%dma_wait3A_284 : memref<10000x128xf32, #tpu.memory_space<hbm>>) dst(%dma_wait3A_279 : memref<64x128xf32, #tpu.memory_space<vmem>>)
      %add3A_285 = arith.constant 2 : i32
      %add3A_286 = arith.addi %add3A_268, %add3A_285 : i32
      %mul3A_287 = arith.constant 128 : i32
      %mul3A_288 = arith.muli %add3A_286, %mul3A_287 : i32
      %multiple_of3A_289 = tpu.assume_multiple %mul3A_288, 128 : i32
      %dma_start3A_290 = tpu.memref_slice %arg3[%add3A, %multiple_of3A_289] : memref<32x10000xi32, #tpu.memory_space<hbm>> -> memref<1x128xi32, #tpu.memory_space<hbm>>
      %dma_start3A_291 = tpu.memref_squeeze %dma_start3A_290 : memref<1x128xi32, #tpu.memory_space<hbm>> -> memref<128xi32, #tpu.memory_space<hbm>>
      %dma_start3A_292 = tpu.memref_slice %arg3[%add3A, %multiple_of3A_289] : memref<32x10000xi32, #tpu.memory_space<hbm>> -> memref<1x128xi32, #tpu.memory_space<hbm>>
      %dma_start3A_293 = tpu.memref_squeeze %dma_start3A_292 : memref<1x128xi32, #tpu.memory_space<hbm>> -> memref<128xi32, #tpu.memory_space<hbm>>
      tpu.enqueue_dma source(%dma_start3A_293 : memref<128xi32, #tpu.memory_space<hbm>>) target(%arg9 : memref<128xi32, #tpu.memory_space<vmem>>) target_semaphore(%arg17 : memref<!tpu.dma_semaphore, #tpu.memory_space<semaphore_mem>>)
      %mul3A_294 = arith.constant 128 : i32
      %mul3A_295 = arith.muli %add3A_268, %mul3A_294 : i32
      %multiple_of3A_296 = tpu.assume_multiple %mul3A_295, 128 : i32
      %dma_wait3A_297 = tpu.memref_slice %arg4[%add3A, %multiple_of3A_296] : memref<32x10000xi32, #tpu.memory_space<hbm>> -> memref<1x128xi32, #tpu.memory_space<hbm>>
      %dma_wait3A_298 = tpu.memref_squeeze %dma_wait3A_297 : memref<1x128xi32, #tpu.memory_space<hbm>> -> memref<128xi32, #tpu.memory_space<hbm>>
      %dma_wait3A_299 = tpu.memref_slice %arg4[%add3A, %multiple_of3A_296] : memref<32x10000xi32, #tpu.memory_space<hbm>> -> memref<1x128xi32, #tpu.memory_space<hbm>>
      %dma_wait3A_300 = tpu.memref_squeeze %dma_wait3A_299 : memref<1x128xi32, #tpu.memory_space<hbm>> -> memref<128xi32, #tpu.memory_space<hbm>>
      tpu.wait_dma2 semaphore(%arg19 : memref<!tpu.dma_semaphore, #tpu.memory_space<semaphore_mem>>) src(%dma_wait3A_300 : memref<128xi32, #tpu.memory_space<hbm>>) dst(%arg11 : memref<128xi32, #tpu.memory_space<vmem>>)
      %dma_start3A_301 = arith.constant 0 : i32
      %dma_start3A_302 = arith.constant 0 : i32
      %dma_start3A_303 = tpu.memref_slice %arg7[%dma_start3A_301, %dma_start3A_302] : memref<10000x128xf32, #tpu.memory_space<vmem_shared>> -> memref<10000x128xf32, #tpu.memory_space<vmem_shared>>
      tpu.enqueue_indirect_dma source(%arg15 : memref<128x128xf32, #tpu.memory_space<vmem>>) target(%dma_start3A_303 : memref<10000x128xf32, #tpu.memory_space<vmem_shared>>) offsets(%arg11 : memref<128xi32, #tpu.memory_space<vmem>>) semaphore(%arg25 : memref<!tpu.dma_semaphore, #tpu.memory_space<semaphore_mem>>) {add = true}
      %add3A_304 = arith.constant 1 : i32
      %add3A_305 = arith.addi %add3A_268, %add3A_304 : i32
      %mul3A_306 = arith.constant 128 : i32
      %mul3A_307 = arith.muli %add3A_305, %mul3A_306 : i32
      %multiple_of3A_308 = tpu.assume_multiple %mul3A_307, 128 : i32
      %dma_wait3A_309 = tpu.memref_slice %arg3[%add3A, %multiple_of3A_308] : memref<32x10000xi32, #tpu.memory_space<hbm>> -> memref<1x128xi32, #tpu.memory_space<hbm>>
      %dma_wait3A_310 = tpu.memref_squeeze %dma_wait3A_309 : memref<1x128xi32, #tpu.memory_space<hbm>> -> memref<128xi32, #tpu.memory_space<hbm>>
      %dma_wait3A_311 = tpu.memref_slice %arg3[%add3A, %multiple_of3A_308] : memref<32x10000xi32, #tpu.memory_space<hbm>> -> memref<1x128xi32, #tpu.memory_space<hbm>>
      %dma_wait3A_312 = tpu.memref_squeeze %dma_wait3A_311 : memref<1x128xi32, #tpu.memory_space<hbm>> -> memref<128xi32, #tpu.memory_space<hbm>>
      tpu.wait_dma2 semaphore(%arg16 : memref<!tpu.dma_semaphore, #tpu.memory_space<semaphore_mem>>) src(%dma_wait3A_312 : memref<128xi32, #tpu.memory_space<hbm>>) dst(%arg8 : memref<128xi32, #tpu.memory_space<vmem>>)
      %dma_wait3A_313 = arith.constant 0 : i32
      %dma_wait3A_314 = arith.constant 0 : i32
      %dma_wait3A_315 = tpu.memref_slice %arg7[%dma_wait3A_313, %dma_wait3A_314] : memref<10000x128xf32, #tpu.memory_space<vmem_shared>> -> memref<10000x128xf32, #tpu.memory_space<vmem_shared>>
      tpu.wait_indirect_dma semaphore(%arg24 : memref<!tpu.dma_semaphore, #tpu.memory_space<semaphore_mem>>) src(%arg14 : memref<128x128xf32, #tpu.memory_space<vmem>>) dst(%dma_wait3A_315 : memref<10000x128xf32, #tpu.memory_space<vmem_shared>>)
      %add3A_316 = arith.constant 1 : i32
      %add3A_317 = arith.addi %add3A_268, %add3A_316 : i32
      %mul3A_318 = arith.constant 128 : i32
      %mul3A_319 = arith.muli %add3A_317, %mul3A_318 : i32
      %multiple_of3A_320 = tpu.assume_multiple %mul3A_319, 128 : i32
      %dma_start3A_321 = tpu.memref_slice %arg4[%add3A, %multiple_of3A_320] : memref<32x10000xi32, #tpu.memory_space<hbm>> -> memref<1x128xi32, #tpu.memory_space<hbm>>
      %dma_start3A_322 = tpu.memref_squeeze %dma_start3A_321 : memref<1x128xi32, #tpu.memory_space<hbm>> -> memref<128xi32, #tpu.memory_space<hbm>>
      %dma_start3A_323 = tpu.memref_slice %arg4[%add3A, %multiple_of3A_320] : memref<32x10000xi32, #tpu.memory_space<hbm>> -> memref<1x128xi32, #tpu.memory_space<hbm>>
      %dma_start3A_324 = tpu.memref_squeeze %dma_start3A_323 : memref<1x128xi32, #tpu.memory_space<hbm>> -> memref<128xi32, #tpu.memory_space<hbm>>
      tpu.enqueue_dma source(%dma_start3A_324 : memref<128xi32, #tpu.memory_space<hbm>>) target(%arg10 : memref<128xi32, #tpu.memory_space<vmem>>) target_semaphore(%arg18 : memref<!tpu.dma_semaphore, #tpu.memory_space<semaphore_mem>>)
      %dma_start3A_325 = arith.constant 0 : i32
      %dma_start3A_326 = arith.constant 0 : i32
      %dma_start3A_327 = tpu.memref_slice %arg14[%dma_start3A_325, %dma_start3A_326] : memref<128x128xf32, #tpu.memory_space<vmem>> -> memref<64x128xf32, #tpu.memory_space<vmem>>
      %dma_start3A_328 = arith.constant 0 : i32
      %dma_start3A_329 = tpu.memref_slice %arg8[%dma_start3A_328] : memref<128xi32, #tpu.memory_space<vmem>> -> memref<64xi32, #tpu.memory_space<vmem>>
      %dma_start3A_330 = arith.constant 0 : i32
      %dma_start3A_331 = arith.constant 0 : i32
      %dma_start3A_332 = tpu.memref_slice %arg2[%dma_start3A_330, %dma_start3A_331] : memref<10000x128xf32, #tpu.memory_space<hbm>> -> memref<10000x128xf32, #tpu.memory_space<hbm>>
      tpu.enqueue_indirect_dma source(%dma_start3A_332 : memref<10000x128xf32, #tpu.memory_space<hbm>>) target(%dma_start3A_327 : memref<64x128xf32, #tpu.memory_space<vmem>>) offsets(%dma_start3A_329 : memref<64xi32, #tpu.memory_space<vmem>>) semaphore(%arg20 : memref<!tpu.dma_semaphore, #tpu.memory_space<semaphore_mem>>)
      %dma_start3A_333 = arith.constant 64 : i32
      %dma_start3A_334 = arith.constant 0 : i32
      %dma_start3A_335 = tpu.memref_slice %arg14[%dma_start3A_333, %dma_start3A_334] : memref<128x128xf32, #tpu.memory_space<vmem>> -> memref<64x128xf32, #tpu.memory_space<vmem>>
      %dma_start3A_336 = arith.constant 64 : i32
      %dma_start3A_337 = tpu.memref_slice %arg8[%dma_start3A_336] : memref<128xi32, #tpu.memory_space<vmem>> -> memref<64xi32, #tpu.memory_space<vmem>>
      %dma_start3A_338 = arith.constant 0 : i32
      %dma_start3A_339 = arith.constant 0 : i32
      %dma_start3A_340 = tpu.memref_slice %arg2[%dma_start3A_338, %dma_start3A_339] : memref<10000x128xf32, #tpu.memory_space<hbm>> -> memref<10000x128xf32, #tpu.memory_space<hbm>>
      tpu.enqueue_indirect_dma source(%dma_start3A_340 : memref<10000x128xf32, #tpu.memory_space<hbm>>) target(%dma_start3A_335 : memref<64x128xf32, #tpu.memory_space<vmem>>) offsets(%dma_start3A_337 : memref<64xi32, #tpu.memory_space<vmem>>) semaphore(%arg22 : memref<!tpu.dma_semaphore, #tpu.memory_space<semaphore_mem>>)
      %add3A_341 = arith.constant 1 : i32
      %add3A_342 = arith.addi %add3A_268, %add3A_341 : i32
      %dma_wait3A_343 = arith.constant 0 : i32
      %dma_wait3A_344 = arith.constant 0 : i32
      %dma_wait3A_345 = tpu.memref_slice %arg14[%dma_wait3A_343, %dma_wait3A_344] : memref<128x128xf32, #tpu.memory_space<vmem>> -> memref<64x128xf32, #tpu.memory_space<vmem>>
      %dma_wait3A_346 = arith.constant 0 : i32
      %dma_wait3A_347 = tpu.memref_slice %arg8[%dma_wait3A_346] : memref<128xi32, #tpu.memory_space<vmem>> -> memref<64xi32, #tpu.memory_space<vmem>>
      %dma_wait3A_348 = arith.constant 0 : i32
      %dma_wait3A_349 = arith.constant 0 : i32
      %dma_wait3A_350 = tpu.memref_slice %arg2[%dma_wait3A_348, %dma_wait3A_349] : memref<10000x128xf32, #tpu.memory_space<hbm>> -> memref<10000x128xf32, #tpu.memory_space<hbm>>
      tpu.wait_indirect_dma semaphore(%arg20 : memref<!tpu.dma_semaphore, #tpu.memory_space<semaphore_mem>>) src(%dma_wait3A_350 : memref<10000x128xf32, #tpu.memory_space<hbm>>) dst(%dma_wait3A_345 : memref<64x128xf32, #tpu.memory_space<vmem>>)
      %dma_wait3A_351 = arith.constant 64 : i32
      %dma_wait3A_352 = arith.constant 0 : i32
      %dma_wait3A_353 = tpu.memref_slice %arg14[%dma_wait3A_351, %dma_wait3A_352] : memref<128x128xf32, #tpu.memory_space<vmem>> -> memref<64x128xf32, #tpu.memory_space<vmem>>
      %dma_wait3A_354 = arith.constant 64 : i32
      %dma_wait3A_355 = tpu.memref_slice %arg8[%dma_wait3A_354] : memref<128xi32, #tpu.memory_space<vmem>> -> memref<64xi32, #tpu.memory_space<vmem>>
      %dma_wait3A_356 = arith.constant 0 : i32
      %dma_wait3A_357 = arith.constant 0 : i32
      %dma_wait3A_358 = tpu.memref_slice %arg2[%dma_wait3A_356, %dma_wait3A_357] : memref<10000x128xf32, #tpu.memory_space<hbm>> -> memref<10000x128xf32, #tpu.memory_space<hbm>>
      tpu.wait_indirect_dma semaphore(%arg22 : memref<!tpu.dma_semaphore, #tpu.memory_space<semaphore_mem>>) src(%dma_wait3A_358 : memref<10000x128xf32, #tpu.memory_space<hbm>>) dst(%dma_wait3A_353 : memref<64x128xf32, #tpu.memory_space<vmem>>)
      %add3A_359 = arith.constant 2 : i32
      %add3A_360 = arith.addi %add3A_342, %add3A_359 : i32
      %mul3A_361 = arith.constant 128 : i32
      %mul3A_362 = arith.muli %add3A_360, %mul3A_361 : i32
      %multiple_of3A_363 = tpu.assume_multiple %mul3A_362, 128 : i32
      %dma_start3A_364 = tpu.memref_slice %arg3[%add3A, %multiple_of3A_363] : memref<32x10000xi32, #tpu.memory_space<hbm>> -> memref<1x128xi32, #tpu.memory_space<hbm>>
      %dma_start3A_365 = tpu.memref_squeeze %dma_start3A_364 : memref<1x128xi32, #tpu.memory_space<hbm>> -> memref<128xi32, #tpu.memory_space<hbm>>
      %dma_start3A_366 = tpu.memref_slice %arg3[%add3A, %multiple_of3A_363] : memref<32x10000xi32, #tpu.memory_space<hbm>> -> memref<1x128xi32, #tpu.memory_space<hbm>>
      %dma_start3A_367 = tpu.memref_squeeze %dma_start3A_366 : memref<1x128xi32, #tpu.memory_space<hbm>> -> memref<128xi32, #tpu.memory_space<hbm>>
      tpu.enqueue_dma source(%dma_start3A_367 : memref<128xi32, #tpu.memory_space<hbm>>) target(%arg8 : memref<128xi32, #tpu.memory_space<vmem>>) target_semaphore(%arg16 : memref<!tpu.dma_semaphore, #tpu.memory_space<semaphore_mem>>)
      %mul3A_368 = arith.constant 128 : i32
      %mul3A_369 = arith.muli %add3A_342, %mul3A_368 : i32
      %multiple_of3A_370 = tpu.assume_multiple %mul3A_369, 128 : i32
      %dma_wait3A_371 = tpu.memref_slice %arg4[%add3A, %multiple_of3A_370] : memref<32x10000xi32, #tpu.memory_space<hbm>> -> memref<1x128xi32, #tpu.memory_space<hbm>>
      %dma_wait3A_372 = tpu.memref_squeeze %dma_wait3A_371 : memref<1x128xi32, #tpu.memory_space<hbm>> -> memref<128xi32, #tpu.memory_space<hbm>>
      %dma_wait3A_373 = tpu.memref_slice %arg4[%add3A, %multiple_of3A_370] : memref<32x10000xi32, #tpu.memory_space<hbm>> -> memref<1x128xi32, #tpu.memory_space<hbm>>
      %dma_wait3A_374 = tpu.memref_squeeze %dma_wait3A_373 : memref<1x128xi32, #tpu.memory_space<hbm>> -> memref<128xi32, #tpu.memory_space<hbm>>
      tpu.wait_dma2 semaphore(%arg18 : memref<!tpu.dma_semaphore, #tpu.memory_space<semaphore_mem>>) src(%dma_wait3A_374 : memref<128xi32, #tpu.memory_space<hbm>>) dst(%arg10 : memref<128xi32, #tpu.memory_space<vmem>>)
      %dma_start3A_375 = arith.constant 0 : i32
      %dma_start3A_376 = arith.constant 0 : i32
      %dma_start3A_377 = tpu.memref_slice %arg7[%dma_start3A_375, %dma_start3A_376] : memref<10000x128xf32, #tpu.memory_space<vmem_shared>> -> memref<10000x128xf32, #tpu.memory_space<vmem_shared>>
      tpu.enqueue_indirect_dma source(%arg14 : memref<128x128xf32, #tpu.memory_space<vmem>>) target(%dma_start3A_377 : memref<10000x128xf32, #tpu.memory_space<vmem_shared>>) offsets(%arg10 : memref<128xi32, #tpu.memory_space<vmem>>) semaphore(%arg24 : memref<!tpu.dma_semaphore, #tpu.memory_space<semaphore_mem>>) {add = true}
      %add3A_378 = arith.constant 1 : i32
      %add3A_379 = arith.addi %add3A_342, %add3A_378 : i32
      %mul3A_380 = arith.constant 128 : i32
      %mul3A_381 = arith.muli %add3A_379, %mul3A_380 : i32
      %multiple_of3A_382 = tpu.assume_multiple %mul3A_381, 128 : i32
      %dma_wait3A_383 = tpu.memref_slice %arg3[%add3A, %multiple_of3A_382] : memref<32x10000xi32, #tpu.memory_space<hbm>> -> memref<1x128xi32, #tpu.memory_space<hbm>>
      %dma_wait3A_384 = tpu.memref_squeeze %dma_wait3A_383 : memref<1x128xi32, #tpu.memory_space<hbm>> -> memref<128xi32, #tpu.memory_space<hbm>>
      %dma_wait3A_385 = tpu.memref_slice %arg3[%add3A, %multiple_of3A_382] : memref<32x10000xi32, #tpu.memory_space<hbm>> -> memref<1x128xi32, #tpu.memory_space<hbm>>
      %dma_wait3A_386 = tpu.memref_squeeze %dma_wait3A_385 : memref<1x128xi32, #tpu.memory_space<hbm>> -> memref<128xi32, #tpu.memory_space<hbm>>
      tpu.wait_dma2 semaphore(%arg17 : memref<!tpu.dma_semaphore, #tpu.memory_space<semaphore_mem>>) src(%dma_wait3A_386 : memref<128xi32, #tpu.memory_space<hbm>>) dst(%arg9 : memref<128xi32, #tpu.memory_space<vmem>>)
      %dma_wait3A_387 = arith.constant 0 : i32
      %dma_wait3A_388 = arith.constant 0 : i32
      %dma_wait3A_389 = tpu.memref_slice %arg7[%dma_wait3A_387, %dma_wait3A_388] : memref<10000x128xf32, #tpu.memory_space<vmem_shared>> -> memref<10000x128xf32, #tpu.memory_space<vmem_shared>>
      tpu.wait_indirect_dma semaphore(%arg25 : memref<!tpu.dma_semaphore, #tpu.memory_space<semaphore_mem>>) src(%arg15 : memref<128x128xf32, #tpu.memory_space<vmem>>) dst(%dma_wait3A_389 : memref<10000x128xf32, #tpu.memory_space<vmem_shared>>)
      %add3A_390 = arith.constant 1 : i32
      %add3A_391 = arith.addi %add3A_342, %add3A_390 : i32
      %mul3A_392 = arith.constant 128 : i32
      %mul3A_393 = arith.muli %add3A_391, %mul3A_392 : i32
      %multiple_of3A_394 = tpu.assume_multiple %mul3A_393, 128 : i32
      %dma_start3A_395 = tpu.memref_slice %arg4[%add3A, %multiple_of3A_394] : memref<32x10000xi32, #tpu.memory_space<hbm>> -> memref<1x128xi32, #tpu.memory_space<hbm>>
      %dma_start3A_396 = tpu.memref_squeeze %dma_start3A_395 : memref<1x128xi32, #tpu.memory_space<hbm>> -> memref<128xi32, #tpu.memory_space<hbm>>
      %dma_start3A_397 = tpu.memref_slice %arg4[%add3A, %multiple_of3A_394] : memref<32x10000xi32, #tpu.memory_space<hbm>> -> memref<1x128xi32, #tpu.memory_space<hbm>>
      %dma_start3A_398 = tpu.memref_squeeze %dma_start3A_397 : memref<1x128xi32, #tpu.memory_space<hbm>> -> memref<128xi32, #tpu.memory_space<hbm>>
      tpu.enqueue_dma source(%dma_start3A_398 : memref<128xi32, #tpu.memory_space<hbm>>) target(%arg11 : memref<128xi32, #tpu.memory_space<vmem>>) target_semaphore(%arg19 : memref<!tpu.dma_semaphore, #tpu.memory_space<semaphore_mem>>)
      %dma_start3A_399 = arith.constant 0 : i32
      %dma_start3A_400 = arith.constant 0 : i32
      %dma_start3A_401 = tpu.memref_slice %arg15[%dma_start3A_399, %dma_start3A_400] : memref<128x128xf32, #tpu.memory_space<vmem>> -> memref<64x128xf32, #tpu.memory_space<vmem>>
      %dma_start3A_402 = arith.constant 0 : i32
      %dma_start3A_403 = tpu.memref_slice %arg9[%dma_start3A_402] : memref<128xi32, #tpu.memory_space<vmem>> -> memref<64xi32, #tpu.memory_space<vmem>>
      %dma_start3A_404 = arith.constant 0 : i32
      %dma_start3A_405 = arith.constant 0 : i32
      %dma_start3A_406 = tpu.memref_slice %arg2[%dma_start3A_404, %dma_start3A_405] : memref<10000x128xf32, #tpu.memory_space<hbm>> -> memref<10000x128xf32, #tpu.memory_space<hbm>>
      tpu.enqueue_indirect_dma source(%dma_start3A_406 : memref<10000x128xf32, #tpu.memory_space<hbm>>) target(%dma_start3A_401 : memref<64x128xf32, #tpu.memory_space<vmem>>) offsets(%dma_start3A_403 : memref<64xi32, #tpu.memory_space<vmem>>) semaphore(%arg21 : memref<!tpu.dma_semaphore, #tpu.memory_space<semaphore_mem>>)
      %dma_start3A_407 = arith.constant 64 : i32
      %dma_start3A_408 = arith.constant 0 : i32
      %dma_start3A_409 = tpu.memref_slice %arg15[%dma_start3A_407, %dma_start3A_408] : memref<128x128xf32, #tpu.memory_space<vmem>> -> memref<64x128xf32, #tpu.memory_space<vmem>>
      %dma_start3A_410 = arith.constant 64 : i32
      %dma_start3A_411 = tpu.memref_slice %arg9[%dma_start3A_410] : memref<128xi32, #tpu.memory_space<vmem>> -> memref<64xi32, #tpu.memory_space<vmem>>
      %dma_start3A_412 = arith.constant 0 : i32
      %dma_start3A_413 = arith.constant 0 : i32
      %dma_start3A_414 = tpu.memref_slice %arg2[%dma_start3A_412, %dma_start3A_413] : memref<10000x128xf32, #tpu.memory_space<hbm>> -> memref<10000x128xf32, #tpu.memory_space<hbm>>
      tpu.enqueue_indirect_dma source(%dma_start3A_414 : memref<10000x128xf32, #tpu.memory_space<hbm>>) target(%dma_start3A_409 : memref<64x128xf32, #tpu.memory_space<vmem>>) offsets(%dma_start3A_411 : memref<64xi32, #tpu.memory_space<vmem>>) semaphore(%arg23 : memref<!tpu.dma_semaphore, #tpu.memory_space<semaphore_mem>>)
    }
    %scan3A_111 = arith.constant 37 : i32
    %dma_wait3A_112 = arith.constant 0 : i32
    %dma_wait3A_113 = arith.constant 0 : i32
    %dma_wait3A_114 = tpu.memref_slice %arg15[%dma_wait3A_112, %dma_wait3A_113] : memref<128x128xf32, #tpu.memory_space<vmem>> -> memref<64x128xf32, #tpu.memory_space<vmem>>
    %dma_wait3A_115 = arith.constant 0 : i32
    %dma_wait3A_116 = tpu.memref_slice %arg9[%dma_wait3A_115] : memref<128xi32, #tpu.memory_space<vmem>> -> memref<64xi32, #tpu.memory_space<vmem>>
    %dma_wait3A_117 = arith.constant 0 : i32
    %dma_wait3A_118 = arith.constant 0 : i32
    %dma_wait3A_119 = tpu.memref_slice %arg2[%dma_wait3A_117, %dma_wait3A_118] : memref<10000x128xf32, #tpu.memory_space<hbm>> -> memref<10000x128xf32, #tpu.memory_space<hbm>>
    tpu.wait_indirect_dma semaphore(%arg21 : memref<!tpu.dma_semaphore, #tpu.memory_space<semaphore_mem>>) src(%dma_wait3A_119 : memref<10000x128xf32, #tpu.memory_space<hbm>>) dst(%dma_wait3A_114 : memref<64x128xf32, #tpu.memory_space<vmem>>)
    %dma_wait3A_120 = arith.constant 64 : i32
    %dma_wait3A_121 = arith.constant 0 : i32
    %dma_wait3A_122 = tpu.memref_slice %arg15[%dma_wait3A_120, %dma_wait3A_121] : memref<128x128xf32, #tpu.memory_space<vmem>> -> memref<64x128xf32, #tpu.memory_space<vmem>>
    %dma_wait3A_123 = arith.constant 64 : i32
    %dma_wait3A_124 = tpu.memref_slice %arg9[%dma_wait3A_123] : memref<128xi32, #tpu.memory_space<vmem>> -> memref<64xi32, #tpu.memory_space<vmem>>
    %dma_wait3A_125 = arith.constant 0 : i32
    %dma_wait3A_126 = arith.constant 0 : i32
    %dma_wait3A_127 = tpu.memref_slice %arg2[%dma_wait3A_125, %dma_wait3A_126] : memref<10000x128xf32, #tpu.memory_space<hbm>> -> memref<10000x128xf32, #tpu.memory_space<hbm>>
    tpu.wait_indirect_dma semaphore(%arg23 : memref<!tpu.dma_semaphore, #tpu.memory_space<semaphore_mem>>) src(%dma_wait3A_127 : memref<10000x128xf32, #tpu.memory_space<hbm>>) dst(%dma_wait3A_122 : memref<64x128xf32, #tpu.memory_space<vmem>>)
    %multiple_of3A_128 = arith.constant 9856 : i32
    %multiple_of3A_129 = tpu.assume_multiple %multiple_of3A_128, 128 : i32
    %dma_start3A_130 = tpu.memref_slice %arg3[%add3A, %multiple_of3A_129] : memref<32x10000xi32, #tpu.memory_space<hbm>> -> memref<1x128xi32, #tpu.memory_space<hbm>>
    %dma_start3A_131 = tpu.memref_squeeze %dma_start3A_130 : memref<1x128xi32, #tpu.memory_space<hbm>> -> memref<128xi32, #tpu.memory_space<hbm>>
    %dma_start3A_132 = tpu.memref_slice %arg3[%add3A, %multiple_of3A_129] : memref<32x10000xi32, #tpu.memory_space<hbm>> -> memref<1x128xi32, #tpu.memory_space<hbm>>
    %dma_start3A_133 = tpu.memref_squeeze %dma_start3A_132 : memref<1x128xi32, #tpu.memory_space<hbm>> -> memref<128xi32, #tpu.memory_space<hbm>>
    tpu.enqueue_dma source(%dma_start3A_133 : memref<128xi32, #tpu.memory_space<hbm>>) target(%arg9 : memref<128xi32, #tpu.memory_space<vmem>>) target_semaphore(%arg17 : memref<!tpu.dma_semaphore, #tpu.memory_space<semaphore_mem>>)
    %multiple_of3A_134 = arith.constant 9600 : i32
    %multiple_of3A_135 = tpu.assume_multiple %multiple_of3A_134, 128 : i32
    %dma_wait3A_136 = tpu.memref_slice %arg4[%add3A, %multiple_of3A_135] : memref<32x10000xi32, #tpu.memory_space<hbm>> -> memref<1x128xi32, #tpu.memory_space<hbm>>
    %dma_wait3A_137 = tpu.memref_squeeze %dma_wait3A_136 : memref<1x128xi32, #tpu.memory_space<hbm>> -> memref<128xi32, #tpu.memory_space<hbm>>
    %dma_wait3A_138 = tpu.memref_slice %arg4[%add3A, %multiple_of3A_135] : memref<32x10000xi32, #tpu.memory_space<hbm>> -> memref<1x128xi32, #tpu.memory_space<hbm>>
    %dma_wait3A_139 = tpu.memref_squeeze %dma_wait3A_138 : memref<1x128xi32, #tpu.memory_space<hbm>> -> memref<128xi32, #tpu.memory_space<hbm>>
    tpu.wait_dma2 semaphore(%arg19 : memref<!tpu.dma_semaphore, #tpu.memory_space<semaphore_mem>>) src(%dma_wait3A_139 : memref<128xi32, #tpu.memory_space<hbm>>) dst(%arg11 : memref<128xi32, #tpu.memory_space<vmem>>)
    %dma_start3A_140 = arith.constant 0 : i32
    %dma_start3A_141 = arith.constant 0 : i32
    %dma_start3A_142 = tpu.memref_slice %arg7[%dma_start3A_140, %dma_start3A_141] : memref<10000x128xf32, #tpu.memory_space<vmem_shared>> -> memref<10000x128xf32, #tpu.memory_space<vmem_shared>>
    tpu.enqueue_indirect_dma source(%arg15 : memref<128x128xf32, #tpu.memory_space<vmem>>) target(%dma_start3A_142 : memref<10000x128xf32, #tpu.memory_space<vmem_shared>>) offsets(%arg11 : memref<128xi32, #tpu.memory_space<vmem>>) semaphore(%arg25 : memref<!tpu.dma_semaphore, #tpu.memory_space<semaphore_mem>>) {add = true}
    %multiple_of3A_143 = arith.constant 9728 : i32
    %multiple_of3A_144 = tpu.assume_multiple %multiple_of3A_143, 128 : i32
    %dma_wait3A_145 = tpu.memref_slice %arg3[%add3A, %multiple_of3A_144] : memref<32x10000xi32, #tpu.memory_space<hbm>> -> memref<1x128xi32, #tpu.memory_space<hbm>>
    %dma_wait3A_146 = tpu.memref_squeeze %dma_wait3A_145 : memref<1x128xi32, #tpu.memory_space<hbm>> -> memref<128xi32, #tpu.memory_space<hbm>>
    %dma_wait3A_147 = tpu.memref_slice %arg3[%add3A, %multiple_of3A_144] : memref<32x10000xi32, #tpu.memory_space<hbm>> -> memref<1x128xi32, #tpu.memory_space<hbm>>
    %dma_wait3A_148 = tpu.memref_squeeze %dma_wait3A_147 : memref<1x128xi32, #tpu.memory_space<hbm>> -> memref<128xi32, #tpu.memory_space<hbm>>
    tpu.wait_dma2 semaphore(%arg16 : memref<!tpu.dma_semaphore, #tpu.memory_space<semaphore_mem>>) src(%dma_wait3A_148 : memref<128xi32, #tpu.memory_space<hbm>>) dst(%arg8 : memref<128xi32, #tpu.memory_space<vmem>>)
    %dma_wait3A_149 = arith.constant 0 : i32
    %dma_wait3A_150 = arith.constant 0 : i32
    %dma_wait3A_151 = tpu.memref_slice %arg7[%dma_wait3A_149, %dma_wait3A_150] : memref<10000x128xf32, #tpu.memory_space<vmem_shared>> -> memref<10000x128xf32, #tpu.memory_space<vmem_shared>>
    tpu.wait_indirect_dma semaphore(%arg24 : memref<!tpu.dma_semaphore, #tpu.memory_space<semaphore_mem>>) src(%arg14 : memref<128x128xf32, #tpu.memory_space<vmem>>) dst(%dma_wait3A_151 : memref<10000x128xf32, #tpu.memory_space<vmem_shared>>)
    %multiple_of3A_152 = arith.constant 9728 : i32
    %multiple_of3A_153 = tpu.assume_multiple %multiple_of3A_152, 128 : i32
    %dma_start3A_154 = tpu.memref_slice %arg4[%add3A, %multiple_of3A_153] : memref<32x10000xi32, #tpu.memory_space<hbm>> -> memref<1x128xi32, #tpu.memory_space<hbm>>
    %dma_start3A_155 = tpu.memref_squeeze %dma_start3A_154 : memref<1x128xi32, #tpu.memory_space<hbm>> -> memref<128xi32, #tpu.memory_space<hbm>>
    %dma_start3A_156 = tpu.memref_slice %arg4[%add3A, %multiple_of3A_153] : memref<32x10000xi32, #tpu.memory_space<hbm>> -> memref<1x128xi32, #tpu.memory_space<hbm>>
    %dma_start3A_157 = tpu.memref_squeeze %dma_start3A_156 : memref<1x128xi32, #tpu.memory_space<hbm>> -> memref<128xi32, #tpu.memory_space<hbm>>
    tpu.enqueue_dma source(%dma_start3A_157 : memref<128xi32, #tpu.memory_space<hbm>>) target(%arg10 : memref<128xi32, #tpu.memory_space<vmem>>) target_semaphore(%arg18 : memref<!tpu.dma_semaphore, #tpu.memory_space<semaphore_mem>>)
    %dma_start3A_158 = arith.constant 0 : i32
    %dma_start3A_159 = arith.constant 0 : i32
    %dma_start3A_160 = tpu.memref_slice %arg14[%dma_start3A_158, %dma_start3A_159] : memref<128x128xf32, #tpu.memory_space<vmem>> -> memref<64x128xf32, #tpu.memory_space<vmem>>
    %dma_start3A_161 = arith.constant 0 : i32
    %dma_start3A_162 = tpu.memref_slice %arg8[%dma_start3A_161] : memref<128xi32, #tpu.memory_space<vmem>> -> memref<64xi32, #tpu.memory_space<vmem>>
    %dma_start3A_163 = arith.constant 0 : i32
    %dma_start3A_164 = arith.constant 0 : i32
    %dma_start3A_165 = tpu.memref_slice %arg2[%dma_start3A_163, %dma_start3A_164] : memref<10000x128xf32, #tpu.memory_space<hbm>> -> memref<10000x128xf32, #tpu.memory_space<hbm>>
    tpu.enqueue_indirect_dma source(%dma_start3A_165 : memref<10000x128xf32, #tpu.memory_space<hbm>>) target(%dma_start3A_160 : memref<64x128xf32, #tpu.memory_space<vmem>>) offsets(%dma_start3A_162 : memref<64xi32, #tpu.memory_space<vmem>>) semaphore(%arg20 : memref<!tpu.dma_semaphore, #tpu.memory_space<semaphore_mem>>)
    %dma_start3A_166 = arith.constant 64 : i32
    %dma_start3A_167 = arith.constant 0 : i32
    %dma_start3A_168 = tpu.memref_slice %arg14[%dma_start3A_166, %dma_start3A_167] : memref<128x128xf32, #tpu.memory_space<vmem>> -> memref<64x128xf32, #tpu.memory_space<vmem>>
    %dma_start3A_169 = arith.constant 64 : i32
    %dma_start3A_170 = tpu.memref_slice %arg8[%dma_start3A_169] : memref<128xi32, #tpu.memory_space<vmem>> -> memref<64xi32, #tpu.memory_space<vmem>>
    %dma_start3A_171 = arith.constant 0 : i32
    %dma_start3A_172 = arith.constant 0 : i32
    %dma_start3A_173 = tpu.memref_slice %arg2[%dma_start3A_171, %dma_start3A_172] : memref<10000x128xf32, #tpu.memory_space<hbm>> -> memref<10000x128xf32, #tpu.memory_space<hbm>>
    tpu.enqueue_indirect_dma source(%dma_start3A_173 : memref<10000x128xf32, #tpu.memory_space<hbm>>) target(%dma_start3A_168 : memref<64x128xf32, #tpu.memory_space<vmem>>) offsets(%dma_start3A_170 : memref<64xi32, #tpu.memory_space<vmem>>) semaphore(%arg22 : memref<!tpu.dma_semaphore, #tpu.memory_space<semaphore_mem>>)
    %dma_wait3A_174 = arith.constant 0 : i32
    %dma_wait3A_175 = arith.constant 0 : i32
    %dma_wait3A_176 = tpu.memref_slice %arg14[%dma_wait3A_174, %dma_wait3A_175] : memref<128x128xf32, #tpu.memory_space<vmem>> -> memref<64x128xf32, #tpu.memory_space<vmem>>
    %dma_wait3A_177 = arith.constant 0 : i32
    %dma_wait3A_178 = tpu.memref_slice %arg8[%dma_wait3A_177] : memref<128xi32, #tpu.memory_space<vmem>> -> memref<64xi32, #tpu.memory_space<vmem>>
    %dma_wait3A_179 = arith.constant 0 : i32
    %dma_wait3A_180 = arith.constant 0 : i32
    %dma_wait3A_181 = tpu.memref_slice %arg2[%dma_wait3A_179, %dma_wait3A_180] : memref<10000x128xf32, #tpu.memory_space<hbm>> -> memref<10000x128xf32, #tpu.memory_space<hbm>>
    tpu.wait_indirect_dma semaphore(%arg20 : memref<!tpu.dma_semaphore, #tpu.memory_space<semaphore_mem>>) src(%dma_wait3A_181 : memref<10000x128xf32, #tpu.memory_space<hbm>>) dst(%dma_wait3A_176 : memref<64x128xf32, #tpu.memory_space<vmem>>)
    %dma_wait3A_182 = arith.constant 64 : i32
    %dma_wait3A_183 = arith.constant 0 : i32
    %dma_wait3A_184 = tpu.memref_slice %arg14[%dma_wait3A_182, %dma_wait3A_183] : memref<128x128xf32, #tpu.memory_space<vmem>> -> memref<64x128xf32, #tpu.memory_space<vmem>>
    %dma_wait3A_185 = arith.constant 64 : i32
    %dma_wait3A_186 = tpu.memref_slice %arg8[%dma_wait3A_185] : memref<128xi32, #tpu.memory_space<vmem>> -> memref<64xi32, #tpu.memory_space<vmem>>
    %dma_wait3A_187 = arith.constant 0 : i32
    %dma_wait3A_188 = arith.constant 0 : i32
    %dma_wait3A_189 = tpu.memref_slice %arg2[%dma_wait3A_187, %dma_wait3A_188] : memref<10000x128xf32, #tpu.memory_space<hbm>> -> memref<10000x128xf32, #tpu.memory_space<hbm>>
    tpu.wait_indirect_dma semaphore(%arg22 : memref<!tpu.dma_semaphore, #tpu.memory_space<semaphore_mem>>) src(%dma_wait3A_189 : memref<10000x128xf32, #tpu.memory_space<hbm>>) dst(%dma_wait3A_184 : memref<64x128xf32, #tpu.memory_space<vmem>>)
    %multiple_of3A_190 = arith.constant 9728 : i32
    %multiple_of3A_191 = tpu.assume_multiple %multiple_of3A_190, 128 : i32
    %dma_wait3A_192 = tpu.memref_slice %arg4[%add3A, %multiple_of3A_191] : memref<32x10000xi32, #tpu.memory_space<hbm>> -> memref<1x128xi32, #tpu.memory_space<hbm>>
    %dma_wait3A_193 = tpu.memref_squeeze %dma_wait3A_192 : memref<1x128xi32, #tpu.memory_space<hbm>> -> memref<128xi32, #tpu.memory_space<hbm>>
    %dma_wait3A_194 = tpu.memref_slice %arg4[%add3A, %multiple_of3A_191] : memref<32x10000xi32, #tpu.memory_space<hbm>> -> memref<1x128xi32, #tpu.memory_space<hbm>>
    %dma_wait3A_195 = tpu.memref_squeeze %dma_wait3A_194 : memref<1x128xi32, #tpu.memory_space<hbm>> -> memref<128xi32, #tpu.memory_space<hbm>>
    tpu.wait_dma2 semaphore(%arg18 : memref<!tpu.dma_semaphore, #tpu.memory_space<semaphore_mem>>) src(%dma_wait3A_195 : memref<128xi32, #tpu.memory_space<hbm>>) dst(%arg10 : memref<128xi32, #tpu.memory_space<vmem>>)
    %dma_start3A_196 = arith.constant 0 : i32
    %dma_start3A_197 = arith.constant 0 : i32
    %dma_start3A_198 = tpu.memref_slice %arg7[%dma_start3A_196, %dma_start3A_197] : memref<10000x128xf32, #tpu.memory_space<vmem_shared>> -> memref<10000x128xf32, #tpu.memory_space<vmem_shared>>
    tpu.enqueue_indirect_dma source(%arg14 : memref<128x128xf32, #tpu.memory_space<vmem>>) target(%dma_start3A_198 : memref<10000x128xf32, #tpu.memory_space<vmem_shared>>) offsets(%arg10 : memref<128xi32, #tpu.memory_space<vmem>>) semaphore(%arg24 : memref<!tpu.dma_semaphore, #tpu.memory_space<semaphore_mem>>) {add = true}
    %multiple_of3A_199 = arith.constant 9856 : i32
    %multiple_of3A_200 = tpu.assume_multiple %multiple_of3A_199, 128 : i32
    %dma_wait3A_201 = tpu.memref_slice %arg3[%add3A, %multiple_of3A_200] : memref<32x10000xi32, #tpu.memory_space<hbm>> -> memref<1x128xi32, #tpu.memory_space<hbm>>
    %dma_wait3A_202 = tpu.memref_squeeze %dma_wait3A_201 : memref<1x128xi32, #tpu.memory_space<hbm>> -> memref<128xi32, #tpu.memory_space<hbm>>
    %dma_wait3A_203 = tpu.memref_slice %arg3[%add3A, %multiple_of3A_200] : memref<32x10000xi32, #tpu.memory_space<hbm>> -> memref<1x128xi32, #tpu.memory_space<hbm>>
    %dma_wait3A_204 = tpu.memref_squeeze %dma_wait3A_203 : memref<1x128xi32, #tpu.memory_space<hbm>> -> memref<128xi32, #tpu.memory_space<hbm>>
    tpu.wait_dma2 semaphore(%arg17 : memref<!tpu.dma_semaphore, #tpu.memory_space<semaphore_mem>>) src(%dma_wait3A_204 : memref<128xi32, #tpu.memory_space<hbm>>) dst(%arg9 : memref<128xi32, #tpu.memory_space<vmem>>)
    %dma_wait3A_205 = arith.constant 0 : i32
    %dma_wait3A_206 = arith.constant 0 : i32
    %dma_wait3A_207 = tpu.memref_slice %arg7[%dma_wait3A_205, %dma_wait3A_206] : memref<10000x128xf32, #tpu.memory_space<vmem_shared>> -> memref<10000x128xf32, #tpu.memory_space<vmem_shared>>
    tpu.wait_indirect_dma semaphore(%arg25 : memref<!tpu.dma_semaphore, #tpu.memory_space<semaphore_mem>>) src(%arg15 : memref<128x128xf32, #tpu.memory_space<vmem>>) dst(%dma_wait3A_207 : memref<10000x128xf32, #tpu.memory_space<vmem_shared>>)
    %multiple_of3A_208 = arith.constant 9856 : i32
    %multiple_of3A_209 = tpu.assume_multiple %multiple_of3A_208, 128 : i32
    %dma_start3A_210 = tpu.memref_slice %arg4[%add3A, %multiple_of3A_209] : memref<32x10000xi32, #tpu.memory_space<hbm>> -> memref<1x128xi32, #tpu.memory_space<hbm>>
    %dma_start3A_211 = tpu.memref_squeeze %dma_start3A_210 : memref<1x128xi32, #tpu.memory_space<hbm>> -> memref<128xi32, #tpu.memory_space<hbm>>
    %dma_start3A_212 = tpu.memref_slice %arg4[%add3A, %multiple_of3A_209] : memref<32x10000xi32, #tpu.memory_space<hbm>> -> memref<1x128xi32, #tpu.memory_space<hbm>>
    %dma_start3A_213 = tpu.memref_squeeze %dma_start3A_212 : memref<1x128xi32, #tpu.memory_space<hbm>> -> memref<128xi32, #tpu.memory_space<hbm>>
    tpu.enqueue_dma source(%dma_start3A_213 : memref<128xi32, #tpu.memory_space<hbm>>) target(%arg11 : memref<128xi32, #tpu.memory_space<vmem>>) target_semaphore(%arg19 : memref<!tpu.dma_semaphore, #tpu.memory_space<semaphore_mem>>)
    %dma_start3A_214 = arith.constant 0 : i32
    %dma_start3A_215 = arith.constant 0 : i32
    %dma_start3A_216 = tpu.memref_slice %arg15[%dma_start3A_214, %dma_start3A_215] : memref<128x128xf32, #tpu.memory_space<vmem>> -> memref<64x128xf32, #tpu.memory_space<vmem>>
    %dma_start3A_217 = arith.constant 0 : i32
    %dma_start3A_218 = tpu.memref_slice %arg9[%dma_start3A_217] : memref<128xi32, #tpu.memory_space<vmem>> -> memref<64xi32, #tpu.memory_space<vmem>>
    %dma_start3A_219 = arith.constant 0 : i32
    %dma_start3A_220 = arith.constant 0 : i32
    %dma_start3A_221 = tpu.memref_slice %arg2[%dma_start3A_219, %dma_start3A_220] : memref<10000x128xf32, #tpu.memory_space<hbm>> -> memref<10000x128xf32, #tpu.memory_space<hbm>>
    tpu.enqueue_indirect_dma source(%dma_start3A_221 : memref<10000x128xf32, #tpu.memory_space<hbm>>) target(%dma_start3A_216 : memref<64x128xf32, #tpu.memory_space<vmem>>) offsets(%dma_start3A_218 : memref<64xi32, #tpu.memory_space<vmem>>) semaphore(%arg21 : memref<!tpu.dma_semaphore, #tpu.memory_space<semaphore_mem>>)
    %dma_start3A_222 = arith.constant 64 : i32
    %dma_start3A_223 = arith.constant 0 : i32
    %dma_start3A_224 = tpu.memref_slice %arg15[%dma_start3A_222, %dma_start3A_223] : memref<128x128xf32, #tpu.memory_space<vmem>> -> memref<64x128xf32, #tpu.memory_space<vmem>>
    %dma_start3A_225 = arith.constant 64 : i32
    %dma_start3A_226 = tpu.memref_slice %arg9[%dma_start3A_225] : memref<128xi32, #tpu.memory_space<vmem>> -> memref<64xi32, #tpu.memory_space<vmem>>
    %dma_start3A_227 = arith.constant 0 : i32
    %dma_start3A_228 = arith.constant 0 : i32
    %dma_start3A_229 = tpu.memref_slice %arg2[%dma_start3A_227, %dma_start3A_228] : memref<10000x128xf32, #tpu.memory_space<hbm>> -> memref<10000x128xf32, #tpu.memory_space<hbm>>
    tpu.enqueue_indirect_dma source(%dma_start3A_229 : memref<10000x128xf32, #tpu.memory_space<hbm>>) target(%dma_start3A_224 : memref<64x128xf32, #tpu.memory_space<vmem>>) offsets(%dma_start3A_226 : memref<64xi32, #tpu.memory_space<vmem>>) semaphore(%arg23 : memref<!tpu.dma_semaphore, #tpu.memory_space<semaphore_mem>>)
    %dma_wait3A_230 = arith.constant 0 : i32
    %dma_wait3A_231 = arith.constant 0 : i32
    %dma_wait3A_232 = tpu.memref_slice %arg15[%dma_wait3A_230, %dma_wait3A_231] : memref<128x128xf32, #tpu.memory_space<vmem>> -> memref<64x128xf32, #tpu.memory_space<vmem>>
    %dma_wait3A_233 = arith.constant 0 : i32
    %dma_wait3A_234 = tpu.memref_slice %arg9[%dma_wait3A_233] : memref<128xi32, #tpu.memory_space<vmem>> -> memref<64xi32, #tpu.memory_space<vmem>>
    %dma_wait3A_235 = arith.constant 0 : i32
    %dma_wait3A_236 = arith.constant 0 : i32
    %dma_wait3A_237 = tpu.memref_slice %arg2[%dma_wait3A_235, %dma_wait3A_236] : memref<10000x128xf32, #tpu.memory_space<hbm>> -> memref<10000x128xf32, #tpu.memory_space<hbm>>
    tpu.wait_indirect_dma semaphore(%arg21 : memref<!tpu.dma_semaphore, #tpu.memory_space<semaphore_mem>>) src(%dma_wait3A_237 : memref<10000x128xf32, #tpu.memory_space<hbm>>) dst(%dma_wait3A_232 : memref<64x128xf32, #tpu.memory_space<vmem>>)
    %dma_wait3A_238 = arith.constant 64 : i32
    %dma_wait3A_239 = arith.constant 0 : i32
    %dma_wait3A_240 = tpu.memref_slice %arg15[%dma_wait3A_238, %dma_wait3A_239] : memref<128x128xf32, #tpu.memory_space<vmem>> -> memref<64x128xf32, #tpu.memory_space<vmem>>
    %dma_wait3A_241 = arith.constant 64 : i32
    %dma_wait3A_242 = tpu.memref_slice %arg9[%dma_wait3A_241] : memref<128xi32, #tpu.memory_space<vmem>> -> memref<64xi32, #tpu.memory_space<vmem>>
    %dma_wait3A_243 = arith.constant 0 : i32
    %dma_wait3A_244 = arith.constant 0 : i32
    %dma_wait3A_245 = tpu.memref_slice %arg2[%dma_wait3A_243, %dma_wait3A_244] : memref<10000x128xf32, #tpu.memory_space<hbm>> -> memref<10000x128xf32, #tpu.memory_space<hbm>>
    tpu.wait_indirect_dma semaphore(%arg23 : memref<!tpu.dma_semaphore, #tpu.memory_space<semaphore_mem>>) src(%dma_wait3A_245 : memref<10000x128xf32, #tpu.memory_space<hbm>>) dst(%dma_wait3A_240 : memref<64x128xf32, #tpu.memory_space<vmem>>)
    %multiple_of3A_246 = arith.constant 9856 : i32
    %multiple_of3A_247 = tpu.assume_multiple %multiple_of3A_246, 128 : i32
    %dma_wait3A_248 = tpu.memref_slice %arg4[%add3A, %multiple_of3A_247] : memref<32x10000xi32, #tpu.memory_space<hbm>> -> memref<1x128xi32, #tpu.memory_space<hbm>>
    %dma_wait3A_249 = tpu.memref_squeeze %dma_wait3A_248 : memref<1x128xi32, #tpu.memory_space<hbm>> -> memref<128xi32, #tpu.memory_space<hbm>>
    %dma_wait3A_250 = tpu.memref_slice %arg4[%add3A, %multiple_of3A_247] : memref<32x10000xi32, #tpu.memory_space<hbm>> -> memref<1x128xi32, #tpu.memory_space<hbm>>
    %dma_wait3A_251 = tpu.memref_squeeze %dma_wait3A_250 : memref<1x128xi32, #tpu.memory_space<hbm>> -> memref<128xi32, #tpu.memory_space<hbm>>
    tpu.wait_dma2 semaphore(%arg19 : memref<!tpu.dma_semaphore, #tpu.memory_space<semaphore_mem>>) src(%dma_wait3A_251 : memref<128xi32, #tpu.memory_space<hbm>>) dst(%arg11 : memref<128xi32, #tpu.memory_space<vmem>>)
    %dma_start3A_252 = arith.constant 0 : i32
    %dma_start3A_253 = arith.constant 0 : i32
    %dma_start3A_254 = tpu.memref_slice %arg7[%dma_start3A_252, %dma_start3A_253] : memref<10000x128xf32, #tpu.memory_space<vmem_shared>> -> memref<10000x128xf32, #tpu.memory_space<vmem_shared>>
    tpu.enqueue_indirect_dma source(%arg15 : memref<128x128xf32, #tpu.memory_space<vmem>>) target(%dma_start3A_254 : memref<10000x128xf32, #tpu.memory_space<vmem_shared>>) offsets(%arg11 : memref<128xi32, #tpu.memory_space<vmem>>) semaphore(%arg25 : memref<!tpu.dma_semaphore, #tpu.memory_space<semaphore_mem>>) {add = true}
    %dma_wait3A_255 = arith.constant 0 : i32
    %dma_wait3A_256 = arith.constant 0 : i32
    %dma_wait3A_257 = tpu.memref_slice %arg7[%dma_wait3A_255, %dma_wait3A_256] : memref<10000x128xf32, #tpu.memory_space<vmem_shared>> -> memref<10000x128xf32, #tpu.memory_space<vmem_shared>>
    tpu.wait_indirect_dma semaphore(%arg24 : memref<!tpu.dma_semaphore, #tpu.memory_space<semaphore_mem>>) src(%arg14 : memref<128x128xf32, #tpu.memory_space<vmem>>) dst(%dma_wait3A_257 : memref<10000x128xf32, #tpu.memory_space<vmem_shared>>)
    %dma_wait3A_258 = arith.constant 0 : i32
    %dma_wait3A_259 = arith.constant 0 : i32
    %dma_wait3A_260 = tpu.memref_slice %arg7[%dma_wait3A_258, %dma_wait3A_259] : memref<10000x128xf32, #tpu.memory_space<vmem_shared>> -> memref<10000x128xf32, #tpu.memory_space<vmem_shared>>
    tpu.wait_indirect_dma semaphore(%arg25 : memref<!tpu.dma_semaphore, #tpu.memory_space<semaphore_mem>>) src(%arg15 : memref<128x128xf32, #tpu.memory_space<vmem>>) dst(%dma_wait3A_260 : memref<10000x128xf32, #tpu.memory_space<vmem_shared>>)
    %multiple_of3A_261 = arith.constant 9984 : i32
    %multiple_of3A_262 = tpu.assume_multiple %multiple_of3A_261, 8 : i32
    "tpu.region"() ({
      %run_scoped3A = tpu.sem_alloc : memref<!tpu.dma_semaphore, #tpu.memory_space<semaphore_mem>>
      %dma_start3A_264 = tpu.memref_slice %arg3[%add3A, %multiple_of3A_262] : memref<32x10000xi32, #tpu.memory_space<hbm>> -> memref<1x16xi32, #tpu.memory_space<hbm>>
      %dma_start3A_265 = tpu.memref_squeeze %dma_start3A_264 : memref<1x16xi32, #tpu.memory_space<hbm>> -> memref<16xi32, #tpu.memory_space<hbm>>
      %dma_start3A_266 = tpu.memref_slice %arg3[%add3A, %multiple_of3A_262] : memref<32x10000xi32, #tpu.memory_space<hbm>> -> memref<1x16xi32, #tpu.memory_space<hbm>>
      %dma_start3A_267 = tpu.memref_squeeze %dma_start3A_266 : memref<1x16xi32, #tpu.memory_space<hbm>> -> memref<16xi32, #tpu.memory_space<hbm>>
      tpu.enqueue_dma source(%dma_start3A_267 : memref<16xi32, #tpu.memory_space<hbm>>) target(%arg12 : memref<16xi32, #tpu.memory_space<vmem>>) target_semaphore(%run_scoped3A : memref<!tpu.dma_semaphore, #tpu.memory_space<semaphore_mem>>)
      %dma_wait3A_268 = tpu.memref_slice %arg3[%add3A, %multiple_of3A_262] : memref<32x10000xi32, #tpu.memory_space<hbm>> -> memref<1x16xi32, #tpu.memory_space<hbm>>
      %dma_wait3A_269 = tpu.memref_squeeze %dma_wait3A_268 : memref<1x16xi32, #tpu.memory_space<hbm>> -> memref<16xi32, #tpu.memory_space<hbm>>
      %dma_wait3A_270 = tpu.memref_slice %arg3[%add3A, %multiple_of3A_262] : memref<32x10000xi32, #tpu.memory_space<hbm>> -> memref<1x16xi32, #tpu.memory_space<hbm>>
      %dma_wait3A_271 = tpu.memref_squeeze %dma_wait3A_270 : memref<1x16xi32, #tpu.memory_space<hbm>> -> memref<16xi32, #tpu.memory_space<hbm>>
      tpu.wait_dma2 semaphore(%run_scoped3A : memref<!tpu.dma_semaphore, #tpu.memory_space<semaphore_mem>>) src(%dma_wait3A_271 : memref<16xi32, #tpu.memory_space<hbm>>) dst(%arg12 : memref<16xi32, #tpu.memory_space<vmem>>)
      tpu.yield
    }) : () -> ()
    "tpu.region"() ({
      %run_scoped3A = tpu.sem_alloc : memref<!tpu.dma_semaphore, #tpu.memory_space<semaphore_mem>>
      %dma_start3A_264 = tpu.memref_slice %arg4[%add3A, %multiple_of3A_262] : memref<32x10000xi32, #tpu.memory_space<hbm>> -> memref<1x16xi32, #tpu.memory_space<hbm>>
      %dma_start3A_265 = tpu.memref_squeeze %dma_start3A_264 : memref<1x16xi32, #tpu.memory_space<hbm>> -> memref<16xi32, #tpu.memory_space<hbm>>
      %dma_start3A_266 = tpu.memref_slice %arg4[%add3A, %multiple_of3A_262] : memref<32x10000xi32, #tpu.memory_space<hbm>> -> memref<1x16xi32, #tpu.memory_space<hbm>>
      %dma_start3A_267 = tpu.memref_squeeze %dma_start3A_266 : memref<1x16xi32, #tpu.memory_space<hbm>> -> memref<16xi32, #tpu.memory_space<hbm>>
      tpu.enqueue_dma source(%dma_start3A_267 : memref<16xi32, #tpu.memory_space<hbm>>) target(%arg13 : memref<16xi32, #tpu.memory_space<vmem>>) target_semaphore(%run_scoped3A : memref<!tpu.dma_semaphore, #tpu.memory_space<semaphore_mem>>)
      %dma_wait3A_268 = tpu.memref_slice %arg4[%add3A, %multiple_of3A_262] : memref<32x10000xi32, #tpu.memory_space<hbm>> -> memref<1x16xi32, #tpu.memory_space<hbm>>
      %dma_wait3A_269 = tpu.memref_squeeze %dma_wait3A_268 : memref<1x16xi32, #tpu.memory_space<hbm>> -> memref<16xi32, #tpu.memory_space<hbm>>
      %dma_wait3A_270 = tpu.memref_slice %arg4[%add3A, %multiple_of3A_262] : memref<32x10000xi32, #tpu.memory_space<hbm>> -> memref<1x16xi32, #tpu.memory_space<hbm>>
      %dma_wait3A_271 = tpu.memref_squeeze %dma_wait3A_270 : memref<1x16xi32, #tpu.memory_space<hbm>> -> memref<16xi32, #tpu.memory_space<hbm>>
      tpu.wait_dma2 semaphore(%run_scoped3A : memref<!tpu.dma_semaphore, #tpu.memory_space<semaphore_mem>>) src(%dma_wait3A_271 : memref<16xi32, #tpu.memory_space<hbm>>) dst(%arg13 : memref<16xi32, #tpu.memory_space<vmem>>)
      tpu.yield
    }) : () -> ()
    "tpu.region"() ({
      %run_scoped3A = tpu.sem_alloc : memref<!tpu.dma_semaphore, #tpu.memory_space<semaphore_mem>>
      %dma_start3A_264 = arith.constant 0 : i32
      %dma_start3A_265 = arith.constant 0 : i32
      %dma_start3A_266 = tpu.memref_slice %arg14[%dma_start3A_264, %dma_start3A_265] : memref<128x128xf32, #tpu.memory_space<vmem>> -> memref<16x128xf32, #tpu.memory_space<vmem>>
      %dma_start3A_267 = arith.constant 0 : i32
      %dma_start3A_268 = arith.constant 0 : i32
      %dma_start3A_269 = tpu.memref_slice %arg2[%dma_start3A_267, %dma_start3A_268] : memref<10000x128xf32, #tpu.memory_space<hbm>> -> memref<10000x128xf32, #tpu.memory_space<hbm>>
      tpu.enqueue_indirect_dma source(%dma_start3A_269 : memref<10000x128xf32, #tpu.memory_space<hbm>>) target(%dma_start3A_266 : memref<16x128xf32, #tpu.memory_space<vmem>>) offsets(%arg12 : memref<16xi32, #tpu.memory_space<vmem>>) semaphore(%run_scoped3A : memref<!tpu.dma_semaphore, #tpu.memory_space<semaphore_mem>>)
      %dma_wait3A_270 = arith.constant 0 : i32
      %dma_wait3A_271 = arith.constant 0 : i32
      %dma_wait3A_272 = tpu.memref_slice %arg14[%dma_wait3A_270, %dma_wait3A_271] : memref<128x128xf32, #tpu.memory_space<vmem>> -> memref<16x128xf32, #tpu.memory_space<vmem>>
      %dma_wait3A_273 = arith.constant 0 : i32
      %dma_wait3A_274 = arith.constant 0 : i32
      %dma_wait3A_275 = tpu.memref_slice %arg2[%dma_wait3A_273, %dma_wait3A_274] : memref<10000x128xf32, #tpu.memory_space<hbm>> -> memref<10000x128xf32, #tpu.memory_space<hbm>>
      tpu.wait_indirect_dma semaphore(%run_scoped3A : memref<!tpu.dma_semaphore, #tpu.memory_space<semaphore_mem>>) src(%dma_wait3A_275 : memref<10000x128xf32, #tpu.memory_space<hbm>>) dst(%dma_wait3A_272 : memref<16x128xf32, #tpu.memory_space<vmem>>)
      tpu.yield
    }) : () -> ()
    "tpu.region"() ({
      %run_scoped3A = tpu.sem_alloc : memref<!tpu.dma_semaphore, #tpu.memory_space<semaphore_mem>>
      %dma_start3A_264 = arith.constant 0 : i32
      %dma_start3A_265 = arith.constant 0 : i32
      %dma_start3A_266 = tpu.memref_slice %arg14[%dma_start3A_264, %dma_start3A_265] : memref<128x128xf32, #tpu.memory_space<vmem>> -> memref<16x128xf32, #tpu.memory_space<vmem>>
      %dma_start3A_267 = arith.constant 0 : i32
      %dma_start3A_268 = arith.constant 0 : i32
      %dma_start3A_269 = tpu.memref_slice %arg7[%dma_start3A_267, %dma_start3A_268] : memref<10000x128xf32, #tpu.memory_space<vmem_shared>> -> memref<10000x128xf32, #tpu.memory_space<vmem_shared>>
      tpu.enqueue_indirect_dma source(%dma_start3A_266 : memref<16x128xf32, #tpu.memory_space<vmem>>) target(%dma_start3A_269 : memref<10000x128xf32, #tpu.memory_space<vmem_shared>>) offsets(%arg13 : memref<16xi32, #tpu.memory_space<vmem>>) semaphore(%run_scoped3A : memref<!tpu.dma_semaphore, #tpu.memory_space<semaphore_mem>>) {add = true}
      %dma_wait3A_270 = arith.constant 0 : i32
      %dma_wait3A_271 = arith.constant 0 : i32
      %dma_wait3A_272 = tpu.memref_slice %arg14[%dma_wait3A_270, %dma_wait3A_271] : memref<128x128xf32, #tpu.memory_space<vmem>> -> memref<16x128xf32, #tpu.memory_space<vmem>>
      %dma_wait3A_273 = arith.constant 0 : i32
      %dma_wait3A_274 = arith.constant 0 : i32
      %dma_wait3A_275 = tpu.memref_slice %arg7[%dma_wait3A_273, %dma_wait3A_274] : memref<10000x128xf32, #tpu.memory_space<vmem_shared>> -> memref<10000x128xf32, #tpu.memory_space<vmem_shared>>
      tpu.wait_indirect_dma semaphore(%run_scoped3A : memref<!tpu.dma_semaphore, #tpu.memory_space<semaphore_mem>>) src(%dma_wait3A_272 : memref<16x128xf32, #tpu.memory_space<vmem>>) dst(%dma_wait3A_275 : memref<10000x128xf32, #tpu.memory_space<vmem_shared>>)
      tpu.yield
    }) : () -> ()
    %barrier3A_263 = arith.constant 0 : index
    tpu.barrier barrier_id(%barrier3A_263)
    "tpu.region"() ({
      %run_scoped3A = tpu.sem_alloc : memref<!tpu.dma_semaphore, #tpu.memory_space<semaphore_mem>>
      %dma_start3A_264 = arith.constant 0 : i32
      %dma_start3A_265 = tpu.memref_slice %arg6[%arg0, %multiple_of3A_49, %dma_start3A_264] : memref<2x10000x128xf32, #tpu.memory_space<hbm>> -> memref<1x632x128xf32, #tpu.memory_space<hbm>>
      %dma_start3A_266 = tpu.memref_squeeze %dma_start3A_265 : memref<1x632x128xf32, #tpu.memory_space<hbm>> -> memref<632x128xf32, #tpu.memory_space<hbm>>
      %dma_start3A_267 = arith.constant 0 : i32
      %dma_start3A_268 = tpu.memref_slice %arg7[%multiple_of3A_49, %dma_start3A_267] : memref<10000x128xf32, #tpu.memory_space<vmem_shared>> -> memref<632x128xf32, #tpu.memory_space<vmem_shared>>
      tpu.enqueue_dma source(%dma_start3A_268 : memref<632x128xf32, #tpu.memory_space<vmem_shared>>) target(%dma_start3A_266 : memref<632x128xf32, #tpu.memory_space<hbm>>) target_semaphore(%run_scoped3A : memref<!tpu.dma_semaphore, #tpu.memory_space<semaphore_mem>>)
      %dma_wait3A_269 = arith.constant 0 : i32
      %dma_wait3A_270 = tpu.memref_slice %arg6[%arg0, %multiple_of3A_49, %dma_wait3A_269] : memref<2x10000x128xf32, #tpu.memory_space<hbm>> -> memref<1x632x128xf32, #tpu.memory_space<hbm>>
      %dma_wait3A_271 = tpu.memref_squeeze %dma_wait3A_270 : memref<1x632x128xf32, #tpu.memory_space<hbm>> -> memref<632x128xf32, #tpu.memory_space<hbm>>
      %dma_wait3A_272 = arith.constant 0 : i32
      %dma_wait3A_273 = tpu.memref_slice %arg7[%multiple_of3A_49, %dma_wait3A_272] : memref<10000x128xf32, #tpu.memory_space<vmem_shared>> -> memref<632x128xf32, #tpu.memory_space<vmem_shared>>
      tpu.wait_dma2 semaphore(%run_scoped3A : memref<!tpu.dma_semaphore, #tpu.memory_space<semaphore_mem>>) src(%dma_wait3A_273 : memref<632x128xf32, #tpu.memory_space<vmem_shared>>) dst(%dma_wait3A_271 : memref<632x128xf32, #tpu.memory_space<hbm>>)
      tpu.yield
    }) : () -> ()
    return
  }
}

module attributes {stable_mosaic.version = 14 : i64} {
  func.func @_add_body(%arg0: memref<2x10000x128xf32, #tpu.memory_space<vmem>>, %arg1: memref<10000x128xf32, #tpu.memory_space<vmem>>) attributes {dimension_semantics = [], scalar_prefetch = 0 : i64, scratch_operands = 0 : i64, tpu.core_type = #tpu.core_type<tc>} {
    %get3A = arith.constant 0 : index
    %get3A_0 = arith.constant 0 : index
    %get3A_1 = arith.constant 0 : index
    %get3A_2 = vector.load %arg0[%get3A, %get3A_0, %get3A_1] : memref<2x10000x128xf32, #tpu.memory_space<vmem>>, vector<1x10000x128xf32>
    %get3A_3 = vector.shape_cast %get3A_2 : vector<1x10000x128xf32> to vector<10000x128xf32>
    %get3A_4 = arith.constant 1 : index
    %get3A_5 = arith.constant 0 : index
    %get3A_6 = arith.constant 0 : index
    %get3A_7 = vector.load %arg0[%get3A_4, %get3A_5, %get3A_6] : memref<2x10000x128xf32, #tpu.memory_space<vmem>>, vector<1x10000x128xf32>
    %get3A_8 = vector.shape_cast %get3A_7 : vector<1x10000x128xf32> to vector<10000x128xf32>
    %add3A = arith.addf %get3A_3, %get3A_8 : vector<10000x128xf32>
    %swap3A = arith.constant 0 : index
    %swap3A_9 = arith.constant 0 : index
    %swap3A_10 = vector.load %arg1[%swap3A, %swap3A_9] : memref<10000x128xf32, #tpu.memory_space<vmem>>, vector<10000x128xf32>
    tpu.vector_store %arg1[%swap3A, %swap3A_9], %add3A {strides = array<i32>} : memref<10000x128xf32, #tpu.memory_space<vmem>>, vector<10000x128xf32>,
    return
  }
}

module attributes {stable_mosaic.version = 14 : i64} {
  func.func @_mm_body(%arg0: memref<128x128xf32, #tpu.memory_space<vmem>>, %arg1: memref<128x40xf32, #tpu.memory_space<vmem>>, %arg2: memref<128x40xf32, #tpu.memory_space<vmem>>) attributes {dimension_semantics = [], scalar_prefetch = 0 : i64, scratch_operands = 0 : i64, tpu.core_type = #tpu.core_type<tc>} {
    %get3A = arith.constant 0 : index
    %get3A_0 = arith.constant 0 : index
    %get3A_1 = vector.load %arg0[%get3A, %get3A_0] : memref<128x128xf32, #tpu.memory_space<vmem>>, vector<128x128xf32>
    %get3A_2 = arith.constant 0 : index
    %get3A_3 = arith.constant 0 : index
    %get3A_4 = vector.load %arg1[%get3A_2, %get3A_3] : memref<128x40xf32, #tpu.memory_space<vmem>>, vector<128x40xf32>
    %dot_general3A = arith.constant dense<0.000000e+00> : vector<128x40xf32>
    %dot_general3A_5 = tpu.matmul %get3A_1, %get3A_4, %dot_general3A {dimension_numbers = #tpu.dot_dimension_numbers<[1], [0], [0], [1], [0, 0, 1, 1], [], []>, precision = #tpu.contract_precision<fp32>, transpose_lhs_hint = false} : vector<128x128xf32>, vector<128x40xf32>, vector<128x40xf32> -> vector<128x40xf32>
    %swap3A = arith.constant 0 : index
    %swap3A_6 = arith.constant 0 : index
    %swap3A_7 = vector.load %arg2[%swap3A, %swap3A_6] : memref<128x40xf32, #tpu.memory_space<vmem>>, vector<128x40xf32>
    tpu.vector_store %arg2[%swap3A, %swap3A_6], %dot_general3A_5 {strides = array<i32>} : memref<128x40xf32, #tpu.memory_space<vmem>>, vector<128x40xf32>,
    return
  }
}

module attributes {stable_mosaic.version = 14 : i64} {
  func.func @_mm_combine_body(%arg0: memref<2x10000x128xf32, #tpu.memory_space<vmem>>, %arg1: memref<128x40xf32, #tpu.memory_space<vmem>>, %arg2: memref<10000x40xf32, #tpu.memory_space<vmem>>) attributes {dimension_semantics = [], scalar_prefetch = 0 : i64, scratch_operands = 0 : i64, tpu.core_type = #tpu.core_type<tc>} {
    %get3A = arith.constant 0 : index
    %get3A_0 = arith.constant 0 : index
    %get3A_1 = arith.constant 0 : index
    %get3A_2 = vector.load %arg0[%get3A, %get3A_0, %get3A_1] : memref<2x10000x128xf32, #tpu.memory_space<vmem>>, vector<1x10000x128xf32>
    %get3A_3 = vector.shape_cast %get3A_2 : vector<1x10000x128xf32> to vector<10000x128xf32>
    %get3A_4 = arith.constant 1 : index
    %get3A_5 = arith.constant 0 : index
    %get3A_6 = arith.constant 0 : index
    %get3A_7 = vector.load %arg0[%get3A_4, %get3A_5, %get3A_6] : memref<2x10000x128xf32, #tpu.memory_space<vmem>>, vector<1x10000x128xf32>
    %get3A_8 = vector.shape_cast %get3A_7 : vector<1x10000x128xf32> to vector<10000x128xf32>
    %add3A = arith.addf %get3A_3, %get3A_8 : vector<10000x128xf32>
    %get3A_9 = arith.constant 0 : index
    %get3A_10 = arith.constant 0 : index
    %get3A_11 = vector.load %arg1[%get3A_9, %get3A_10] : memref<128x40xf32, #tpu.memory_space<vmem>>, vector<128x40xf32>
    %dot_general3A = arith.constant dense<0.000000e+00> : vector<10000x40xf32>
    %dot_general3A_12 = tpu.matmul %add3A, %get3A_11, %dot_general3A {dimension_numbers = #tpu.dot_dimension_numbers<[1], [0], [0], [1], [0, 0, 1, 1], [], []>, precision = #tpu.contract_precision<fp32>, transpose_lhs_hint = false} : vector<10000x128xf32>, vector<128x40xf32>, vector<10000x40xf32> -> vector<10000x40xf32>
    %swap3A = arith.constant 0 : index
    %swap3A_13 = arith.constant 0 : index
    %swap3A_14 = vector.load %arg2[%swap3A, %swap3A_13] : memref<10000x40xf32, #tpu.memory_space<vmem>>, vector<10000x40xf32>
    tpu.vector_store %arg2[%swap3A, %swap3A_13], %dot_general3A_12 {strides = array<i32>} : memref<10000x40xf32, #tpu.memory_space<vmem>>, vector<10000x40xf32>,
    return
  }
}

</mosaic_0001>

<sc_bundles>
// kernel: kernel.10.cloned.1.call-start
scs
__scs_entry_jumppad:
0x0: {  	(pc) =	sbr.rel $0x88, $3  }
0x1: {  	(tag) =	ssettag $0x0;
	lr =	simm.s32 $0x1  }
0x2: {  	[smem:$0x3F9D] =	sst lr;
	_ =	strace $0xD0000000  }
0x3: {  	_ = 	snop  }
0x4: {  	_ = 	snop  }
0x5: {  	_ = 	snop  }
0x6: {  	_ = 	snop  }
0x7: {  	_ = 	snop  }
__scs_overlays_trampoline_lowered:
0x8: {  	[smem:$0x3FAC] =	sst s0  }
0x9: {  	[smem:$0x3FAD] =	sst s1  }
0xa: {  	[smem:$0x3FAE] =	sst s2  }
0xb: {  	[smem:$0x3FAF] =	sst s3  }
0xc: {  	[smem:$0x3FB0] =	sst s4  }
0xd: {  	[smem:$0x3FB1] =	sst s5  }
0xe: {  	[smem:$0x3FB2] =	sst s6  }
0xf: {  	[smem:$0x3FB3] =	sst s7  }
0x10: {  	[smem:$0x3FB4] =	sst s8  }
0x11: {  	[smem:$0x3FB5] =	sst s9;
	s0 =	simm.s32 @!p0 $0x0  }
0x12: {  	s1 =	sld [smem:$0x3F9B];
	s0 =	simm.s32 @p0 $0x1  }
0x13: {  	[smem:$0x3FB6] =	sst s0;
	s0 =	simm.s32 @!p1 $0x0  }
0x14: {  	s2 =	sld [smem:$0x3F9A];
	s0 =	simm.s32 @p1 $0x1  }
0x15: {  	[smem:$0x3FB7] =	sst s0;
	s0 =	simm.s32 @!p2 $0x0  }
0x16: {  	s3 =	sld [smem:$0x3FDB];
	s0 =	simm.s32 @p2 $0x1  }
0x17: {  	s4 =	simm.s32 $0x1BF5;
	[smem:$0x3FB9] =	sst s0  }
0x18: {  	s0 =	sld [smem:$0x3F9C];
	_ =	swait.ge [sflag:s4], $0x0  }
0x19: {  	s7 =	sld [smem:$0x3F9D]  }
0x1a: {  	s8 =	sadd.s32 $0xFFFFE003, lr  }
0x1b: {  	s9 =	sadd.s32 $0xFFFFFEF7, lr;
	s5 =	simm.s32 $0xFFFFFFFF;
	p2 =	slt.u32 s8, $0xFFFFF086  }
0x1c: {  	p1 =	slt.u32 s9, $0xF7A;
	s5 =	simm.s32 @!p2 $0x0  }
0x1d: {  	s5 =	simm.s32 @p1 $0x1;
	p0 =	seq.s32 s7, s2  }
0x1e: {  	s7 =	smul.u32 @!p0 $0xF7A, s2;
	p2 =	seq.s32 @!p0 s5, $0x0  }
0x1f: {  	s9 =	smul.u32 $0xF7A, s1;
	s8 =	simm.s32 @!p0 $0x1BF5;
	p2 =	por !p2, p0  }
0x20: {  	[sflag:s8] =	ssyncset.s32 @!p0 $0xFFFFF086;
	s6 =	sadd.s32 @!p0 s3, s7;
	s7 =	simm.s32 @!p0 $0x108  }
0x21: {  	s3 =	sadd.s32 s3, s9;
	s6 =	sadd.s32 @!p0 $0x88, s6;
	s7 =	simm.s32 @p2 $0x1082  }
0x22: {  	[simem:s7], [sflag:s8] =	dma.local @!p0 [hbm:s6], $0xF7A  }
0x23: {  	s9 =	sor.u32 $0xD0000000, s2;
	s6 =	simm.s32 $0x108;
	_ =	swait.ge @!p0 [sflag:s8], $0x0  }
0x24: {  	s3 =	sadd.s32 $0x88, s3;
	s6 =	simm.s32 @!p1 $0x1082;
	[sflag:s4] =	ssyncset.s32 $0xFFFFF086  }
0x25: {  	[simem:s6], [sflag:s4] =	dma.local [hbm:s3], $0xF7A  }
0x26: {  	[smem:$0x3F9D] =	sst s1;
	(tag) =	ssettag s2;
	_ =	strace s9  }
0x27: {  	s1 =	sld [smem:$0x3FAD]  }
0x28: {  	s2 =	sld [smem:$0x3FAE]  }
0x29: {  	s4 =	sld [smem:$0x3FB0]  }
0x2a: {  	p0 =	seq.s32 s5, $0x0;
	s5 =	sld [smem:$0x3FB1]  }
0x2b: {  	s6 =	sld [smem:$0x3FB2]  }
0x2c: {  	s7 =	sld [smem:$0x3FB3]  }
0x2d: {  	s3 =	simm.s32 $0x108;
	s8 =	sld [smem:$0x3FB4]  }
0x2e: {  	s3 =	simm.s32 @!p0 $0x1082;
	s9 =	sld [smem:$0x3FB5]  }
0x2f: {  	lr =	sadd.s32 s0, s3;
	s0 =	sld [smem:$0x3FAC]  }
0x30: {  	s3 =	sld [smem:$0x3FAF]  }
0x31: {  	[smem:$0x3FB8] =	sst s10  }
0x32: {  	s10 =	sld [smem:$0x3FB6];
	_ =	sdelay $0x3  }
0x33: {  	p0 =	seq.s32 s10, $0x1;
	s10 =	sld [smem:$0x3FB8];
	_ =	sdelay $0x3  }
0x34: {  	[smem:$0x3FB8] =	sst s10  }
0x35: {  	s10 =	sld [smem:$0x3FB7];
	_ =	sdelay $0x3  }
0x36: {  	p1 =	seq.s32 s10, $0x1;
	s10 =	sld [smem:$0x3FB8];
	_ =	sdelay $0x3  }
0x37: {  	[smem:$0x3FB8] =	sst s10  }
0x38: {  	s10 =	sld [smem:$0x3FB9]  }
0x39: {  	_ = 	snop;
	(pc) =	sbr.ind lr, $3  }
0x3a: {  	_ = 	snop  }
0x3b: {  	_ = 	snop  }
0x3c: {  	p2 =	seq.s32 s10, $0x1;
	s10 =	sld [smem:$0x3FB8]  }
0x3d: {  	_ =	shalt  }
0x3e: {  	_ =	shalt  }
0x3f: {  	_ =	shalt  }
0x40: {  	_ =	shalt  }
0x41: {  	_ =	shalt  }
0x42: {  	_ =	shalt  }
0x43: {  	_ =	shalt  }
0x44: {  	_ =	shalt  }
0x45: {  	_ =	shalt  }
0x46: {  	_ =	shalt  }
0x47: {  	_ =	shalt  }
0x48: {  	_ =	shalt  }
0x49: {  	_ =	shalt  }
0x4a: {  	_ =	shalt  }
0x4b: {  	_ =	shalt  }
0x4c: {  	_ =	shalt  }
0x4d: {  	_ =	shalt  }
0x4e: {  	_ =	shalt  }
0x4f: {  	_ =	shalt  }
0x50: {  	_ =	shalt  }
0x51: {  	_ =	shalt  }
0x52: {  	_ =	shalt  }
0x53: {  	_ =	shalt  }
0x54: {  	_ =	shalt  }
0x55: {  	_ =	shalt  }
0x56: {  	_ =	shalt  }
0x57: {  	_ =	shalt  }
0x58: {  	_ =	shalt  }
0x59: {  	_ =	shalt  }
0x5a: {  	_ =	shalt  }
0x5b: {  	_ =	shalt  }
0x5c: {  	_ =	shalt  }
0x5d: {  	_ =	shalt  }
0x5e: {  	_ =	shalt  }
0x5f: {  	_ =	shalt  }
0x60: {  	_ =	shalt  }
0x61: {  	_ =	shalt  }
0x62: {  	_ =	shalt  }
0x63: {  	_ =	shalt  }
0x64: {  	_ =	shalt  }
0x65: {  	_ =	shalt  }
0x66: {  	_ =	shalt  }
0x67: {  	_ =	shalt  }
0x68: {  	_ =	shalt  }
0x69: {  	_ =	shalt  }
0x6a: {  	_ =	shalt  }
0x6b: {  	_ =	shalt  }
0x6c: {  	_ =	shalt  }
0x6d: {  	_ =	shalt  }
0x6e: {  	_ =	shalt  }
0x6f: {  	_ =	shalt  }
0x70: {  	_ =	shalt  }
0x71: {  	_ =	shalt  }
0x72: {  	_ =	shalt  }
0x73: {  	_ =	shalt  }
0x74: {  	_ =	shalt  }
0x75: {  	_ =	shalt  }
0x76: {  	_ =	shalt  }
0x77: {  	_ =	shalt  }
0x78: {  	_ =	shalt  }
0x79: {  	_ =	shalt  }
0x7a: {  	_ =	shalt  }
0x7b: {  	_ =	shalt  }
0x7c: {  	_ =	shalt  }
0x7d: {  	_ =	shalt  }
0x7e: {  	_ =	shalt  }
0x7f: {  	_ =	shalt  }
0x80: {  	_ =	shalt  }
0x81: {  	_ =	shalt  }
0x82: {  	_ =	shalt  }
0x83: {  	_ =	shalt  }
0x84: {  	_ =	shalt  }
0x85: {  	_ =	shalt  }
0x86: {  	_ =	shalt  }
0x87: {  	_ =	shalt  }
.Lfunc_end0:
.L_simem_size_0:
called_computation.1_lowered:
.L_overlay_start_0:
0x88: {  	s2 =	sld [smem:$0x3FD9]  }
0x89: {  	s3 =	sld [smem:$0x3FFE];
	_ =	sdelay $0x1  }
0x8a: {  	s1 =	srdreg.scid  }
0x8b: {  	s0 =	sand.u32 $0x1, s1  }
0x8c: {  	s17 =	sshll.u32 s0, $0xA;
	s2 =	sadd.s32 s3, s2  }
0x8d: {  	s2 =	sadd.s32 s2, s17  }
0x8e: {  	[smem:$0x3FC4] =	sst s2  }
0x8f: {  	_ = 	snop  }
0x90: {  	s2 =	sld [smem:$0x3FD0];
	(tm) =	ssettm $0x1  }
0x91: {  	s18 =	sld [smem:$0x3FFB];
	_ =	sdelay $0x3  }
0x92: {  	_ =	strace s18  }
0x93: {  	s3 =	sld [smem:$0x3FFC];
	_ =	sdelay $0x3  }
0x94: {  	_ =	strace s3  }
0x95: {  	s3 =	sld [smem:$0x3FFD];
	_ =	sdelay $0x3  }
0x96: {  	_ =	strace s3  }
0x97: {  	_ =	strace $0x8FFFFFFF  }
0x98: {  	s19 =	sld [smem:$0x3FDB];
	_ =	sdelay $0x1  }
0x99: {  	s4 =	simm.s32 $_scs_section_size  }
0x9a: {  	s5 =	simm.s32 $_size__tile_overlayer_lowered;
	s6 =	simm.s32 $_tile_overlayer_lowered  }
0x9b: {  	s22 =	simm.s32 $0x1BFF;
	s21 =	sshll.u32 s6, $0x1;
	s3 =	sadd.s32 s4, s19  }
0x9c: {  	s7 =	simm.s32 $0x0;
	s20 =	sshll.u32 s5, $0x1;
	s5 =	sadd.s32 s21, s3  }
0x9d: {  	[timem:s7], [sflag:s22] =	dma.local [hbm:s5], s20  }
0x9e: {  	_ =	swait.ge [sflag:s22], s20  }
0x9f: {  	s4 =	ssub.s32 $0x0, s20;
	[sflag:s22] =	ssyncset.done $0x0  }
0xa0: {  	[sflag:s22] =	ssyncadd.s32 s4;
	_ =	sdelay $0x1  }
0xa1: {  	s23 =	simm.s32 $0x1B8B  }
0xa2: {  	_ =	swait.ge [sflag:s23], $0x1  }
0xa3: {  	[sflag:s23] =	ssyncset.done $0x0  }
0xa4: {  	s25 =	simm.s32 $0x1B8E;
	s24 =	sld [smem:$0x3FFE];
	[sflag:s23] =	ssyncadd.s32 $0xFFFFFFFF  }
0xa5: {  	s26 =	simm.s32 $execute0_lowered;
	[smem:$0x3FD2] =	sst s25  }
0xa6: {  	s5 =	sshll.u32 s26, $0x1;
	_ =	strace $0x80000049;
	[dreg:$0x1] =	wrdreg $0xFFFFFFFF  }
0xa7: {  	s28 =	simm.s32 $_size_execute0_lowered;
	s3 =	sadd.s32 s3, s5;
	[dreg:$0x0] =	wrdreg $0x0  }
0xa8: {  	s5 =	sshll.u32 s28, $0x1;
	[dreg:$0x2] =	wrdreg s3  }
0xa9: {  	[dreg:$0x3] =	wrdreg s5  }
0xaa: {  	[dreg:$0x4] =	wrdreg $0xC0  }
0xab: {  	_ =	task [dreg:s7], $0x5FFFF  }
0xac: {  	[dreg:$0x1] =	wrdreg $0xFFFFFFFF  }
0xad: {  	[dreg:$0x0] =	wrdreg $0x60  }
0xae: {  	[dreg:$0x2] =	wrdreg s24  }
0xaf: {  	[dreg:$0x3] =	wrdreg s2  }
0xb0: {  	[dreg:$0x4] =	wrdreg $0x0  }
0xb1: {  	[dreg:$0x5] =	wrdreg $0x9  }
0xb2: {  	_ =	task.clear_ibuf [dreg:s7], $0x6FFFF;
	_ =	strace $0x90000049  }
0xb3: {  	s29 =	simm.s32 $0x9;
	_ =	strace $0x8000004B  }
0xb4: {  	_ =	swait.ge [sflag:s29], $0x1  }
0xb5: {  	[sflag:s29] =	ssyncadd.s32 $0xFFFFFFFF  }
0xb6: {  	_ =	strace $0x9000004B  }
0xb7: {  	_ =	sfence  }
0xb8: {  	s30 =	sld [smem:$0x0];
	_ =	sdelay $0x2  }
0xb9: {  	s31 =	sshll.u32 s1, $0xD;
	s1 =	sshrl.u32 s1, $0x2  }
0xba: {  	s3 =	sand.u32 $0x4000, s31;
	s1 =	sadd.s32 s1, s30  }
0xbb: {  	s0 =	sor.u32 s3, s0;
	s1 =	sshll.u32 s1, $0x11  }
0xbc: {  	s0 =	sor.u32 s1, s0  }
0xbd: {  	s0 =	sadd.s32 $0x8F2B, s0  }
0xbe: {  	[sflag:s0] =	ssyncadd.remote.s32 $0x1  }
0xbf: {  	_ =	sfence.sel $0xFFFF  }
0xc0: {  	[dreg:$0x0] =	wrdreg $0xFFFFFFFF;
	(pc) =	sbr.abs _section_cstart, $3  }
0xc1: {  	[dreg:$0x1] =	wrdreg $0xFFFFFFFF  }
0xc2: {  	_ =	task.clear_ibuf [dreg:s7], $0x2FFFF;
	_ =	strace $0x9FFFFFFF  }
0xc3: {  	(tm) =	ssettm $0x7FFFFFFF  }
tec
execute0_lowered:
.L_overlay_start_1:
0x0: {  	(tag) =	ssettag $0x1  }
0x1: {  	s0 =	rddreg [dreg:$0x0]  }
0x2: {  	s1 =	rddreg [dreg:$0x1]  }
0x3: {  	s2 =	rddreg [dreg:$0x2];
	s3 =	simm.s32 $0x0  }
0x4: {  	s11 =	stileid.u32;
	s4 =	srdreg.scid;
	s28 =	simm.s32 $0x138C0  }
0x5: {  	s29 =	simm.s32 $0x15B80;
	s30 =	simm.s32 $0x13900;
	s31 =	simm.s32 $0x5  }
0x6: {  	[smem:$0x7FF] =	sst s3;
	s6 =	smul.u32 $0x271, s11;
	s7 =	sand.u32 $0x1, s4  }
0x7: {  	s4 =	sadd.s32 $0x31A00, s0;
	s5 =	sadd.s32 $0xA00, s0;
	_ =	strace $0x8000004A  }
0x8: {  	s8 =	sshll.u32 s7, $0x4;
	s10 =	smul.u32 $0x138800, s7;
	s7 =	ssub.s32 $0x2, s7  }
0x9: {  	s6 =	sshrl.u32 s6, $0x3;
	s8 =	sor.u32 s11, s8;
	s11 =	sshll.u32 s11, $0x7  }
0xa: {  	s25 =	sshrl.u32 s7, $0x1;
	s9 =	sshll.u32 s6, $0x7;
	s8 =	sshrl.u32 s8, $0x3  }
0xb: {  	s6 =	sshll.u32 s6, $0xA;
	s12 =	sand.u32 $0x380, s11;
	s7 =	ssub.s32 s7, s25  }
0xc: {  	s20 =	sor.u32 $0xC00, s11;
	s11 =	simm.s32 $0x9;
	s8 =	smul.u32 $0x13C00, s8  }
0xd: {  	s9 =	sadd.s32 s9, s0;
	s10 =	sadd.s32 s10, s6;
	s6 =	sadd.s32 s6, s2  }
0xe: {  	s10 =	sshrl.u32 s10, $0x3;
	[dreg:$0xb] =	wrdreg s6;
	s9 =	sadd.s32 $0xA800, s9  }
0xf: {  	s12 =	sor.u32 s12, s8;
	s0 =	sadd.s32 s10, s0;
	[dreg:$0xd] =	wrdreg s9  }
0x10: {  	s8 =	sadd.s32 s8, s20;
	s13 =	sshrl.u32 s12, $0x3;
	s14 =	sadd.s32 $0x400, s12  }
0x11: {  	s15 =	sadd.s32 $0x800, s12;
	s17 =	sadd.s32 $0x13400, s12;
	s19 =	sadd.s32 $0x13000, s12  }
0x12: {  	s22 =	sadd.s32 $0x1000, s12;
	s23 =	sadd.s32 $0x13800, s12;
	s8 =	sshrl.u32 s8, $0x3  }
0x13: {  	s0 =	sadd.s32 $0x58C00, s0;
	s12 =	simm.s32 $0x13940;
	s26 =	sadd.s32 s1, s13  }
0x14: {  	s13 =	sadd.s32 s5, s13;
	s10 =	sshrl.u32 s14, $0x3;
	[dreg:$0x9] =	wrdreg s15  }
0x15: {  	s16 =	sshrl.u32 s15, $0x3;
	s9 =	sshrl.u32 s19, $0x3;
	[dreg:$0x15] =	wrdreg s0  }
0x16: {  	s25 =	sadd.s32 s8, s5;
	s0 =	simm.s32 $0x7;
	[dreg:$0x7] =	wrdreg s26  }
0x17: {  	s15 =	simm.s32 $0x4;
	s19 =	simm.s32 $0x0;
	[dreg:$0x8] =	wrdreg s13  }
0x18: {  	s14 =	sadd.s32 s1, s10;
	[dreg:$0xc] =	wrdreg s16;
	s6 =	sadd.s32 s1, s16  }
0x19: {  	s18 =	sadd.s32 s5, s10;
	s9 =	sadd.s32 s5, s9;
	[dreg:$0x5] =	wrdreg s25  }
0x1a: {  	s26 =	smax.u32 s7, $0x1;
	s25 =	simm.s32 $0x40;
	[dreg:$0xa] =	wrdreg s14  }
0x1b: {  	s7 =	simm.s32 $0x2;
	s10 =	simm.s32 $0x17B80;
	[dreg:$0xe] =	wrdreg s6  }
0x1c: {  	s13 =	simm.s32 $0x19B80;
	s16 =	simm.s32 $0x1;
	[dreg:$0xf] =	wrdreg s18  }
0x1d: {  	s6 =	sshrl.u32 s17, $0x3;
	[dreg:$0x11] =	wrdreg s9;
	s9 =	sshrl.u32 s23, $0x3  }
0x1e: {  	[dreg:$0x16] =	wrdreg s26;
	s23 =	simm.s32 $0xB;
	s21 =	sadd.s32 s1, s6  }
0x1f: {  	s26 =	simm.s32 $0x13B80;
	s6 =	sadd.s32 s5, s6;
	[dreg:$0x10] =	wrdreg s21  }
0x20: {  	s14 =	simm.s32 $0x6;
	s24 =	sadd.s32 s1, s9;
	[dreg:$0x12] =	wrdreg s6  }
0x21: {  	s17 =	simm.s32 $0xA;
	s9 =	sadd.s32 s5, s9;
	[dreg:$0x13] =	wrdreg s24  }
0x22: {  	s6 =	sshrl.u32 s22, $0x3;
	[dreg:$0x14] =	wrdreg s9;
	s22 =	simm.s32 $0x13880  }
0x23: {  	s24 =	simm.s32 $0x13980;
	s9 =	simm.s32 $0x13A00;
	s6 =	sadd.s32 s6, s1  }
0x24: {  	s1 =	sadd.s32 s8, s1;
	s8 =	simm.s32 $0x8;
	[dreg:$0x4] =	wrdreg s6  }
0x25: {  	[dreg:$0x6] =	wrdreg s1;
	s1 =	simm.s32 $0x3;
	s6 =	simm.s32 $0x80  }
.LBB2_1:
0x26: {  	[dreg:$0x17] =	wrdreg s19  }
0x27: {  	s18 =	rddreg [dreg:$0x7]  }
0x28: {  	[tilespmem:s22], [sflag:$0xB] =	stream.linear.gather [hbm4b:s18+s3], $0x80, $0x38;
	[tilespmem:$0x1BB80] =	vst v63  }
0x29: {  	_ =	swait.ge [sflag:s23], $0x80  }
0x2a: {  	s19 =	stileid.u32;
	[sflag:s23] =	ssyncset.done $0x0;
	s20 =	rddreg [dreg:$0x8]  }
0x2b: {  	s18 =	sshll.u32 s19, $0x6;
	s21 =	rddreg [dreg:$0xa];
	[sflag:s23] =	ssyncadd.s32 $0xFFFFFF80  }
0x2c: {  	[tilespmem:s24], [sflag:$0x3] =	stream.linear.gather [hbm4b:s20+s3], $0x80, $0x38;
	[tilespmem:$0x1BB80] =	vst v63  }
0x2d: {  	s19 =	sor.u32 $0x1C0B, s18;
	s20 =	rddreg [dreg:$0xb]  }
0x2e: {  	[tilespmem:s26], [sflag:$0x5] =	stream.indirect.gather [hbm4b:s4+s25], $0x80, s22, s25, $0xb8;
	[tilespmem:$0x1BB80] =	vst v63  }
0x2f: {  	[dreg:$0x18] =	wrdreg s19;
	s20 =	sshrl.u32 s20, $0x3  }
0x30: {  	[tilespmem:s29], [sflag:$0x7] =	stream.indirect.gather [hbm4b:s4+s25], $0x80, s28, s25, $0xb8;
	[tilespmem:$0x1BB80] =	vst v63  }
0x31: {  	[dreg:$0x19] =	wrdreg s20  }
0x32: {  	[tilespmem:s30], [sflag:$0x2] =	stream.linear.gather [hbm4b:s21+s3], $0x80, $0x38;
	[tilespmem:$0x1BB80] =	vst v63  }
0x33: {  	s21 =	rddreg [dreg:$0xd]  }
0x34: {  	[spmem:s20], [sflag:s19] =	dma.local [hbm:s21], $0x2780  }
0x35: {  	_ =	swait.ge [sflag:s23], $0x2780  }
0x36: {  	[sflag:s23] =	ssyncset.done $0x0  }
0x37: {  	[sflag:s23] =	ssyncadd.s32 $0xFFFFD880  }
0x38: {  	[bflag:$0x0] =	sbarrier.arrive $0xFFFF  }
0x39: {  	_ =	swait.ge [sflag:s31], $0x2000  }
0x3a: {  	[sflag:s31] =	ssyncset.done $0x0  }
0x3b: {  	[sflag:s31] =	ssyncadd.s32 $0xFFFFE000  }
0x3c: {  	_ =	swait.ge [sflag:s0], $0x2000  }
0x3d: {  	[sflag:s0] =	ssyncset.done $0x0  }
0x3e: {  	s21 =	rddreg [dreg:$0xe];
	[sflag:s0] =	ssyncadd.s32 $0xFFFFE000  }
0x3f: {  	[tilespmem:s22], [sflag:$0x1] =	stream.linear.gather [hbm4b:s21+s3], $0x80, $0x38;
	[tilespmem:$0x1BB80] =	vst v63  }
0x40: {  	_ =	swait.ge [sflag:s1], $0x80  }
0x41: {  	[sflag:s1] =	ssyncset.done $0x0  }
0x42: {  	[sflag:s1] =	ssyncadd.s32 $0xFFFFFF80  }
0x43: {  	[spmem:s2] =	stream.indirect.scatter.add.f32 [tilespmem:s26], [sflag:$0x9], $0x80, s24, s6, $0xb8;
	[tilespmem:$0x1BB80] =	vst v63  }
0x44: {  	_ =	swait.ge [sflag:s7], $0x80  }
0x45: {  	[sflag:s7] =	ssyncset.done $0x0  }
0x46: {  	s19 =	rddreg [dreg:$0xf];
	[sflag:s7] =	ssyncadd.s32 $0xFFFFFF80  }
0x47: {  	[tilespmem:s9], [sflag:$0x4] =	stream.linear.gather [hbm4b:s19+s3], $0x80, $0x38;
	[tilespmem:$0x1BB80] =	vst v63  }
0x48: {  	_ = 	snop  }
0x49: {  	[tilespmem:s10], [sflag:$0x6] =	stream.indirect.gather [hbm4b:s4+s25], $0x80, s30, s25, $0xb8;
	[tilespmem:$0x1BB80] =	vst v63  }
0x4a: {  	_ = 	snop  }
0x4b: {  	[tilespmem:s13], [sflag:$0x8] =	stream.indirect.gather [hbm4b:s4+s25], $0x80, s12, s25, $0xb8;
	[tilespmem:$0x1BB80] =	vst v63  }
0x4c: {  	_ =	swait.ge [sflag:s14], $0x2000  }
0x4d: {  	[sflag:s14] =	ssyncset.done $0x0  }
0x4e: {  	[sflag:s14] =	ssyncadd.s32 $0xFFFFE000  }
0x4f: {  	_ =	swait.ge [sflag:s8], $0x2000  }
0x50: {  	s20 =	rddreg [dreg:$0x6];
	[sflag:s8] =	ssyncset.done $0x0  }
0x51: {  	[sflag:s8] =	ssyncadd.s32 $0xFFFFE000;
	s18 =	sadd.s32 $0x0, s20  }
0x52: {  	[tilespmem:s30], [sflag:$0x2] =	stream.linear.gather [hbm4b:s18+s3], $0x80, $0x38;
	[tilespmem:$0x1BB80] =	vst v63  }
0x53: {  	_ =	swait.ge [sflag:s15], $0x80  }
0x54: {  	[sflag:s15] =	ssyncset.done $0x0  }
0x55: {  	[sflag:s15] =	ssyncadd.s32 $0xFFFFFF80  }
0x56: {  	[spmem:s2] =	stream.indirect.scatter.add.f32 [tilespmem:s10], [sflag:$0xA], $0x80, s9, s6, $0xb8;
	[tilespmem:$0x1BB80] =	vst v63  }
0x57: {  	_ =	swait.ge [sflag:s16], $0x80  }
0x58: {  	[sflag:s16] =	ssyncset.done $0x0  }
0x59: {  	[sflag:s16] =	ssyncadd.s32 $0xFFFFFF80  }
0x5a: {  	_ =	swait.ge [sflag:s11], $0x4000  }
0x5b: {  	[sflag:s11] =	ssyncset.done $0x0;
	s21 =	rddreg [dreg:$0xc]  }
0x5c: {  	[sflag:s11] =	ssyncadd.s32 $0xFFFFC000;
	s18 =	sadd.s32 s5, s21  }
0x5d: {  	[tilespmem:s24], [sflag:$0x3] =	stream.linear.gather [hbm4b:s18+s3], $0x80, $0x38;
	[tilespmem:$0x1BB80] =	vst v63  }
0x5e: {  	_ = 	snop  }
0x5f: {  	[tilespmem:s26], [sflag:$0x5] =	stream.indirect.gather [hbm4b:s4+s25], $0x80, s22, s25, $0xb8;
	[tilespmem:$0x1BB80] =	vst v63  }
0x60: {  	_ = 	snop  }
0x61: {  	[tilespmem:s29], [sflag:$0x7] =	stream.indirect.gather [hbm4b:s4+s25], $0x80, s28, s25, $0xb8;
	[tilespmem:$0x1BB80] =	vst v63  }
0x62: {  	_ =	swait.ge [sflag:s31], $0x2000  }
0x63: {  	[sflag:s31] =	ssyncset.done $0x0  }
0x64: {  	[sflag:s31] =	ssyncadd.s32 $0xFFFFE000  }
0x65: {  	_ =	swait.ge [sflag:s0], $0x2000  }
0x66: {  	s19 =	rddreg [dreg:$0x4];
	[sflag:s0] =	ssyncset.done $0x0  }
0x67: {  	[sflag:s0] =	ssyncadd.s32 $0xFFFFE000;
	s18 =	sadd.s32 $0x0, s19  }
0x68: {  	[tilespmem:s22], [sflag:$0x1] =	stream.linear.gather [hbm4b:s18+s3], $0x80, $0x38;
	[tilespmem:$0x1BB80] =	vst v63  }
0x69: {  	_ =	swait.ge [sflag:s1], $0x80  }
0x6a: {  	[sflag:s1] =	ssyncset.done $0x0  }
0x6b: {  	[sflag:s1] =	ssyncadd.s32 $0xFFFFFF80  }
0x6c: {  	[spmem:s2] =	stream.indirect.scatter.add.f32 [tilespmem:s26], [sflag:$0x9], $0x80, s24, s6, $0xb8;
	[tilespmem:$0x1BB80] =	vst v63  }
0x6d: {  	_ =	swait.ge [sflag:s7], $0x80  }
0x6e: {  	[sflag:s7] =	ssyncset.done $0x0  }
0x6f: {  	[sflag:s7] =	ssyncadd.s32 $0xFFFFFF80  }
0x70: {  	_ =	swait.ge [sflag:s17], $0x4000  }
0x71: {  	s20 =	rddreg [dreg:$0x5];
	[sflag:s17] =	ssyncset.done $0x0  }
0x72: {  	s21 =	rddreg [dreg:$0x9];
	[sflag:s17] =	ssyncadd.s32 $0xFFFFC000;
	s18 =	sadd.s32 $0x0, s20  }
0x73: {  	[tilespmem:s9], [sflag:$0x4] =	stream.linear.gather [hbm4b:s18+s3], $0x80, $0x38;
	[tilespmem:$0x1BB80] =	vst v63  }
0x74: {  	s20 =	simm.s32 $0x100;
	s18 =	sadd.s32 $0x800, s21  }
0x75: {  	[tilespmem:s10], [sflag:$0x6] =	stream.indirect.gather [hbm4b:s4+s25], $0x80, s30, s25, $0xb8;
	[tilespmem:$0x1BB80] =	vst v63  }
.LBB2_2:
0x76: {  	[tilespmem:s13], [sflag:$0x8] =	stream.indirect.gather [hbm4b:s4+s25], $0x80, s12, s25, $0xb8;
	[tilespmem:$0x1BB80] =	vst v63  }
0x77: {  	_ =	swait.ge [sflag:s14], $0x2000  }
0x78: {  	[sflag:s14] =	ssyncset.done $0x0  }
0x79: {  	[sflag:s14] =	ssyncadd.s32 $0xFFFFE000  }
0x7a: {  	_ =	swait.ge [sflag:s8], $0x2000  }
0x7b: {  	s19 =	smov.u32 s20;
	s21 =	rddreg [dreg:$0x6];
	[sflag:s8] =	ssyncset.done $0x0  }
0x7c: {  	[sflag:s8] =	ssyncadd.s32 $0xFFFFE000;
	s21 =	sadd.s32 s19, s21  }
0x7d: {  	[tilespmem:s30], [sflag:$0x2] =	stream.linear.gather [hbm4b:s21+s3], $0x80, $0x38;
	[tilespmem:$0x1BB80] =	vst v63  }
0x7e: {  	_ =	swait.ge [sflag:s15], $0x80  }
0x7f: {  	[sflag:s15] =	ssyncset.done $0x0  }
0x80: {  	[sflag:s15] =	ssyncadd.s32 $0xFFFFFF80  }
0x81: {  	[spmem:s2] =	stream.indirect.scatter.add.f32 [tilespmem:s10], [sflag:$0xA], $0x80, s9, s6, $0xb8;
	[tilespmem:$0x1BB80] =	vst v63  }
0x82: {  	_ =	swait.ge [sflag:s16], $0x80  }
0x83: {  	[sflag:s16] =	ssyncset.done $0x0  }
0x84: {  	[sflag:s16] =	ssyncadd.s32 $0xFFFFFF80  }
0x85: {  	_ =	swait.ge [sflag:s11], $0x4000  }
0x86: {  	s21 =	sshrl.u32 s18, $0x3;
	[sflag:s11] =	ssyncset.done $0x0  }
0x87: {  	s21 =	sadd.s32 s5, s21;
	[sflag:s11] =	ssyncadd.s32 $0xFFFFC000  }
0x88: {  	[tilespmem:s24], [sflag:$0x3] =	stream.linear.gather [hbm4b:s21+s3], $0x80, $0x38;
	[tilespmem:$0x1BB80] =	vst v63  }
0x89: {  	_ = 	snop  }
0x8a: {  	[tilespmem:s26], [sflag:$0x5] =	stream.indirect.gather [hbm4b:s4+s25], $0x80, s22, s25, $0xb8;
	[tilespmem:$0x1BB80] =	vst v63  }
0x8b: {  	_ = 	snop  }
0x8c: {  	[tilespmem:s29], [sflag:$0x7] =	stream.indirect.gather [hbm4b:s4+s25], $0x80, s28, s25, $0xb8;
	[tilespmem:$0x1BB80] =	vst v63  }
0x8d: {  	_ =	swait.ge [sflag:s31], $0x2000  }
0x8e: {  	[sflag:s31] =	ssyncset.done $0x0  }
0x8f: {  	[sflag:s31] =	ssyncadd.s32 $0xFFFFE000  }
0x90: {  	_ =	swait.ge [sflag:s0], $0x2000  }
0x91: {  	s21 =	rddreg [dreg:$0x4];
	[sflag:s0] =	ssyncset.done $0x0  }
0x92: {  	[sflag:s0] =	ssyncadd.s32 $0xFFFFE000;
	s21 =	sadd.s32 s19, s21  }
0x93: {  	[tilespmem:s22], [sflag:$0x1] =	stream.linear.gather [hbm4b:s21+s3], $0x80, $0x38;
	[tilespmem:$0x1BB80] =	vst v63  }
0x94: {  	_ =	swait.ge [sflag:s1], $0x80  }
0x95: {  	[sflag:s1] =	ssyncset.done $0x0  }
0x96: {  	[sflag:s1] =	ssyncadd.s32 $0xFFFFFF80  }
0x97: {  	[spmem:s2] =	stream.indirect.scatter.add.f32 [tilespmem:s26], [sflag:$0x9], $0x80, s24, s6, $0xb8;
	[tilespmem:$0x1BB80] =	vst v63  }
0x98: {  	_ =	swait.ge [sflag:s7], $0x80  }
0x99: {  	[sflag:s7] =	ssyncset.done $0x0  }
0x9a: {  	[sflag:s7] =	ssyncadd.s32 $0xFFFFFF80  }
0x9b: {  	p0 =	sne.s32 s20, $0x2400;
	_ =	swait.ge [sflag:s17], $0x4000  }
.Ltmp0:
0x9c: {  	s21 =	rddreg [dreg:$0x5];
	[sflag:s17] =	ssyncset.done $0x0;
	(pc) =	sbr.rel @p0 .LBB2_2-.Ltmp0, $4  }
0x9d: {  	[sflag:s17] =	ssyncadd.s32 $0xFFFFC000;
	s19 =	sadd.s32 s19, s21  }
0x9e: {  	[tilespmem:s9], [sflag:$0x4] =	stream.linear.gather [hbm4b:s19+s3], $0x80, $0x38;
	[tilespmem:$0x1BB80] =	vst v63  }
0x9f: {  	s20 =	sadd.s32 $0x100, s20;
	s18 =	sadd.s32 $0x800, s18  }
0xa0: {  	[tilespmem:s10], [sflag:$0x6] =	stream.indirect.gather [hbm4b:s4+s25], $0x80, s30, s25, $0xb8;
	[tilespmem:$0x1BB80] =	vst v63  }
0xa1: {  	[tilespmem:s13], [sflag:$0x8] =	stream.indirect.gather [hbm4b:s4+s25], $0x80, s12, s25, $0xb8;
	[tilespmem:$0x1BB80] =	vst v63  }
0xa2: {  	_ =	swait.ge [sflag:s14], $0x2000  }
0xa3: {  	[sflag:s14] =	ssyncset.done $0x0  }
0xa4: {  	[sflag:s14] =	ssyncadd.s32 $0xFFFFE000  }
0xa5: {  	_ =	swait.ge [sflag:s8], $0x2000  }
0xa6: {  	[sflag:s8] =	ssyncset.done $0x0  }
0xa7: {  	s18 =	rddreg [dreg:$0x10];
	[sflag:s8] =	ssyncadd.s32 $0xFFFFE000  }
0xa8: {  	[tilespmem:s30], [sflag:$0x2] =	stream.linear.gather [hbm4b:s18+s3], $0x80, $0x38;
	[tilespmem:$0x1BB80] =	vst v63  }
0xa9: {  	_ =	swait.ge [sflag:s15], $0x80  }
0xaa: {  	[sflag:s15] =	ssyncset.done $0x0  }
0xab: {  	[sflag:s15] =	ssyncadd.s32 $0xFFFFFF80  }
0xac: {  	[spmem:s2] =	stream.indirect.scatter.add.f32 [tilespmem:s10], [sflag:$0xA], $0x80, s9, s6, $0xb8;
	[tilespmem:$0x1BB80] =	vst v63  }
0xad: {  	_ =	swait.ge [sflag:s16], $0x80  }
0xae: {  	[sflag:s16] =	ssyncset.done $0x0  }
0xaf: {  	[sflag:s16] =	ssyncadd.s32 $0xFFFFFF80  }
0xb0: {  	_ =	swait.ge [sflag:s11], $0x4000  }
0xb1: {  	[sflag:s11] =	ssyncset.done $0x0  }
0xb2: {  	s21 =	rddreg [dreg:$0x11];
	[sflag:s11] =	ssyncadd.s32 $0xFFFFC000  }
0xb3: {  	[tilespmem:s24], [sflag:$0x3] =	stream.linear.gather [hbm4b:s21+s3], $0x80, $0x38;
	[tilespmem:$0x1BB80] =	vst v63  }
0xb4: {  	_ = 	snop  }
0xb5: {  	[tilespmem:s26], [sflag:$0x5] =	stream.indirect.gather [hbm4b:s4+s25], $0x80, s22, s25, $0xb8;
	[tilespmem:$0x1BB80] =	vst v63  }
0xb6: {  	_ = 	snop  }
0xb7: {  	[tilespmem:s29], [sflag:$0x7] =	stream.indirect.gather [hbm4b:s4+s25], $0x80, s28, s25, $0xb8;
	[tilespmem:$0x1BB80] =	vst v63  }
0xb8: {  	_ =	swait.ge [sflag:s31], $0x2000  }
0xb9: {  	[sflag:s31] =	ssyncset.done $0x0  }
0xba: {  	[sflag:s31] =	ssyncadd.s32 $0xFFFFE000  }
0xbb: {  	_ =	swait.ge [sflag:s0], $0x2000  }
0xbc: {  	[sflag:s0] =	ssyncset.done $0x0  }
0xbd: {  	[sflag:s0] =	ssyncadd.s32 $0xFFFFE000  }
0xbe: {  	_ =	swait.ge [sflag:s1], $0x80  }
0xbf: {  	[sflag:s1] =	ssyncset.done $0x0  }
0xc0: {  	[sflag:s1] =	ssyncadd.s32 $0xFFFFFF80  }
0xc1: {  	[spmem:s2] =	stream.indirect.scatter.add.f32 [tilespmem:s26], [sflag:$0x9], $0x80, s24, s6, $0xb8;
	[tilespmem:$0x1BB80] =	vst v63  }
0xc2: {  	_ =	swait.ge [sflag:s7], $0x80  }
0xc3: {  	[sflag:s7] =	ssyncset.done $0x0  }
0xc4: {  	[sflag:s7] =	ssyncadd.s32 $0xFFFFFF80  }
0xc5: {  	_ =	swait.ge [sflag:s17], $0x4000  }
0xc6: {  	[sflag:s17] =	ssyncset.done $0x0  }
0xc7: {  	s19 =	rddreg [dreg:$0x12];
	[sflag:s17] =	ssyncadd.s32 $0xFFFFC000  }
0xc8: {  	[tilespmem:s9], [sflag:$0x4] =	stream.linear.gather [hbm4b:s19+s3], $0x80, $0x38;
	[tilespmem:$0x1BB80] =	vst v63  }
0xc9: {  	_ = 	snop  }
0xca: {  	[tilespmem:s10], [sflag:$0x6] =	stream.indirect.gather [hbm4b:s4+s25], $0x80, s30, s25, $0xb8;
	[tilespmem:$0x1BB80] =	vst v63  }
0xcb: {  	_ = 	snop  }
0xcc: {  	[tilespmem:s13], [sflag:$0x8] =	stream.indirect.gather [hbm4b:s4+s25], $0x80, s12, s25, $0xb8;
	[tilespmem:$0x1BB80] =	vst v63  }
0xcd: {  	_ =	swait.ge [sflag:s14], $0x2000  }
0xce: {  	[sflag:s14] =	ssyncset.done $0x0  }
0xcf: {  	[sflag:s14] =	ssyncadd.s32 $0xFFFFE000  }
0xd0: {  	_ =	swait.ge [sflag:s8], $0x2000  }
0xd1: {  	[sflag:s8] =	ssyncset.done $0x0  }
0xd2: {  	[sflag:s8] =	ssyncadd.s32 $0xFFFFE000  }
0xd3: {  	_ =	swait.ge [sflag:s15], $0x80  }
0xd4: {  	[sflag:s15] =	ssyncset.done $0x0  }
0xd5: {  	[sflag:s15] =	ssyncadd.s32 $0xFFFFFF80  }
0xd6: {  	[spmem:s2] =	stream.indirect.scatter.add.f32 [tilespmem:s10], [sflag:$0xA], $0x80, s9, s6, $0xb8;
	[tilespmem:$0x1BB80] =	vst v63  }
0xd7: {  	_ =	swait.ge [sflag:s11], $0x4000  }
0xd8: {  	[sflag:s11] =	ssyncset.done $0x0  }
0xd9: {  	[sflag:s11] =	ssyncadd.s32 $0xFFFFC000  }
0xda: {  	_ =	swait.ge [sflag:s17], $0x4000  }
0xdb: {  	[sflag:s17] =	ssyncset.done $0x0  }
0xdc: {  	s19 =	simm.s32 $0x13A80;
	s20 =	rddreg [dreg:$0x13];
	[sflag:s17] =	ssyncadd.s32 $0xFFFFC000  }
0xdd: {  	[tilespmem:s19], [sflag:$0xB] =	stream.linear.gather [hbm4b:s20+s3], $0x10, $0x38;
	[tilespmem:$0x1BB80] =	vst v63  }
0xde: {  	_ =	swait.ge [sflag:s23], $0x10  }
0xdf: {  	[sflag:s23] =	ssyncset.done $0x0  }
0xe0: {  	s20 =	simm.s32 $0x13B00;
	s21 =	rddreg [dreg:$0x14];
	[sflag:s23] =	ssyncadd.s32 $0xFFFFFFF0  }
0xe1: {  	[tilespmem:s20], [sflag:$0xB] =	stream.linear.gather [hbm4b:s21+s3], $0x10, $0x38;
	[tilespmem:$0x1BB80] =	vst v63  }
0xe2: {  	_ =	swait.ge [sflag:s23], $0x10  }
0xe3: {  	[sflag:s23] =	ssyncset.done $0x0  }
0xe4: {  	s21 =	simm.s32 $0x10;
	[sflag:s23] =	ssyncadd.s32 $0xFFFFFFF0  }
0xe5: {  	[tilespmem:s26], [sflag:$0xB] =	stream.indirect.gather [hbm4b:s4+s21], $0x80, s19, s21, $0xb8;
	[tilespmem:$0x1BB80] =	vst v63  }
0xe6: {  	_ =	swait.ge [sflag:s23], $0x800  }
0xe7: {  	[sflag:s23] =	ssyncset.done $0x0  }
0xe8: {  	[sflag:s23] =	ssyncadd.s32 $0xFFFFF800  }
0xe9: {  	[spmem:s2] =	stream.indirect.scatter.add.f32 [tilespmem:s26], [sflag:$0xB], $0x80, s20, s21, $0xb8;
	[tilespmem:$0x1BB80] =	vst v63  }
0xea: {  	_ =	swait.ge [sflag:s23], $0x800  }
0xeb: {  	[sflag:s23] =	ssyncset.done $0x0  }
0xec: {  	[sflag:s23] =	ssyncadd.s32 $0xFFFFF800  }
0xed: {  	[bflag:$0x0] =	sbarrier.arrive $0xFFFF  }
0xee: {  	s19 =	rddreg [dreg:$0x15]  }
0xef: {  	s20 =	rddreg [dreg:$0x18]  }
0xf0: {  	s21 =	rddreg [dreg:$0x19]  }
0xf1: {  	[hbm:s19], [sflag:s20] =	dma.local [spmem:s21], $0x2780  }
0xf2: {  	_ =	swait.ge [sflag:s23], $0x2780  }
0xf3: {  	s20 =	rddreg [dreg:$0x17]  }
0xf4: {  	s21 =	rddreg [dreg:$0x16];
	s19 =	sadd.s32 $0x1, s20  }
0xf5: {  	p0 =	sne.s32 s19, s21  }
.Ltmp1:
0xf6: {  	_ = 	snop;
	(pc) =	sbr.rel @p0 .LBB2_1-.Ltmp1, $3  }
0xf7: {  	_ =	sdelay $0x1  }
0xf8: {  	[sflag:s23] =	ssyncset.done $0x0  }
0xf9: {  	[sflag:s23] =	ssyncadd.s32 $0xFFFFD880  }
0xfa: {  	_ =	sfence.sel $0x180000  }
0xfb: {  	[bflag:$0x0] =	sbarrier.arrive $0xFFFF  }
0xfc: {  	_ =	strace $0x9000004A  }
0xfd: {  	s0 =	stileid.u32;
	[bflag:$0x2] =	sbarrier.arrive $0xFFFF  }
0xfe: {  	p0 =	sne.s32 s0, $0x0;
	s0 =	rddreg [dreg:$0x3]  }
0xff: {  	s0 =	sadd.s32 @!p0 $0x100000, s0  }
0x100: {  	[sflag:s0] =	ssyncadd.tile.s32 @!p0 $0x1;
	_ =	shalt  }
.Lfunc_end2:
_tile_overlayer_lowered:
.L_overlay_start_2:
0x101: {  	(tag) =	ssettag $0x2  }
0x102: {  	s0 =	rddreg [dreg:$0x0];
	s2 =	stileid.u32  }
0x103: {  	s1 =	rddreg [dreg:$0x1];
	p0 =	sne.s32 s2, $0x0  }
0x104: {  	s3 =	rddreg [dreg:$0x2];
	[bflag:$0x3] =	sbarrier.arrive $0xFFFF;
	s2 =	simm.s32 @!p0 $0x1C0B  }
0x105: {  	[timem:s3], [sflag:s2] =	dma.local @!p0 [hbm:s0], s1  }
0x106: {  	s0 =	simm.s32 @!p0 $0xB  }
0x107: {  	_ =	swait.ge @!p0 [sflag:s0], s1  }
0x108: {  	s1 =	ssub.s32 @!p0 $0x0, s1;
	[sflag:s0] =	ssyncset.done @!p0 $0x0  }
0x109: {  	[sflag:s0] =	ssyncadd.s32 @!p0 s1  }
0x10a: {  	[bflag:$0x3] =	sbarrier.arrive $0xFFFF  }
0x10b: {  	_ =	shalt  }

// kernel: kernel.7.cloned.1.call-start
scs
__scs_entry_jumppad:
0x0: {  	(pc) =	sbr.rel $0x88, $3  }
0x1: {  	(tag) =	ssettag $0x0;
	lr =	simm.s32 $0x1  }
0x2: {  	[smem:$0x3F9D] =	sst lr;
	_ =	strace $0xD0000000  }
0x3: {  	_ = 	snop  }
0x4: {  	_ = 	snop  }
0x5: {  	_ = 	snop  }
0x6: {  	_ = 	snop  }
0x7: {  	_ = 	snop  }
__scs_overlays_trampoline_lowered:
0x8: {  	[smem:$0x3FAC] =	sst s0  }
0x9: {  	[smem:$0x3FAD] =	sst s1  }
0xa: {  	[smem:$0x3FAE] =	sst s2  }
0xb: {  	[smem:$0x3FAF] =	sst s3  }
0xc: {  	[smem:$0x3FB0] =	sst s4  }
0xd: {  	[smem:$0x3FB1] =	sst s5  }
0xe: {  	[smem:$0x3FB2] =	sst s6  }
0xf: {  	[smem:$0x3FB3] =	sst s7  }
0x10: {  	[smem:$0x3FB4] =	sst s8  }
0x11: {  	[smem:$0x3FB5] =	sst s9;
	s0 =	simm.s32 @!p0 $0x0  }
0x12: {  	s1 =	sld [smem:$0x3F9B];
	s0 =	simm.s32 @p0 $0x1  }
0x13: {  	[smem:$0x3FB6] =	sst s0;
	s0 =	simm.s32 @!p1 $0x0  }
0x14: {  	s2 =	sld [smem:$0x3F9A];
	s0 =	simm.s32 @p1 $0x1  }
0x15: {  	[smem:$0x3FB7] =	sst s0;
	s0 =	simm.s32 @!p2 $0x0  }
0x16: {  	s3 =	sld [smem:$0x3FDB];
	s0 =	simm.s32 @p2 $0x1  }
0x17: {  	s4 =	simm.s32 $0x1BF5;
	[smem:$0x3FB9] =	sst s0  }
0x18: {  	s0 =	sld [smem:$0x3F9C];
	_ =	swait.ge [sflag:s4], $0x0  }
0x19: {  	s7 =	sld [smem:$0x3F9D]  }
0x1a: {  	s8 =	sadd.s32 $0xFFFFE003, lr  }
0x1b: {  	s9 =	sadd.s32 $0xFFFFFEF7, lr;
	s5 =	simm.s32 $0xFFFFFFFF;
	p2 =	slt.u32 s8, $0xFFFFF086  }
0x1c: {  	p1 =	slt.u32 s9, $0xF7A;
	s5 =	simm.s32 @!p2 $0x0  }
0x1d: {  	s5 =	simm.s32 @p1 $0x1;
	p0 =	seq.s32 s7, s2  }
0x1e: {  	s7 =	smul.u32 @!p0 $0xF7A, s2;
	p2 =	seq.s32 @!p0 s5, $0x0  }
0x1f: {  	s9 =	smul.u32 $0xF7A, s1;
	s8 =	simm.s32 @!p0 $0x1BF5;
	p2 =	por !p2, p0  }
0x20: {  	[sflag:s8] =	ssyncset.s32 @!p0 $0xFFFFF086;
	s6 =	sadd.s32 @!p0 s3, s7;
	s7 =	simm.s32 @!p0 $0x108  }
0x21: {  	s3 =	sadd.s32 s3, s9;
	s6 =	sadd.s32 @!p0 $0x88, s6;
	s7 =	simm.s32 @p2 $0x1082  }
0x22: {  	[simem:s7], [sflag:s8] =	dma.local @!p0 [hbm:s6], $0xF7A  }
0x23: {  	s9 =	sor.u32 $0xD0000000, s2;
	s6 =	simm.s32 $0x108;
	_ =	swait.ge @!p0 [sflag:s8], $0x0  }
0x24: {  	s3 =	sadd.s32 $0x88, s3;
	s6 =	simm.s32 @!p1 $0x1082;
	[sflag:s4] =	ssyncset.s32 $0xFFFFF086  }
0x25: {  	[simem:s6], [sflag:s4] =	dma.local [hbm:s3], $0xF7A  }
0x26: {  	[smem:$0x3F9D] =	sst s1;
	(tag) =	ssettag s2;
	_ =	strace s9  }
0x27: {  	s1 =	sld [smem:$0x3FAD]  }
0x28: {  	s2 =	sld [smem:$0x3FAE]  }
0x29: {  	s4 =	sld [smem:$0x3FB0]  }
0x2a: {  	p0 =	seq.s32 s5, $0x0;
	s5 =	sld [smem:$0x3FB1]  }
0x2b: {  	s6 =	sld [smem:$0x3FB2]  }
0x2c: {  	s7 =	sld [smem:$0x3FB3]  }
0x2d: {  	s3 =	simm.s32 $0x108;
	s8 =	sld [smem:$0x3FB4]  }
0x2e: {  	s3 =	simm.s32 @!p0 $0x1082;
	s9 =	sld [smem:$0x3FB5]  }
0x2f: {  	lr =	sadd.s32 s0, s3;
	s0 =	sld [smem:$0x3FAC]  }
0x30: {  	s3 =	sld [smem:$0x3FAF]  }
0x31: {  	[smem:$0x3FB8] =	sst s10  }
0x32: {  	s10 =	sld [smem:$0x3FB6];
	_ =	sdelay $0x3  }
0x33: {  	p0 =	seq.s32 s10, $0x1;
	s10 =	sld [smem:$0x3FB8];
	_ =	sdelay $0x3  }
0x34: {  	[smem:$0x3FB8] =	sst s10  }
0x35: {  	s10 =	sld [smem:$0x3FB7];
	_ =	sdelay $0x3  }
0x36: {  	p1 =	seq.s32 s10, $0x1;
	s10 =	sld [smem:$0x3FB8];
	_ =	sdelay $0x3  }
0x37: {  	[smem:$0x3FB8] =	sst s10  }
0x38: {  	s10 =	sld [smem:$0x3FB9]  }
0x39: {  	_ = 	snop;
	(pc) =	sbr.ind lr, $3  }
0x3a: {  	_ = 	snop  }
0x3b: {  	_ = 	snop  }
0x3c: {  	p2 =	seq.s32 s10, $0x1;
	s10 =	sld [smem:$0x3FB8]  }
0x3d: {  	_ =	shalt  }
0x3e: {  	_ =	shalt  }
0x3f: {  	_ =	shalt  }
0x40: {  	_ =	shalt  }
0x41: {  	_ =	shalt  }
0x42: {  	_ =	shalt  }
0x43: {  	_ =	shalt  }
0x44: {  	_ =	shalt  }
0x45: {  	_ =	shalt  }
0x46: {  	_ =	shalt  }
0x47: {  	_ =	shalt  }
0x48: {  	_ =	shalt  }
0x49: {  	_ =	shalt  }
0x4a: {  	_ =	shalt  }
0x4b: {  	_ =	shalt  }
0x4c: {  	_ =	shalt  }
0x4d: {  	_ =	shalt  }
0x4e: {  	_ =	shalt  }
0x4f: {  	_ =	shalt  }
0x50: {  	_ =	shalt  }
0x51: {  	_ =	shalt  }
0x52: {  	_ =	shalt  }
0x53: {  	_ =	shalt  }
0x54: {  	_ =	shalt  }
0x55: {  	_ =	shalt  }
0x56: {  	_ =	shalt  }
0x57: {  	_ =	shalt  }
0x58: {  	_ =	shalt  }
0x59: {  	_ =	shalt  }
0x5a: {  	_ =	shalt  }
0x5b: {  	_ =	shalt  }
0x5c: {  	_ =	shalt  }
0x5d: {  	_ =	shalt  }
0x5e: {  	_ =	shalt  }
0x5f: {  	_ =	shalt  }
0x60: {  	_ =	shalt  }
0x61: {  	_ =	shalt  }
0x62: {  	_ =	shalt  }
0x63: {  	_ =	shalt  }
0x64: {  	_ =	shalt  }
0x65: {  	_ =	shalt  }
0x66: {  	_ =	shalt  }
0x67: {  	_ =	shalt  }
0x68: {  	_ =	shalt  }
0x69: {  	_ =	shalt  }
0x6a: {  	_ =	shalt  }
0x6b: {  	_ =	shalt  }
0x6c: {  	_ =	shalt  }
0x6d: {  	_ =	shalt  }
0x6e: {  	_ =	shalt  }
0x6f: {  	_ =	shalt  }
0x70: {  	_ =	shalt  }
0x71: {  	_ =	shalt  }
0x72: {  	_ =	shalt  }
0x73: {  	_ =	shalt  }
0x74: {  	_ =	shalt  }
0x75: {  	_ =	shalt  }
0x76: {  	_ =	shalt  }
0x77: {  	_ =	shalt  }
0x78: {  	_ =	shalt  }
0x79: {  	_ =	shalt  }
0x7a: {  	_ =	shalt  }
0x7b: {  	_ =	shalt  }
0x7c: {  	_ =	shalt  }
0x7d: {  	_ =	shalt  }
0x7e: {  	_ =	shalt  }
0x7f: {  	_ =	shalt  }
0x80: {  	_ =	shalt  }
0x81: {  	_ =	shalt  }
0x82: {  	_ =	shalt  }
0x83: {  	_ =	shalt  }
0x84: {  	_ =	shalt  }
0x85: {  	_ =	shalt  }
0x86: {  	_ =	shalt  }
0x87: {  	_ =	shalt  }
.Lfunc_end0:
.L_simem_size_0:
called_computation_lowered:
.L_overlay_start_0:
0x88: {  	s2 =	sld [smem:$0x3FD9]  }
0x89: {  	s3 =	sld [smem:$0x3FFE];
	_ =	sdelay $0x1  }
0x8a: {  	s1 =	srdreg.scid  }
0x8b: {  	s0 =	sand.u32 $0x1, s1  }
0x8c: {  	s17 =	sshll.u32 s0, $0xA;
	s2 =	sadd.s32 s3, s2  }
0x8d: {  	s2 =	sadd.s32 s2, s17  }
0x8e: {  	[smem:$0x3FC4] =	sst s2  }
0x8f: {  	_ = 	snop  }
0x90: {  	s2 =	sld [smem:$0x3FC9]  }
0x91: {  	s18 =	sld [smem:$0x3FD0];
	(tm) =	ssettm $0x1  }
0x92: {  	s4 =	sld [smem:$0x3FFB];
	_ =	sdelay $0x3  }
0x93: {  	_ =	strace s4  }
0x94: {  	s4 =	sld [smem:$0x3FFC];
	_ =	sdelay $0x3  }
0x95: {  	_ =	strace s4  }
0x96: {  	s4 =	sld [smem:$0x3FFD];
	_ =	sdelay $0x3  }
0x97: {  	_ =	strace s4  }
0x98: {  	_ =	strace $0x8FFFFFFF  }
0x99: {  	s19 =	sld [smem:$0x3FDB];
	_ =	sdelay $0x1  }
0x9a: {  	s5 =	simm.s32 $_scs_section_size  }
0x9b: {  	s6 =	simm.s32 $_size__tile_overlayer_lowered;
	s7 =	simm.s32 $_tile_overlayer_lowered  }
0x9c: {  	s22 =	simm.s32 $0x1BFF;
	s21 =	sshll.u32 s7, $0x1;
	s4 =	sadd.s32 s5, s19  }
0x9d: {  	s8 =	simm.s32 $0x0;
	s20 =	sshll.u32 s6, $0x1;
	s6 =	sadd.s32 s21, s4  }
0x9e: {  	[timem:s8], [sflag:s22] =	dma.local [hbm:s6], s20  }
0x9f: {  	_ =	swait.ge [sflag:s22], s20  }
0xa0: {  	s5 =	ssub.s32 $0x0, s20;
	[sflag:s22] =	ssyncset.done $0x0  }
0xa1: {  	[sflag:s22] =	ssyncadd.s32 s5;
	_ =	sdelay $0x1  }
0xa2: {  	s23 =	simm.s32 $0x1B8B  }
0xa3: {  	_ =	swait.ge [sflag:s23], $0x1  }
0xa4: {  	[sflag:s23] =	ssyncset.done $0x0  }
0xa5: {  	s25 =	simm.s32 $0x1B8E;
	s24 =	sld [smem:$0x3FFE];
	[sflag:s23] =	ssyncadd.s32 $0xFFFFFFFF  }
0xa6: {  	s26 =	simm.s32 $execute0_lowered;
	[smem:$0x3FD2] =	sst s25  }
0xa7: {  	s6 =	sshll.u32 s26, $0x1;
	_ =	strace $0x80000046;
	[dreg:$0x1] =	wrdreg $0xFFFFFFFF  }
0xa8: {  	s28 =	simm.s32 $_size_execute0_lowered;
	s4 =	sadd.s32 s4, s6;
	[dreg:$0x0] =	wrdreg $0x0  }
0xa9: {  	s6 =	sshll.u32 s28, $0x1;
	[dreg:$0x2] =	wrdreg s4  }
0xaa: {  	[dreg:$0x3] =	wrdreg s6  }
0xab: {  	[dreg:$0x4] =	wrdreg $0xC0  }
0xac: {  	_ =	task [dreg:s8], $0x5FFFF  }
0xad: {  	[dreg:$0x1] =	wrdreg $0xFFFFFFFF  }
0xae: {  	[dreg:$0x0] =	wrdreg $0x60  }
0xaf: {  	[dreg:$0x2] =	wrdreg s2  }
0xb0: {  	[dreg:$0x3] =	wrdreg s18  }
0xb1: {  	[dreg:$0x4] =	wrdreg s24  }
0xb2: {  	[dreg:$0x5] =	wrdreg $0x0  }
0xb3: {  	[dreg:$0x6] =	wrdreg $0x9  }
0xb4: {  	_ =	task.clear_ibuf [dreg:s8], $0x7FFFF;
	_ =	strace $0x90000046  }
0xb5: {  	s29 =	simm.s32 $0x9;
	_ =	strace $0x80000048  }
0xb6: {  	_ =	swait.ge [sflag:s29], $0x1  }
0xb7: {  	[sflag:s29] =	ssyncadd.s32 $0xFFFFFFFF  }
0xb8: {  	_ =	strace $0x90000048  }
0xb9: {  	_ =	sfence  }
0xba: {  	s30 =	sld [smem:$0x0];
	_ =	sdelay $0x2  }
0xbb: {  	s31 =	sshll.u32 s1, $0xD;
	s1 =	sshrl.u32 s1, $0x2  }
0xbc: {  	s3 =	sand.u32 $0x4000, s31;
	s1 =	sadd.s32 s1, s30  }
0xbd: {  	s0 =	sor.u32 s3, s0;
	s1 =	sshll.u32 s1, $0x11  }
0xbe: {  	s0 =	sor.u32 s1, s0  }
0xbf: {  	s0 =	sadd.s32 $0x8F2B, s0  }
0xc0: {  	[sflag:s0] =	ssyncadd.remote.s32 $0x1  }
0xc1: {  	_ =	sfence.sel $0xFFFF  }
0xc2: {  	[dreg:$0x0] =	wrdreg $0xFFFFFFFF;
	(pc) =	sbr.abs _section_cstart, $3  }
0xc3: {  	[dreg:$0x1] =	wrdreg $0xFFFFFFFF  }
0xc4: {  	_ =	task.clear_ibuf [dreg:s8], $0x2FFFF;
	_ =	strace $0x9FFFFFFF  }
0xc5: {  	(tm) =	ssettm $0x7FFFFFFF  }
tec
execute0_lowered:
.L_overlay_start_1:
0x0: {  	(tag) =	ssettag $0x1  }
0x1: {  	s1 =	rddreg [dreg:$0x0]  }
0x2: {  	s0 =	rddreg [dreg:$0x1]  }
0x3: {  	s2 =	rddreg [dreg:$0x2]  }
0x4: {  	s3 =	rddreg [dreg:$0x3]  }
0x5: {  	s4 =	simm.s32 $0x0;
	s11 =	stileid.u32;
	s5 =	srdreg.scid  }
0x6: {  	s28 =	simm.s32 $0x138C0;
	s29 =	simm.s32 $0x15B80;
	s30 =	simm.s32 $0x13900  }
0x7: {  	s31 =	simm.s32 $0x5;
	[smem:$0x7FF] =	sst s4;
	s6 =	smul.u32 $0x271, s11  }
0x8: {  	s7 =	sand.u32 $0x1, s5;
	s5 =	sadd.s32 $0xA00, s2;
	_ =	strace $0x80000047  }
0x9: {  	s8 =	sshll.u32 s7, $0x4;
	s10 =	smul.u32 $0x138800, s7;
	s7 =	ssub.s32 $0x2, s7  }
0xa: {  	s6 =	sshrl.u32 s6, $0x3;
	s8 =	sor.u32 s11, s8;
	s11 =	sshll.u32 s11, $0x7  }
0xb: {  	s25 =	sshrl.u32 s7, $0x1;
	s9 =	sshll.u32 s6, $0x7;
	s8 =	sshrl.u32 s8, $0x3  }
0xc: {  	s6 =	sshll.u32 s6, $0xA;
	s12 =	sand.u32 $0x380, s11;
	s7 =	ssub.s32 s7, s25  }
0xd: {  	s20 =	sor.u32 $0xC00, s11;
	s11 =	simm.s32 $0x9;
	s8 =	smul.u32 $0x13C00, s8  }
0xe: {  	s9 =	sadd.s32 s9, s2;
	s10 =	sadd.s32 s10, s6;
	s6 =	sadd.s32 s6, s3  }
0xf: {  	s10 =	sshrl.u32 s10, $0x3;
	[dreg:$0xc] =	wrdreg s6;
	s9 =	sadd.s32 $0xA800, s9  }
0x10: {  	s12 =	sor.u32 s12, s8;
	s2 =	sadd.s32 s10, s2;
	[dreg:$0xe] =	wrdreg s9  }
0x11: {  	s8 =	sadd.s32 s8, s20;
	s13 =	sshrl.u32 s12, $0x3;
	s14 =	sadd.s32 $0x400, s12  }
0x12: {  	s15 =	sadd.s32 $0x800, s12;
	s17 =	sadd.s32 $0x13400, s12;
	s19 =	sadd.s32 $0x13000, s12  }
0x13: {  	s22 =	sadd.s32 $0x1000, s12;
	s23 =	sadd.s32 $0x13800, s12;
	s8 =	sshrl.u32 s8, $0x3  }
0x14: {  	s2 =	sadd.s32 $0x31A00, s2;
	s12 =	simm.s32 $0x13940;
	s26 =	sadd.s32 s0, s13  }
0x15: {  	s13 =	sadd.s32 s5, s13;
	s10 =	sshrl.u32 s14, $0x3;
	[dreg:$0xa] =	wrdreg s15  }
0x16: {  	s16 =	sshrl.u32 s15, $0x3;
	s9 =	sshrl.u32 s19, $0x3;
	[dreg:$0x16] =	wrdreg s2  }
0x17: {  	s25 =	sadd.s32 s8, s5;
	s2 =	simm.s32 $0x3;
	[dreg:$0x8] =	wrdreg s26  }
0x18: {  	s15 =	simm.s32 $0x4;
	s19 =	simm.s32 $0x0;
	[dreg:$0x9] =	wrdreg s13  }
0x19: {  	s14 =	sadd.s32 s0, s10;
	[dreg:$0xd] =	wrdreg s16;
	s6 =	sadd.s32 s0, s16  }
0x1a: {  	s18 =	sadd.s32 s5, s10;
	s9 =	sadd.s32 s5, s9;
	[dreg:$0x6] =	wrdreg s25  }
0x1b: {  	s26 =	smax.u32 s7, $0x1;
	s25 =	simm.s32 $0x40;
	[dreg:$0xb] =	wrdreg s14  }
0x1c: {  	s7 =	simm.s32 $0x2;
	s10 =	simm.s32 $0x17B80;
	[dreg:$0xf] =	wrdreg s6  }
0x1d: {  	s13 =	simm.s32 $0x19B80;
	s16 =	simm.s32 $0x1;
	[dreg:$0x10] =	wrdreg s18  }
0x1e: {  	s6 =	sshrl.u32 s17, $0x3;
	[dreg:$0x12] =	wrdreg s9;
	s9 =	sshrl.u32 s23, $0x3  }
0x1f: {  	[dreg:$0x17] =	wrdreg s26;
	s23 =	simm.s32 $0xB;
	s21 =	sadd.s32 s0, s6  }
0x20: {  	s26 =	simm.s32 $0x13B80;
	s6 =	sadd.s32 s5, s6;
	[dreg:$0x11] =	wrdreg s21  }
0x21: {  	s14 =	simm.s32 $0x6;
	s24 =	sadd.s32 s0, s9;
	[dreg:$0x13] =	wrdreg s6  }
0x22: {  	s17 =	simm.s32 $0xA;
	s9 =	sadd.s32 s5, s9;
	[dreg:$0x14] =	wrdreg s24  }
0x23: {  	s6 =	sshrl.u32 s22, $0x3;
	[dreg:$0x15] =	wrdreg s9;
	s22 =	simm.s32 $0x13880  }
0x24: {  	s24 =	simm.s32 $0x13980;
	s9 =	simm.s32 $0x13A00;
	s6 =	sadd.s32 s6, s0  }
0x25: {  	s0 =	sadd.s32 s8, s0;
	s8 =	simm.s32 $0x8;
	[dreg:$0x5] =	wrdreg s6  }
0x26: {  	[dreg:$0x7] =	wrdreg s0;
	s0 =	simm.s32 $0x7;
	s6 =	simm.s32 $0x80  }
.LBB2_1:
0x27: {  	[dreg:$0x18] =	wrdreg s19  }
0x28: {  	s18 =	rddreg [dreg:$0x8]  }
0x29: {  	[tilespmem:s22], [sflag:$0xB] =	stream.linear.gather [hbm4b:s18+s4], $0x80, $0x38;
	[tilespmem:$0x1BB80] =	vst v63  }
0x2a: {  	_ =	swait.ge [sflag:s23], $0x80  }
0x2b: {  	s19 =	stileid.u32;
	[sflag:s23] =	ssyncset.done $0x0;
	s20 =	rddreg [dreg:$0x9]  }
0x2c: {  	s18 =	sshll.u32 s19, $0x6;
	s21 =	rddreg [dreg:$0xb];
	[sflag:s23] =	ssyncadd.s32 $0xFFFFFF80  }
0x2d: {  	[tilespmem:s24], [sflag:$0x3] =	stream.linear.gather [hbm4b:s20+s4], $0x80, $0x38;
	[tilespmem:$0x1BB80] =	vst v63  }
0x2e: {  	s19 =	sor.u32 $0x1C0B, s18;
	s20 =	rddreg [dreg:$0xc]  }
0x2f: {  	[tilespmem:s26], [sflag:$0x5] =	stream.indirect.gather [hbm4b:s1+s25], $0x80, s22, s25, $0xb8;
	[tilespmem:$0x1BB80] =	vst v63  }
0x30: {  	[dreg:$0x19] =	wrdreg s19;
	s20 =	sshrl.u32 s20, $0x3  }
0x31: {  	[tilespmem:s29], [sflag:$0x7] =	stream.indirect.gather [hbm4b:s1+s25], $0x80, s28, s25, $0xb8;
	[tilespmem:$0x1BB80] =	vst v63  }
0x32: {  	[dreg:$0x1a] =	wrdreg s20  }
0x33: {  	[tilespmem:s30], [sflag:$0x2] =	stream.linear.gather [hbm4b:s21+s4], $0x80, $0x38;
	[tilespmem:$0x1BB80] =	vst v63  }
0x34: {  	s21 =	rddreg [dreg:$0xe]  }
0x35: {  	[spmem:s20], [sflag:s19] =	dma.local [hbm:s21], $0x2780  }
0x36: {  	_ =	swait.ge [sflag:s23], $0x2780  }
0x37: {  	[sflag:s23] =	ssyncset.done $0x0  }
0x38: {  	[sflag:s23] =	ssyncadd.s32 $0xFFFFD880  }
0x39: {  	[bflag:$0x0] =	sbarrier.arrive $0xFFFF  }
0x3a: {  	_ =	swait.ge [sflag:s31], $0x2000  }
0x3b: {  	[sflag:s31] =	ssyncset.done $0x0  }
0x3c: {  	[sflag:s31] =	ssyncadd.s32 $0xFFFFE000  }
0x3d: {  	_ =	swait.ge [sflag:s0], $0x2000  }
0x3e: {  	[sflag:s0] =	ssyncset.done $0x0  }
0x3f: {  	s21 =	rddreg [dreg:$0xf];
	[sflag:s0] =	ssyncadd.s32 $0xFFFFE000  }
0x40: {  	[tilespmem:s22], [sflag:$0x1] =	stream.linear.gather [hbm4b:s21+s4], $0x80, $0x38;
	[tilespmem:$0x1BB80] =	vst v63  }
0x41: {  	_ =	swait.ge [sflag:s2], $0x80  }
0x42: {  	[sflag:s2] =	ssyncset.done $0x0  }
0x43: {  	[sflag:s2] =	ssyncadd.s32 $0xFFFFFF80  }
0x44: {  	[spmem:s3] =	stream.indirect.scatter.add.f32 [tilespmem:s26], [sflag:$0x9], $0x80, s24, s6, $0xb8;
	[tilespmem:$0x1BB80] =	vst v63  }
0x45: {  	_ =	swait.ge [sflag:s7], $0x80  }
0x46: {  	[sflag:s7] =	ssyncset.done $0x0  }
0x47: {  	s19 =	rddreg [dreg:$0x10];
	[sflag:s7] =	ssyncadd.s32 $0xFFFFFF80  }
0x48: {  	[tilespmem:s9], [sflag:$0x4] =	stream.linear.gather [hbm4b:s19+s4], $0x80, $0x38;
	[tilespmem:$0x1BB80] =	vst v63  }
0x49: {  	_ = 	snop  }
0x4a: {  	[tilespmem:s10], [sflag:$0x6] =	stream.indirect.gather [hbm4b:s1+s25], $0x80, s30, s25, $0xb8;
	[tilespmem:$0x1BB80] =	vst v63  }
0x4b: {  	_ = 	snop  }
0x4c: {  	[tilespmem:s13], [sflag:$0x8] =	stream.indirect.gather [hbm4b:s1+s25], $0x80, s12, s25, $0xb8;
	[tilespmem:$0x1BB80] =	vst v63  }
0x4d: {  	_ =	swait.ge [sflag:s14], $0x2000  }
0x4e: {  	[sflag:s14] =	ssyncset.done $0x0  }
0x4f: {  	[sflag:s14] =	ssyncadd.s32 $0xFFFFE000  }
0x50: {  	_ =	swait.ge [sflag:s8], $0x2000  }
0x51: {  	s20 =	rddreg [dreg:$0x7];
	[sflag:s8] =	ssyncset.done $0x0  }
0x52: {  	[sflag:s8] =	ssyncadd.s32 $0xFFFFE000;
	s18 =	sadd.s32 $0x0, s20  }
0x53: {  	[tilespmem:s30], [sflag:$0x2] =	stream.linear.gather [hbm4b:s18+s4], $0x80, $0x38;
	[tilespmem:$0x1BB80] =	vst v63  }
0x54: {  	_ =	swait.ge [sflag:s15], $0x80  }
0x55: {  	[sflag:s15] =	ssyncset.done $0x0  }
0x56: {  	[sflag:s15] =	ssyncadd.s32 $0xFFFFFF80  }
0x57: {  	[spmem:s3] =	stream.indirect.scatter.add.f32 [tilespmem:s10], [sflag:$0xA], $0x80, s9, s6, $0xb8;
	[tilespmem:$0x1BB80] =	vst v63  }
0x58: {  	_ =	swait.ge [sflag:s16], $0x80  }
0x59: {  	[sflag:s16] =	ssyncset.done $0x0  }
0x5a: {  	[sflag:s16] =	ssyncadd.s32 $0xFFFFFF80  }
0x5b: {  	_ =	swait.ge [sflag:s11], $0x4000  }
0x5c: {  	[sflag:s11] =	ssyncset.done $0x0;
	s21 =	rddreg [dreg:$0xd]  }
0x5d: {  	[sflag:s11] =	ssyncadd.s32 $0xFFFFC000;
	s18 =	sadd.s32 s5, s21  }
0x5e: {  	[tilespmem:s24], [sflag:$0x3] =	stream.linear.gather [hbm4b:s18+s4], $0x80, $0x38;
	[tilespmem:$0x1BB80] =	vst v63  }
0x5f: {  	_ = 	snop  }
0x60: {  	[tilespmem:s26], [sflag:$0x5] =	stream.indirect.gather [hbm4b:s1+s25], $0x80, s22, s25, $0xb8;
	[tilespmem:$0x1BB80] =	vst v63  }
0x61: {  	_ = 	snop  }
0x62: {  	[tilespmem:s29], [sflag:$0x7] =	stream.indirect.gather [hbm4b:s1+s25], $0x80, s28, s25, $0xb8;
	[tilespmem:$0x1BB80] =	vst v63  }
0x63: {  	_ =	swait.ge [sflag:s31], $0x2000  }
0x64: {  	[sflag:s31] =	ssyncset.done $0x0  }
0x65: {  	[sflag:s31] =	ssyncadd.s32 $0xFFFFE000  }
0x66: {  	_ =	swait.ge [sflag:s0], $0x2000  }
0x67: {  	s19 =	rddreg [dreg:$0x5];
	[sflag:s0] =	ssyncset.done $0x0  }
0x68: {  	[sflag:s0] =	ssyncadd.s32 $0xFFFFE000;
	s18 =	sadd.s32 $0x0, s19  }
0x69: {  	[tilespmem:s22], [sflag:$0x1] =	stream.linear.gather [hbm4b:s18+s4], $0x80, $0x38;
	[tilespmem:$0x1BB80] =	vst v63  }
0x6a: {  	_ =	swait.ge [sflag:s2], $0x80  }
0x6b: {  	[sflag:s2] =	ssyncset.done $0x0  }
0x6c: {  	[sflag:s2] =	ssyncadd.s32 $0xFFFFFF80  }
0x6d: {  	[spmem:s3] =	stream.indirect.scatter.add.f32 [tilespmem:s26], [sflag:$0x9], $0x80, s24, s6, $0xb8;
	[tilespmem:$0x1BB80] =	vst v63  }
0x6e: {  	_ =	swait.ge [sflag:s7], $0x80  }
0x6f: {  	[sflag:s7] =	ssyncset.done $0x0  }
0x70: {  	[sflag:s7] =	ssyncadd.s32 $0xFFFFFF80  }
0x71: {  	_ =	swait.ge [sflag:s17], $0x4000  }
0x72: {  	s20 =	rddreg [dreg:$0x6];
	[sflag:s17] =	ssyncset.done $0x0  }
0x73: {  	s21 =	rddreg [dreg:$0xa];
	[sflag:s17] =	ssyncadd.s32 $0xFFFFC000;
	s18 =	sadd.s32 $0x0, s20  }
0x74: {  	[tilespmem:s9], [sflag:$0x4] =	stream.linear.gather [hbm4b:s18+s4], $0x80, $0x38;
	[tilespmem:$0x1BB80] =	vst v63  }
0x75: {  	s20 =	simm.s32 $0x100;
	s18 =	sadd.s32 $0x800, s21  }
0x76: {  	[tilespmem:s10], [sflag:$0x6] =	stream.indirect.gather [hbm4b:s1+s25], $0x80, s30, s25, $0xb8;
	[tilespmem:$0x1BB80] =	vst v63  }
.LBB2_2:
0x77: {  	[tilespmem:s13], [sflag:$0x8] =	stream.indirect.gather [hbm4b:s1+s25], $0x80, s12, s25, $0xb8;
	[tilespmem:$0x1BB80] =	vst v63  }
0x78: {  	_ =	swait.ge [sflag:s14], $0x2000  }
0x79: {  	[sflag:s14] =	ssyncset.done $0x0  }
0x7a: {  	[sflag:s14] =	ssyncadd.s32 $0xFFFFE000  }
0x7b: {  	_ =	swait.ge [sflag:s8], $0x2000  }
0x7c: {  	s19 =	smov.u32 s20;
	s21 =	rddreg [dreg:$0x7];
	[sflag:s8] =	ssyncset.done $0x0  }
0x7d: {  	[sflag:s8] =	ssyncadd.s32 $0xFFFFE000;
	s21 =	sadd.s32 s19, s21  }
0x7e: {  	[tilespmem:s30], [sflag:$0x2] =	stream.linear.gather [hbm4b:s21+s4], $0x80, $0x38;
	[tilespmem:$0x1BB80] =	vst v63  }
0x7f: {  	_ =	swait.ge [sflag:s15], $0x80  }
0x80: {  	[sflag:s15] =	ssyncset.done $0x0  }
0x81: {  	[sflag:s15] =	ssyncadd.s32 $0xFFFFFF80  }
0x82: {  	[spmem:s3] =	stream.indirect.scatter.add.f32 [tilespmem:s10], [sflag:$0xA], $0x80, s9, s6, $0xb8;
	[tilespmem:$0x1BB80] =	vst v63  }
0x83: {  	_ =	swait.ge [sflag:s16], $0x80  }
0x84: {  	[sflag:s16] =	ssyncset.done $0x0  }
0x85: {  	[sflag:s16] =	ssyncadd.s32 $0xFFFFFF80  }
0x86: {  	_ =	swait.ge [sflag:s11], $0x4000  }
0x87: {  	s21 =	sshrl.u32 s18, $0x3;
	[sflag:s11] =	ssyncset.done $0x0  }
0x88: {  	s21 =	sadd.s32 s5, s21;
	[sflag:s11] =	ssyncadd.s32 $0xFFFFC000  }
0x89: {  	[tilespmem:s24], [sflag:$0x3] =	stream.linear.gather [hbm4b:s21+s4], $0x80, $0x38;
	[tilespmem:$0x1BB80] =	vst v63  }
0x8a: {  	_ = 	snop  }
0x8b: {  	[tilespmem:s26], [sflag:$0x5] =	stream.indirect.gather [hbm4b:s1+s25], $0x80, s22, s25, $0xb8;
	[tilespmem:$0x1BB80] =	vst v63  }
0x8c: {  	_ = 	snop  }
0x8d: {  	[tilespmem:s29], [sflag:$0x7] =	stream.indirect.gather [hbm4b:s1+s25], $0x80, s28, s25, $0xb8;
	[tilespmem:$0x1BB80] =	vst v63  }
0x8e: {  	_ =	swait.ge [sflag:s31], $0x2000  }
0x8f: {  	[sflag:s31] =	ssyncset.done $0x0  }
0x90: {  	[sflag:s31] =	ssyncadd.s32 $0xFFFFE000  }
0x91: {  	_ =	swait.ge [sflag:s0], $0x2000  }
0x92: {  	s21 =	rddreg [dreg:$0x5];
	[sflag:s0] =	ssyncset.done $0x0  }
0x93: {  	[sflag:s0] =	ssyncadd.s32 $0xFFFFE000;
	s21 =	sadd.s32 s19, s21  }
0x94: {  	[tilespmem:s22], [sflag:$0x1] =	stream.linear.gather [hbm4b:s21+s4], $0x80, $0x38;
	[tilespmem:$0x1BB80] =	vst v63  }
0x95: {  	_ =	swait.ge [sflag:s2], $0x80  }
0x96: {  	[sflag:s2] =	ssyncset.done $0x0  }
0x97: {  	[sflag:s2] =	ssyncadd.s32 $0xFFFFFF80  }
0x98: {  	[spmem:s3] =	stream.indirect.scatter.add.f32 [tilespmem:s26], [sflag:$0x9], $0x80, s24, s6, $0xb8;
	[tilespmem:$0x1BB80] =	vst v63  }
0x99: {  	_ =	swait.ge [sflag:s7], $0x80  }
0x9a: {  	[sflag:s7] =	ssyncset.done $0x0  }
0x9b: {  	[sflag:s7] =	ssyncadd.s32 $0xFFFFFF80  }
0x9c: {  	p0 =	sne.s32 s20, $0x2400;
	_ =	swait.ge [sflag:s17], $0x4000  }
.Ltmp0:
0x9d: {  	s21 =	rddreg [dreg:$0x6];
	[sflag:s17] =	ssyncset.done $0x0;
	(pc) =	sbr.rel @p0 .LBB2_2-.Ltmp0, $4  }
0x9e: {  	[sflag:s17] =	ssyncadd.s32 $0xFFFFC000;
	s19 =	sadd.s32 s19, s21  }
0x9f: {  	[tilespmem:s9], [sflag:$0x4] =	stream.linear.gather [hbm4b:s19+s4], $0x80, $0x38;
	[tilespmem:$0x1BB80] =	vst v63  }
0xa0: {  	s20 =	sadd.s32 $0x100, s20;
	s18 =	sadd.s32 $0x800, s18  }
0xa1: {  	[tilespmem:s10], [sflag:$0x6] =	stream.indirect.gather [hbm4b:s1+s25], $0x80, s30, s25, $0xb8;
	[tilespmem:$0x1BB80] =	vst v63  }
0xa2: {  	[tilespmem:s13], [sflag:$0x8] =	stream.indirect.gather [hbm4b:s1+s25], $0x80, s12, s25, $0xb8;
	[tilespmem:$0x1BB80] =	vst v63  }
0xa3: {  	_ =	swait.ge [sflag:s14], $0x2000  }
0xa4: {  	[sflag:s14] =	ssyncset.done $0x0  }
0xa5: {  	[sflag:s14] =	ssyncadd.s32 $0xFFFFE000  }
0xa6: {  	_ =	swait.ge [sflag:s8], $0x2000  }
0xa7: {  	[sflag:s8] =	ssyncset.done $0x0  }
0xa8: {  	s18 =	rddreg [dreg:$0x11];
	[sflag:s8] =	ssyncadd.s32 $0xFFFFE000  }
0xa9: {  	[tilespmem:s30], [sflag:$0x2] =	stream.linear.gather [hbm4b:s18+s4], $0x80, $0x38;
	[tilespmem:$0x1BB80] =	vst v63  }
0xaa: {  	_ =	swait.ge [sflag:s15], $0x80  }
0xab: {  	[sflag:s15] =	ssyncset.done $0x0  }
0xac: {  	[sflag:s15] =	ssyncadd.s32 $0xFFFFFF80  }
0xad: {  	[spmem:s3] =	stream.indirect.scatter.add.f32 [tilespmem:s10], [sflag:$0xA], $0x80, s9, s6, $0xb8;
	[tilespmem:$0x1BB80] =	vst v63  }
0xae: {  	_ =	swait.ge [sflag:s16], $0x80  }
0xaf: {  	[sflag:s16] =	ssyncset.done $0x0  }
0xb0: {  	[sflag:s16] =	ssyncadd.s32 $0xFFFFFF80  }
0xb1: {  	_ =	swait.ge [sflag:s11], $0x4000  }
0xb2: {  	[sflag:s11] =	ssyncset.done $0x0  }
0xb3: {  	s21 =	rddreg [dreg:$0x12];
	[sflag:s11] =	ssyncadd.s32 $0xFFFFC000  }
0xb4: {  	[tilespmem:s24], [sflag:$0x3] =	stream.linear.gather [hbm4b:s21+s4], $0x80, $0x38;
	[tilespmem:$0x1BB80] =	vst v63  }
0xb5: {  	_ = 	snop  }
0xb6: {  	[tilespmem:s26], [sflag:$0x5] =	stream.indirect.gather [hbm4b:s1+s25], $0x80, s22, s25, $0xb8;
	[tilespmem:$0x1BB80] =	vst v63  }
0xb7: {  	_ = 	snop  }
0xb8: {  	[tilespmem:s29], [sflag:$0x7] =	stream.indirect.gather [hbm4b:s1+s25], $0x80, s28, s25, $0xb8;
	[tilespmem:$0x1BB80] =	vst v63  }
0xb9: {  	_ =	swait.ge [sflag:s31], $0x2000  }
0xba: {  	[sflag:s31] =	ssyncset.done $0x0  }
0xbb: {  	[sflag:s31] =	ssyncadd.s32 $0xFFFFE000  }
0xbc: {  	_ =	swait.ge [sflag:s0], $0x2000  }
0xbd: {  	[sflag:s0] =	ssyncset.done $0x0  }
0xbe: {  	[sflag:s0] =	ssyncadd.s32 $0xFFFFE000  }
0xbf: {  	_ =	swait.ge [sflag:s2], $0x80  }
0xc0: {  	[sflag:s2] =	ssyncset.done $0x0  }
0xc1: {  	[sflag:s2] =	ssyncadd.s32 $0xFFFFFF80  }
0xc2: {  	[spmem:s3] =	stream.indirect.scatter.add.f32 [tilespmem:s26], [sflag:$0x9], $0x80, s24, s6, $0xb8;
	[tilespmem:$0x1BB80] =	vst v63  }
0xc3: {  	_ =	swait.ge [sflag:s7], $0x80  }
0xc4: {  	[sflag:s7] =	ssyncset.done $0x0  }
0xc5: {  	[sflag:s7] =	ssyncadd.s32 $0xFFFFFF80  }
0xc6: {  	_ =	swait.ge [sflag:s17], $0x4000  }
0xc7: {  	[sflag:s17] =	ssyncset.done $0x0  }
0xc8: {  	s19 =	rddreg [dreg:$0x13];
	[sflag:s17] =	ssyncadd.s32 $0xFFFFC000  }
0xc9: {  	[tilespmem:s9], [sflag:$0x4] =	stream.linear.gather [hbm4b:s19+s4], $0x80, $0x38;
	[tilespmem:$0x1BB80] =	vst v63  }
0xca: {  	_ = 	snop  }
0xcb: {  	[tilespmem:s10], [sflag:$0x6] =	stream.indirect.gather [hbm4b:s1+s25], $0x80, s30, s25, $0xb8;
	[tilespmem:$0x1BB80] =	vst v63  }
0xcc: {  	_ = 	snop  }
0xcd: {  	[tilespmem:s13], [sflag:$0x8] =	stream.indirect.gather [hbm4b:s1+s25], $0x80, s12, s25, $0xb8;
	[tilespmem:$0x1BB80] =	vst v63  }
0xce: {  	_ =	swait.ge [sflag:s14], $0x2000  }
0xcf: {  	[sflag:s14] =	ssyncset.done $0x0  }
0xd0: {  	[sflag:s14] =	ssyncadd.s32 $0xFFFFE000  }
0xd1: {  	_ =	swait.ge [sflag:s8], $0x2000  }
0xd2: {  	[sflag:s8] =	ssyncset.done $0x0  }
0xd3: {  	[sflag:s8] =	ssyncadd.s32 $0xFFFFE000  }
0xd4: {  	_ =	swait.ge [sflag:s15], $0x80  }
0xd5: {  	[sflag:s15] =	ssyncset.done $0x0  }
0xd6: {  	[sflag:s15] =	ssyncadd.s32 $0xFFFFFF80  }
0xd7: {  	[spmem:s3] =	stream.indirect.scatter.add.f32 [tilespmem:s10], [sflag:$0xA], $0x80, s9, s6, $0xb8;
	[tilespmem:$0x1BB80] =	vst v63  }
0xd8: {  	_ =	swait.ge [sflag:s11], $0x4000  }
0xd9: {  	[sflag:s11] =	ssyncset.done $0x0  }
0xda: {  	[sflag:s11] =	ssyncadd.s32 $0xFFFFC000  }
0xdb: {  	_ =	swait.ge [sflag:s17], $0x4000  }
0xdc: {  	[sflag:s17] =	ssyncset.done $0x0  }
0xdd: {  	s19 =	simm.s32 $0x13A80;
	s20 =	rddreg [dreg:$0x14];
	[sflag:s17] =	ssyncadd.s32 $0xFFFFC000  }
0xde: {  	[tilespmem:s19], [sflag:$0xB] =	stream.linear.gather [hbm4b:s20+s4], $0x10, $0x38;
	[tilespmem:$0x1BB80] =	vst v63  }
0xdf: {  	_ =	swait.ge [sflag:s23], $0x10  }
0xe0: {  	[sflag:s23] =	ssyncset.done $0x0  }
0xe1: {  	s20 =	simm.s32 $0x13B00;
	s21 =	rddreg [dreg:$0x15];
	[sflag:s23] =	ssyncadd.s32 $0xFFFFFFF0  }
0xe2: {  	[tilespmem:s20], [sflag:$0xB] =	stream.linear.gather [hbm4b:s21+s4], $0x10, $0x38;
	[tilespmem:$0x1BB80] =	vst v63  }
0xe3: {  	_ =	swait.ge [sflag:s23], $0x10  }
0xe4: {  	[sflag:s23] =	ssyncset.done $0x0  }
0xe5: {  	s21 =	simm.s32 $0x10;
	[sflag:s23] =	ssyncadd.s32 $0xFFFFFFF0  }
0xe6: {  	[tilespmem:s26], [sflag:$0xB] =	stream.indirect.gather [hbm4b:s1+s21], $0x80, s19, s21, $0xb8;
	[tilespmem:$0x1BB80] =	vst v63  }
0xe7: {  	_ =	swait.ge [sflag:s23], $0x800  }
0xe8: {  	[sflag:s23] =	ssyncset.done $0x0  }
0xe9: {  	[sflag:s23] =	ssyncadd.s32 $0xFFFFF800  }
0xea: {  	[spmem:s3] =	stream.indirect.scatter.add.f32 [tilespmem:s26], [sflag:$0xB], $0x80, s20, s21, $0xb8;
	[tilespmem:$0x1BB80] =	vst v63  }
0xeb: {  	_ =	swait.ge [sflag:s23], $0x800  }
0xec: {  	[sflag:s23] =	ssyncset.done $0x0  }
0xed: {  	[sflag:s23] =	ssyncadd.s32 $0xFFFFF800  }
0xee: {  	[bflag:$0x0] =	sbarrier.arrive $0xFFFF  }
0xef: {  	s19 =	rddreg [dreg:$0x16]  }
0xf0: {  	s20 =	rddreg [dreg:$0x19]  }
0xf1: {  	s21 =	rddreg [dreg:$0x1a]  }
0xf2: {  	[hbm:s19], [sflag:s20] =	dma.local [spmem:s21], $0x2780  }
0xf3: {  	_ =	swait.ge [sflag:s23], $0x2780  }
0xf4: {  	s20 =	rddreg [dreg:$0x18]  }
0xf5: {  	s21 =	rddreg [dreg:$0x17];
	s19 =	sadd.s32 $0x1, s20  }
0xf6: {  	p0 =	sne.s32 s19, s21  }
.Ltmp1:
0xf7: {  	_ = 	snop;
	(pc) =	sbr.rel @p0 .LBB2_1-.Ltmp1, $3  }
0xf8: {  	_ =	sdelay $0x1  }
0xf9: {  	[sflag:s23] =	ssyncset.done $0x0  }
0xfa: {  	[sflag:s23] =	ssyncadd.s32 $0xFFFFD880  }
0xfb: {  	_ =	sfence.sel $0x180000  }
0xfc: {  	[bflag:$0x0] =	sbarrier.arrive $0xFFFF  }
0xfd: {  	_ =	strace $0x90000047  }
0xfe: {  	s0 =	stileid.u32;
	[bflag:$0x2] =	sbarrier.arrive $0xFFFF  }
0xff: {  	p0 =	sne.s32 s0, $0x0;
	s0 =	rddreg [dreg:$0x4]  }
0x100: {  	s0 =	sadd.s32 @!p0 $0x100000, s0  }
0x101: {  	[sflag:s0] =	ssyncadd.tile.s32 @!p0 $0x1;
	_ =	shalt  }
.Lfunc_end2:
_tile_overlayer_lowered:
.L_overlay_start_2:
0x102: {  	(tag) =	ssettag $0x2  }
0x103: {  	s0 =	rddreg [dreg:$0x0];
	s2 =	stileid.u32  }
0x104: {  	s1 =	rddreg [dreg:$0x1];
	p0 =	sne.s32 s2, $0x0  }
0x105: {  	s3 =	rddreg [dreg:$0x2];
	[bflag:$0x3] =	sbarrier.arrive $0xFFFF;
	s2 =	simm.s32 @!p0 $0x1C0B  }
0x106: {  	[timem:s3], [sflag:s2] =	dma.local @!p0 [hbm:s0], s1  }
0x107: {  	s0 =	simm.s32 @!p0 $0xB  }
0x108: {  	_ =	swait.ge @!p0 [sflag:s0], s1  }
0x109: {  	s1 =	ssub.s32 @!p0 $0x0, s1;
	[sflag:s0] =	ssyncset.done @!p0 $0x0  }
0x10a: {  	[sflag:s0] =	ssyncadd.s32 @!p0 s1  }
0x10b: {  	[bflag:$0x3] =	sbarrier.arrive $0xFFFF  }
0x10c: {  	_ =	shalt  }

</sc_bundles>
